<compile_context>
chip_gen: v7x
topology: tpu7x:2x2x1
jax: 0.10.2.dev20260603
libtpu: 0.0.44.dev20260713+nightly
codegen_flags: <defaults>
</compile_context>

<pallas_src>
import functools

import jax
import jax.numpy as jnp
from jax import lax
from jax.experimental import pallas as pl
from jax.experimental.pallas import tpu as pltpu
from jax.experimental.pallas import tpu_sc as plsc

N = 10000
NP = 10240
D = 128
G = 64
NC, NS = 2, 16
NW = NC * NS
B = 128
ROWS_PER_W = NP // NS
R = 1024
NBLK = NP // R


@functools.cache
def _mesh():
    return plsc.VectorSubcoreMesh(
        core_axis_name="c", subcore_axis_name="s",
        num_cores=NC, num_subcores=NS)


def _sc_spmm_body(table, src_i, dst_i, out_acc,
                  srcv, dstv, rows, zbuf, sem, acc_sh):
    cid = lax.axis_index("c")
    sid = lax.axis_index("s")
    wid = cid * NS + sid
    base = sid * ROWS_PER_W
    zero16 = jnp.zeros((16,), jnp.float32)

    def zrow(i, c):
        for k in range(8):
            zbuf[i, pl.ds(k * 16, 16)] = zero16
        return c
    lax.fori_loop(0, 64, zrow, 0)

    def zacc(k, c):
        pltpu.sync_copy(zbuf, acc_sh.at[pl.ds(base + k * 64, 64)])
        return c
    lax.fori_loop(0, ROWS_PER_W // 64, zacc, 0)

    pltpu.sync_copy(src_i.at[wid], srcv)
    pltpu.sync_copy(dst_i.at[wid], dstv)
    plsc.subcore_barrier()

    nb = srcv.shape[0]

    def step(j, c):
        pltpu.async_copy(table.at[srcv.at[j]], rows, sem).wait()
        pltpu.sync_copy(rows, acc_sh.at[dstv.at[j]], add=True)
        return c
    lax.fori_loop(0, nb, step, 0)

    plsc.subcore_barrier()

    def cout(k, c):
        pltpu.sync_copy(acc_sh.at[pl.ds(base + k * 64, 64)], zbuf)
        pltpu.sync_copy(zbuf, out_acc.at[cid, pl.ds(base + k * 64, 64)])
        return c
    lax.fori_loop(0, ROWS_PER_W // 64, cout, 0)


def _make_sc_spmm(nb):
    return pl.kernel(
        _sc_spmm_body,
        out_type=[jax.ShapeDtypeStruct((NC, NP, D), jnp.float32)],
        mesh=_mesh(),
        scratch_types=[
            pltpu.VMEM((nb, B), jnp.int32),
            pltpu.VMEM((nb, B), jnp.int32),
            pltpu.VMEM((B, D), jnp.float32),
            pltpu.VMEM((64, D), jnp.float32),
            pltpu.SemaphoreType.DMA,
            pltpu.VMEM_SHARED((NP, D), jnp.float32),
        ],
    )


def _sc_deg_body(dst_i, out_deg, dstv, onesv, zbuf, deg_sh):
    cid = lax.axis_index("c")
    sid = lax.axis_index("s")
    wid = cid * NS + sid
    base = sid * ROWS_PER_W
    zero16 = jnp.zeros((16,), jnp.float32)
    ones16 = jnp.ones((16,), jnp.float32)

    def orow(i, c):
        for k in range(8):
            onesv[i, pl.ds(k * 16, 16)] = ones16
        return c
    lax.fori_loop(0, B, orow, 0)

    def zrow(i, c):
        for k in range(8):
            zbuf[i, pl.ds(k * 16, 16)] = zero16
        return c
    lax.fori_loop(0, 64, zrow, 0)

    def zdeg(k, c):
        pltpu.sync_copy(zbuf, deg_sh.at[pl.ds(base + k * 64, 64)])
        return c
    lax.fori_loop(0, ROWS_PER_W // 64, zdeg, 0)

    pltpu.sync_copy(dst_i.at[wid], dstv)
    plsc.subcore_barrier()

    nb = dstv.shape[0]

    def step(j, c):
        pltpu.sync_copy(onesv, deg_sh.at[dstv.at[j]], add=True)
        return c
    lax.fori_loop(0, nb, step, 0)

    plsc.subcore_barrier()

    def cout(k, c):
        pltpu.sync_copy(deg_sh.at[pl.ds(base + k * 64, 64)], zbuf)
        pltpu.sync_copy(zbuf, out_deg.at[cid, pl.ds(base + k * 64, 64)])
        return c
    lax.fori_loop(0, ROWS_PER_W // 64, cout, 0)


def _make_sc_deg(nb):
    return pl.kernel(
        _sc_deg_body,
        out_type=[jax.ShapeDtypeStruct((NC, NP, D), jnp.float32)],
        mesh=_mesh(),
        scratch_types=[
            pltpu.VMEM((nb, B), jnp.int32),
            pltpu.VMEM((B, D), jnp.float32),
            pltpu.VMEM((64, D), jnp.float32),
            pltpu.VMEM_SHARED((NP, D), jnp.float32),
        ],
    )


def _tc1_body(x_ref, wl_ref, wr_ref, ol_ref, or_ref):
    xv = x_ref[...]
    ol_ref[...] = jnp.dot(xv, wl_ref[...], preferred_element_type=jnp.float32)
    or_ref[...] = jnp.dot(xv, wr_ref[...], preferred_element_type=jnp.float32)


def _tc2_body(acc_ref, deg_ref, xwr_ref, b1_ref, w2l_ref, w2r_ref,
              ol_ref, or_ref):
    deg = jnp.maximum(deg_ref[0, :, 0:1] + deg_ref[1, :, 0:1], 1.0)
    aggr = (acc_ref[0, :, :] + acc_ref[1, :, :]) / deg
    h = jnp.maximum(aggr + b1_ref[...] + xwr_ref[...], 0.0)
    ol_ref[...] = jnp.dot(h, w2l_ref[...], preferred_element_type=jnp.float32)
    or_ref[...] = jnp.dot(h, w2r_ref[...], preferred_element_type=jnp.float32)


def _tc3_body(acc_ref, deg_ref, hwr_ref, b2_ref, batch_ref,
              hmean_ref, logp_ref, pooled_ref):
    i = pl.program_id(0)
    deg = jnp.maximum(deg_ref[0, :, 0:1] + deg_ref[1, :, 0:1], 1.0)
    h2 = (acc_ref[0, :, :] + acc_ref[1, :, :]) / deg + b2_ref[...] + hwr_ref[...]
    m = jnp.max(h2, axis=1, keepdims=True)
    lse = jnp.log(jnp.sum(jnp.exp(h2 - m), axis=1, keepdims=True)) + m
    logp_ref[...] = h2 - lse

    @pl.when(i == 0)
    def _init():
        pooled_ref[...] = jnp.full((G, D), -jnp.inf, jnp.float32)

    b = batch_ref[...]
    rows = [jnp.max(jnp.where(b == g, h2, -jnp.inf), axis=0) for g in range(G)]
    pooled_ref[...] = jnp.maximum(pooled_ref[...], jnp.stack(rows))

    @pl.when(i == NBLK - 1)
    def _fin():
        hmean_ref[...] = jnp.mean(pooled_ref[...], axis=0, keepdims=True)


def kernel(x, edge_index, batch, W1_l, b1, W1_r, W2_l, b2, W2_r):
    E = edge_index.shape[1]
    nb = -(-E // (NW * B))
    ep = NW * nb * B
    src = jnp.pad(edge_index[0], (0, ep - E), constant_values=NP - 1)
    dst = jnp.pad(edge_index[1], (0, ep - E), constant_values=NP - 1)
    src = src.reshape(NW, nb, B)
    dst = dst.reshape(NW, nb, B)
    x_pad = jnp.pad(x, ((0, NP - N), (0, 0)))
    batch2d = jnp.pad(batch, (0, NP - N), constant_values=G).reshape(NP, 1)
    b1r = b1.reshape(1, D)
    b2r = b2.reshape(1, D)

    tc1 = pl.pallas_call(
        _tc1_body,
        grid=(NBLK,),
        in_specs=[
            pl.BlockSpec((R, D), lambda i: (i, 0)),
            pl.BlockSpec((D, D), lambda i: (0, 0)),
            pl.BlockSpec((D, D), lambda i: (0, 0)),
        ],
        out_specs=[
            pl.BlockSpec((R, D), lambda i: (i, 0)),
            pl.BlockSpec((R, D), lambda i: (i, 0)),
        ],
        out_shape=[
            jax.ShapeDtypeStruct((NP, D), jnp.float32),
            jax.ShapeDtypeStruct((NP, D), jnp.float32),
        ],
    )
    xW1l, xW1r = tc1(x_pad, W1_l, W1_r)

    sc1 = _make_sc_spmm(nb)
    (acc1,) = sc1(xW1l, src, dst)
    (degS,) = _make_sc_deg(nb)(dst)

    tc2 = pl.pallas_call(
        _tc2_body,
        grid=(NBLK,),
        in_specs=[
            pl.BlockSpec((NC, R, D), lambda i: (0, i, 0)),
            pl.BlockSpec((NC, R, D), lambda i: (0, i, 0)),
            pl.BlockSpec((R, D), lambda i: (i, 0)),
            pl.BlockSpec((1, D), lambda i: (0, 0)),
            pl.BlockSpec((D, D), lambda i: (0, 0)),
            pl.BlockSpec((D, D), lambda i: (0, 0)),
        ],
        out_specs=[
            pl.BlockSpec((R, D), lambda i: (i, 0)),
            pl.BlockSpec((R, D), lambda i: (i, 0)),
        ],
        out_shape=[
            jax.ShapeDtypeStruct((NP, D), jnp.float32),
            jax.ShapeDtypeStruct((NP, D), jnp.float32),
        ],
    )
    hW2l, hW2r = tc2(acc1, degS, xW1r, b1r, W2_l, W2_r)

    sc2 = _make_sc_spmm(nb)
    (acc2,) = sc2(hW2l, src, dst)

    tc3 = pl.pallas_call(
        _tc3_body,
        grid=(NBLK,),
        in_specs=[
            pl.BlockSpec((NC, R, D), lambda i: (0, i, 0)),
            pl.BlockSpec((NC, R, D), lambda i: (0, i, 0)),
            pl.BlockSpec((R, D), lambda i: (i, 0)),
            pl.BlockSpec((1, D), lambda i: (0, 0)),
            pl.BlockSpec((R, 1), lambda i: (i, 0)),
        ],
        out_specs=[
            pl.BlockSpec((1, D), lambda i: (0, 0)),
            pl.BlockSpec((R, D), lambda i: (i, 0)),
        ],
        out_shape=[
            jax.ShapeDtypeStruct((1, D), jnp.float32),
            jax.ShapeDtypeStruct((NP, D), jnp.float32),
        ],
        scratch_shapes=[pltpu.VMEM((G, D), jnp.float32)],
    )
    hmean, logp = tc3(acc2, degS, hW2r, b2r, batch2d)
    return (hmean, logp[:N])

# --- scband reference (transcript-rebuilt; emitter-appended) ---
"""Pipeline reference for scband-graph-sage-85332410237297 (READ-ONLY COPY).

The authoritative reference and input builder live on the scoring server;
editing this copy changes nothing except your own understanding.
"""

import jax, jax.numpy as jnp
import numpy as np

N = 10000
E = 320000
D_IN = 128
D_H = 128
D_OUT = 128
G = 64  # number of graphs in batch


def setup_inputs(seed: int = 0) -> dict:
    key = jax.random.key(seed)
    ks = jax.random.split(key, 10)
    x = jax.random.normal(ks[0], (N, D_IN), dtype=jnp.float32)
    edge_index = jax.random.randint(ks[1], (2, E), 0, N, dtype=jnp.int32)
    batch = jnp.sort(jax.random.randint(ks[2], (N,), 0, G, dtype=jnp.int32))
    s1 = 1.0 / np.sqrt(D_IN)
    s2 = 1.0 / np.sqrt(D_H)
    # SAGEConv params: lin_l (neighbor aggr, with bias), lin_r (root, no bias)
    W1_l = jax.random.normal(ks[3], (D_IN, D_H), dtype=jnp.float32) * s1
    b1 = jnp.zeros((D_H,), dtype=jnp.float32)
    W1_r = jax.random.normal(ks[4], (D_IN, D_H), dtype=jnp.float32) * s1
    W2_l = jax.random.normal(ks[5], (D_H, D_OUT), dtype=jnp.float32) * s2
    b2 = jnp.zeros((D_OUT,), dtype=jnp.float32)
    W2_r = jax.random.normal(ks[6], (D_H, D_OUT), dtype=jnp.float32) * s2
    return {"x": x, "edge_index": edge_index, "batch": batch,
            "W1_l": W1_l, "b1": b1, "W1_r": W1_r,
            "W2_l": W2_l, "b2": b2, "W2_r": W2_r}


def _sage_conv(x, edge_index, W_l, b, W_r):
    # PyG SAGEConv with mean aggregation:
    #   out = lin_l(mean_{j in N(i)} x_j) + lin_r(x_i)
    src = edge_index[0]
    dst = edge_index[1]
    n = x.shape[0]
    msgs = jnp.take(x, src, axis=0)                       # gather  [E, d]
    aggr = jnp.zeros((n, x.shape[1]), x.dtype).at[dst].add(msgs)  # scatter-add
    deg = jnp.zeros((n,), x.dtype).at[dst].add(1.0)
    aggr = aggr / jnp.clip(deg, 1.0)[:, None]
    return aggr @ W_l + b + x @ W_r


def reference(x, edge_index, batch, W1_l, b1, W1_r, W2_l, b2, W2_r):
    h = _sage_conv(x, edge_index, W1_l, b1, W1_r)
    h = jax.nn.relu(h)
    # F.dropout with training=self.training; deterministic reference -> identity (eval mode)
    h = _sage_conv(h, edge_index, W2_l, b2, W2_r)
    # gmp: global max pool over batch assignment (segment max), then mean over graphs
    pooled = jax.ops.segment_max(h, batch, num_segments=G)
    hmean = pooled.mean(axis=0, keepdims=True)
    logp = jax.nn.log_softmax(h, axis=1)
    return (hmean, logp)

if __name__ == "__main__":
    import jax
    _d = setup_inputs()
    print(jax.jit(kernel)(*tuple(_d.values())))

</pallas_src>

<mosaic_0001>
#map = affine_map<(d0, d1) -> (0, 0)>
#map1 = affine_map<(d0, d1) -> (0, 0, 0)>
module attributes {stable_mosaic.version = 14 : i64} {
  func.func @_sc_spmm_body(%arg0: i32, %arg1: i32, %arg2: memref<10240x128xf32, #tpu.memory_space<hbm>>, %arg3: memref<32x79x128xi32, #tpu.memory_space<hbm>>, %arg4: memref<32x79x128xi32, #tpu.memory_space<hbm>>, %arg5: memref<2x10240x128xf32, #tpu.memory_space<hbm>>, %arg6: memref<79x128xi32, #tpu.memory_space<vmem>>, %arg7: memref<79x128xi32, #tpu.memory_space<vmem>>, %arg8: memref<128x128xf32, #tpu.memory_space<vmem>>, %arg9: memref<64x128xf32, #tpu.memory_space<vmem>>, %arg10: memref<!tpu.dma_semaphore, #tpu.memory_space<semaphore_mem>>, %arg11: memref<10240x128xf32, #tpu.memory_space<vmem_shared>>) attributes {dimension_semantics = [#tpu.dimension_semantics<core_parallel>, #tpu.dimension_semantics<subcore_parallel>], iteration_bounds = array<i64: 2, 16>, scalar_prefetch = 0 : i64, scratch_operands = 6 : i64, tpu.core_type = #tpu.core_type<sc_vector_subcore>, window_params = [{transform_indices = #map}, {transform_indices = #map1}, {transform_indices = #map1}, {transform_indices = #map1}]} {
    %mul3A = arith.constant 16 : i32
    %mul3A_0 = arith.muli %arg0, %mul3A : i32
    %add3A = arith.addi %mul3A_0, %arg1 : i32
    %mul3A_1 = arith.constant 640 : i32
    %mul3A_2 = arith.muli %arg1, %mul3A_1 : i32
    %broadcast_in_dim3A = arith.constant 0.000000e+00 : f32
    %broadcast_in_dim3A_3 = vector.broadcast %broadcast_in_dim3A : f32 to vector<16xf32>
    %scan3A = arith.constant 0 : i32
    %scan3A_4 = arith.constant 0 : i32
    %scan3A_5 = arith.constant 64 : i32
    %scan3A_6 = arith.addi %scan3A_4, %scan3A_5 : i32
    %scan3A_7 = arith.constant 1 : i32
    scf.for %scan3A_28 = %scan3A_4 to %scan3A_6 step %scan3A_7  : i32 {
      %swap3A = arith.index_cast %scan3A_28 : i32 to index
      %swap3A_29 = arith.constant 0 : index
      %swap3A_30 = tpu.vector_load %arg9[%swap3A, %swap3A_29] {strides = array<i32>} : memref<64x128xf32, #tpu.memory_space<vmem>>, vector<1x16xf32>,
      %swap3A_31 = vector.shape_cast %swap3A_30 : vector<1x16xf32> to vector<16xf32>
      %swap3A_32 = vector.shape_cast %broadcast_in_dim3A_3 : vector<16xf32> to vector<1x16xf32>
      tpu.vector_store %arg9[%swap3A, %swap3A_29], %swap3A_32 {strides = array<i32>} : memref<64x128xf32, #tpu.memory_space<vmem>>, vector<1x16xf32>,
      %swap3A_33 = arith.index_cast %scan3A_28 : i32 to index
      %swap3A_34 = arith.constant 16 : index
      %swap3A_35 = tpu.vector_load %arg9[%swap3A_33, %swap3A_34] {strides = array<i32>} : memref<64x128xf32, #tpu.memory_space<vmem>>, vector<1x16xf32>,
      %swap3A_36 = vector.shape_cast %swap3A_35 : vector<1x16xf32> to vector<16xf32>
      %swap3A_37 = vector.shape_cast %broadcast_in_dim3A_3 : vector<16xf32> to vector<1x16xf32>
      tpu.vector_store %arg9[%swap3A_33, %swap3A_34], %swap3A_37 {strides = array<i32>} : memref<64x128xf32, #tpu.memory_space<vmem>>, vector<1x16xf32>,
      %swap3A_38 = arith.index_cast %scan3A_28 : i32 to index
      %swap3A_39 = arith.constant 32 : index
      %swap3A_40 = tpu.vector_load %arg9[%swap3A_38, %swap3A_39] {strides = array<i32>} : memref<64x128xf32, #tpu.memory_space<vmem>>, vector<1x16xf32>,
      %swap3A_41 = vector.shape_cast %swap3A_40 : vector<1x16xf32> to vector<16xf32>
      %swap3A_42 = vector.shape_cast %broadcast_in_dim3A_3 : vector<16xf32> to vector<1x16xf32>
      tpu.vector_store %arg9[%swap3A_38, %swap3A_39], %swap3A_42 {strides = array<i32>} : memref<64x128xf32, #tpu.memory_space<vmem>>, vector<1x16xf32>,
      %swap3A_43 = arith.index_cast %scan3A_28 : i32 to index
      %swap3A_44 = arith.constant 48 : index
      %swap3A_45 = tpu.vector_load %arg9[%swap3A_43, %swap3A_44] {strides = array<i32>} : memref<64x128xf32, #tpu.memory_space<vmem>>, vector<1x16xf32>,
      %swap3A_46 = vector.shape_cast %swap3A_45 : vector<1x16xf32> to vector<16xf32>
      %swap3A_47 = vector.shape_cast %broadcast_in_dim3A_3 : vector<16xf32> to vector<1x16xf32>
      tpu.vector_store %arg9[%swap3A_43, %swap3A_44], %swap3A_47 {strides = array<i32>} : memref<64x128xf32, #tpu.memory_space<vmem>>, vector<1x16xf32>,
      %swap3A_48 = arith.index_cast %scan3A_28 : i32 to index
      %swap3A_49 = arith.constant 64 : index
      %swap3A_50 = tpu.vector_load %arg9[%swap3A_48, %swap3A_49] {strides = array<i32>} : memref<64x128xf32, #tpu.memory_space<vmem>>, vector<1x16xf32>,
      %swap3A_51 = vector.shape_cast %swap3A_50 : vector<1x16xf32> to vector<16xf32>
      %swap3A_52 = vector.shape_cast %broadcast_in_dim3A_3 : vector<16xf32> to vector<1x16xf32>
      tpu.vector_store %arg9[%swap3A_48, %swap3A_49], %swap3A_52 {strides = array<i32>} : memref<64x128xf32, #tpu.memory_space<vmem>>, vector<1x16xf32>,
      %swap3A_53 = arith.index_cast %scan3A_28 : i32 to index
      %swap3A_54 = arith.constant 80 : index
      %swap3A_55 = tpu.vector_load %arg9[%swap3A_53, %swap3A_54] {strides = array<i32>} : memref<64x128xf32, #tpu.memory_space<vmem>>, vector<1x16xf32>,
      %swap3A_56 = vector.shape_cast %swap3A_55 : vector<1x16xf32> to vector<16xf32>
      %swap3A_57 = vector.shape_cast %broadcast_in_dim3A_3 : vector<16xf32> to vector<1x16xf32>
      tpu.vector_store %arg9[%swap3A_53, %swap3A_54], %swap3A_57 {strides = array<i32>} : memref<64x128xf32, #tpu.memory_space<vmem>>, vector<1x16xf32>,
      %swap3A_58 = arith.index_cast %scan3A_28 : i32 to index
      %swap3A_59 = arith.constant 96 : index
      %swap3A_60 = tpu.vector_load %arg9[%swap3A_58, %swap3A_59] {strides = array<i32>} : memref<64x128xf32, #tpu.memory_space<vmem>>, vector<1x16xf32>,
      %swap3A_61 = vector.shape_cast %swap3A_60 : vector<1x16xf32> to vector<16xf32>
      %swap3A_62 = vector.shape_cast %broadcast_in_dim3A_3 : vector<16xf32> to vector<1x16xf32>
      tpu.vector_store %arg9[%swap3A_58, %swap3A_59], %swap3A_62 {strides = array<i32>} : memref<64x128xf32, #tpu.memory_space<vmem>>, vector<1x16xf32>,
      %swap3A_63 = arith.index_cast %scan3A_28 : i32 to index
      %swap3A_64 = arith.constant 112 : index
      %swap3A_65 = tpu.vector_load %arg9[%swap3A_63, %swap3A_64] {strides = array<i32>} : memref<64x128xf32, #tpu.memory_space<vmem>>, vector<1x16xf32>,
      %swap3A_66 = vector.shape_cast %swap3A_65 : vector<1x16xf32> to vector<16xf32>
      %swap3A_67 = vector.shape_cast %broadcast_in_dim3A_3 : vector<16xf32> to vector<1x16xf32>
      tpu.vector_store %arg9[%swap3A_63, %swap3A_64], %swap3A_67 {strides = array<i32>} : memref<64x128xf32, #tpu.memory_space<vmem>>, vector<1x16xf32>,
    }
    %scan3A_8 = arith.constant 64 : i32
    %scan3A_9 = arith.constant 0 : i32
    %scan3A_10 = arith.constant 0 : i32
    %scan3A_11 = arith.constant 10 : i32
    %scan3A_12 = arith.addi %scan3A_10, %scan3A_11 : i32
    %scan3A_13 = arith.constant 1 : i32
    scf.for %scan3A_28 = %scan3A_10 to %scan3A_12 step %scan3A_13  : i32 {
      %mul3A_29 = arith.constant 64 : i32
      %mul3A_30 = arith.muli %scan3A_28, %mul3A_29 : i32
      %add3A_31 = arith.addi %mul3A_2, %mul3A_30 : i32
      "tpu.region"() ({
        %run_scoped3A = tpu.sem_alloc : memref<!tpu.dma_semaphore, #tpu.memory_space<semaphore_mem>>
        %dma_start3A = arith.constant 0 : i32
        %dma_start3A_32 = tpu.memref_slice %arg11[%add3A_31, %dma_start3A] : memref<10240x128xf32, #tpu.memory_space<vmem_shared>> -> memref<64x128xf32, #tpu.memory_space<vmem_shared>>
        %dma_start3A_33 = arith.constant 0 : i32
        %dma_start3A_34 = tpu.memref_slice %arg11[%add3A_31, %dma_start3A_33] : memref<10240x128xf32, #tpu.memory_space<vmem_shared>> -> memref<64x128xf32, #tpu.memory_space<vmem_shared>>
        tpu.enqueue_dma source(%arg9 : memref<64x128xf32, #tpu.memory_space<vmem>>) target(%dma_start3A_34 : memref<64x128xf32, #tpu.memory_space<vmem_shared>>) target_semaphore(%run_scoped3A : memref<!tpu.dma_semaphore, #tpu.memory_space<semaphore_mem>>)
        %dma_wait3A = arith.constant 0 : i32
        %dma_wait3A_35 = tpu.memref_slice %arg11[%add3A_31, %dma_wait3A] : memref<10240x128xf32, #tpu.memory_space<vmem_shared>> -> memref<64x128xf32, #tpu.memory_space<vmem_shared>>
        %dma_wait3A_36 = arith.constant 0 : i32
        %dma_wait3A_37 = tpu.memref_slice %arg11[%add3A_31, %dma_wait3A_36] : memref<10240x128xf32, #tpu.memory_space<vmem_shared>> -> memref<64x128xf32, #tpu.memory_space<vmem_shared>>
        tpu.wait_dma2 semaphore(%run_scoped3A : memref<!tpu.dma_semaphore, #tpu.memory_space<semaphore_mem>>) src(%arg9 : memref<64x128xf32, #tpu.memory_space<vmem>>) dst(%dma_wait3A_37 : memref<64x128xf32, #tpu.memory_space<vmem_shared>>)
        tpu.yield
      }) : () -> ()
    }
    %scan3A_14 = arith.constant 10 : i32
    "tpu.region"() ({
      %run_scoped3A = tpu.sem_alloc : memref<!tpu.dma_semaphore, #tpu.memory_space<semaphore_mem>>
      %dma_start3A = arith.constant 0 : i32
      %dma_start3A_28 = arith.constant 0 : i32
      %dma_start3A_29 = tpu.memref_slice %arg3[%add3A, %dma_start3A, %dma_start3A_28] : memref<32x79x128xi32, #tpu.memory_space<hbm>> -> memref<1x79x128xi32, #tpu.memory_space<hbm>>
      %dma_start3A_30 = tpu.memref_squeeze %dma_start3A_29 : memref<1x79x128xi32, #tpu.memory_space<hbm>> -> memref<79x128xi32, #tpu.memory_space<hbm>>
      %dma_start3A_31 = arith.constant 0 : i32
      %dma_start3A_32 = arith.constant 0 : i32
      %dma_start3A_33 = tpu.memref_slice %arg3[%add3A, %dma_start3A_31, %dma_start3A_32] : memref<32x79x128xi32, #tpu.memory_space<hbm>> -> memref<1x79x128xi32, #tpu.memory_space<hbm>>
      %dma_start3A_34 = tpu.memref_squeeze %dma_start3A_33 : memref<1x79x128xi32, #tpu.memory_space<hbm>> -> memref<79x128xi32, #tpu.memory_space<hbm>>
      tpu.enqueue_dma source(%dma_start3A_34 : memref<79x128xi32, #tpu.memory_space<hbm>>) target(%arg6 : memref<79x128xi32, #tpu.memory_space<vmem>>) target_semaphore(%run_scoped3A : memref<!tpu.dma_semaphore, #tpu.memory_space<semaphore_mem>>)
      %dma_wait3A = arith.constant 0 : i32
      %dma_wait3A_35 = arith.constant 0 : i32
      %dma_wait3A_36 = tpu.memref_slice %arg3[%add3A, %dma_wait3A, %dma_wait3A_35] : memref<32x79x128xi32, #tpu.memory_space<hbm>> -> memref<1x79x128xi32, #tpu.memory_space<hbm>>
      %dma_wait3A_37 = tpu.memref_squeeze %dma_wait3A_36 : memref<1x79x128xi32, #tpu.memory_space<hbm>> -> memref<79x128xi32, #tpu.memory_space<hbm>>
      %dma_wait3A_38 = arith.constant 0 : i32
      %dma_wait3A_39 = arith.constant 0 : i32
      %dma_wait3A_40 = tpu.memref_slice %arg3[%add3A, %dma_wait3A_38, %dma_wait3A_39] : memref<32x79x128xi32, #tpu.memory_space<hbm>> -> memref<1x79x128xi32, #tpu.memory_space<hbm>>
      %dma_wait3A_41 = tpu.memref_squeeze %dma_wait3A_40 : memref<1x79x128xi32, #tpu.memory_space<hbm>> -> memref<79x128xi32, #tpu.memory_space<hbm>>
      tpu.wait_dma2 semaphore(%run_scoped3A : memref<!tpu.dma_semaphore, #tpu.memory_space<semaphore_mem>>) src(%dma_wait3A_41 : memref<79x128xi32, #tpu.memory_space<hbm>>) dst(%arg6 : memref<79x128xi32, #tpu.memory_space<vmem>>)
      tpu.yield
    }) : () -> ()
    "tpu.region"() ({
      %run_scoped3A = tpu.sem_alloc : memref<!tpu.dma_semaphore, #tpu.memory_space<semaphore_mem>>
      %dma_start3A = arith.constant 0 : i32
      %dma_start3A_28 = arith.constant 0 : i32
      %dma_start3A_29 = tpu.memref_slice %arg4[%add3A, %dma_start3A, %dma_start3A_28] : memref<32x79x128xi32, #tpu.memory_space<hbm>> -> memref<1x79x128xi32, #tpu.memory_space<hbm>>
      %dma_start3A_30 = tpu.memref_squeeze %dma_start3A_29 : memref<1x79x128xi32, #tpu.memory_space<hbm>> -> memref<79x128xi32, #tpu.memory_space<hbm>>
      %dma_start3A_31 = arith.constant 0 : i32
      %dma_start3A_32 = arith.constant 0 : i32
      %dma_start3A_33 = tpu.memref_slice %arg4[%add3A, %dma_start3A_31, %dma_start3A_32] : memref<32x79x128xi32, #tpu.memory_space<hbm>> -> memref<1x79x128xi32, #tpu.memory_space<hbm>>
      %dma_start3A_34 = tpu.memref_squeeze %dma_start3A_33 : memref<1x79x128xi32, #tpu.memory_space<hbm>> -> memref<79x128xi32, #tpu.memory_space<hbm>>
      tpu.enqueue_dma source(%dma_start3A_34 : memref<79x128xi32, #tpu.memory_space<hbm>>) target(%arg7 : memref<79x128xi32, #tpu.memory_space<vmem>>) target_semaphore(%run_scoped3A : memref<!tpu.dma_semaphore, #tpu.memory_space<semaphore_mem>>)
      %dma_wait3A = arith.constant 0 : i32
      %dma_wait3A_35 = arith.constant 0 : i32
      %dma_wait3A_36 = tpu.memref_slice %arg4[%add3A, %dma_wait3A, %dma_wait3A_35] : memref<32x79x128xi32, #tpu.memory_space<hbm>> -> memref<1x79x128xi32, #tpu.memory_space<hbm>>
      %dma_wait3A_37 = tpu.memref_squeeze %dma_wait3A_36 : memref<1x79x128xi32, #tpu.memory_space<hbm>> -> memref<79x128xi32, #tpu.memory_space<hbm>>
      %dma_wait3A_38 = arith.constant 0 : i32
      %dma_wait3A_39 = arith.constant 0 : i32
      %dma_wait3A_40 = tpu.memref_slice %arg4[%add3A, %dma_wait3A_38, %dma_wait3A_39] : memref<32x79x128xi32, #tpu.memory_space<hbm>> -> memref<1x79x128xi32, #tpu.memory_space<hbm>>
      %dma_wait3A_41 = tpu.memref_squeeze %dma_wait3A_40 : memref<1x79x128xi32, #tpu.memory_space<hbm>> -> memref<79x128xi32, #tpu.memory_space<hbm>>
      tpu.wait_dma2 semaphore(%run_scoped3A : memref<!tpu.dma_semaphore, #tpu.memory_space<semaphore_mem>>) src(%dma_wait3A_41 : memref<79x128xi32, #tpu.memory_space<hbm>>) dst(%arg7 : memref<79x128xi32, #tpu.memory_space<vmem>>)
      tpu.yield
    }) : () -> ()
    %barrier3A = arith.constant 0 : index
    tpu.barrier barrier_id(%barrier3A)
    %scan3A_15 = arith.constant 0 : i32
    %scan3A_16 = arith.constant 0 : i32
    %scan3A_17 = arith.constant 79 : i32
    %scan3A_18 = arith.addi %scan3A_16, %scan3A_17 : i32
    %scan3A_19 = arith.constant 1 : i32
    scf.for %scan3A_28 = %scan3A_16 to %scan3A_18 step %scan3A_19  : i32 {
      %dma_start3A = arith.constant 0 : i32
      %dma_start3A_29 = tpu.memref_slice %arg6[%scan3A_28, %dma_start3A] : memref<79x128xi32, #tpu.memory_space<vmem>> -> memref<1x128xi32, #tpu.memory_space<vmem>>
      %dma_start3A_30 = tpu.memref_squeeze %dma_start3A_29 : memref<1x128xi32, #tpu.memory_space<vmem>> -> memref<128xi32, #tpu.memory_space<vmem>>
      %dma_start3A_31 = arith.constant 0 : i32
      %dma_start3A_32 = arith.constant 0 : i32
      %dma_start3A_33 = tpu.memref_slice %arg2[%dma_start3A_31, %dma_start3A_32] : memref<10240x128xf32, #tpu.memory_space<hbm>> -> memref<10240x128xf32, #tpu.memory_space<hbm>>
      tpu.enqueue_indirect_dma source(%dma_start3A_33 : memref<10240x128xf32, #tpu.memory_space<hbm>>) target(%arg8 : memref<128x128xf32, #tpu.memory_space<vmem>>) offsets(%dma_start3A_30 : memref<128xi32, #tpu.memory_space<vmem>>) semaphore(%arg10 : memref<!tpu.dma_semaphore, #tpu.memory_space<semaphore_mem>>)
      %dma_wait3A = arith.constant 0 : i32
      %dma_wait3A_34 = tpu.memref_slice %arg6[%scan3A_28, %dma_wait3A] : memref<79x128xi32, #tpu.memory_space<vmem>> -> memref<1x128xi32, #tpu.memory_space<vmem>>
      %dma_wait3A_35 = tpu.memref_squeeze %dma_wait3A_34 : memref<1x128xi32, #tpu.memory_space<vmem>> -> memref<128xi32, #tpu.memory_space<vmem>>
      %dma_wait3A_36 = arith.constant 0 : i32
      %dma_wait3A_37 = arith.constant 0 : i32
      %dma_wait3A_38 = tpu.memref_slice %arg2[%dma_wait3A_36, %dma_wait3A_37] : memref<10240x128xf32, #tpu.memory_space<hbm>> -> memref<10240x128xf32, #tpu.memory_space<hbm>>
      tpu.wait_indirect_dma semaphore(%arg10 : memref<!tpu.dma_semaphore, #tpu.memory_space<semaphore_mem>>) src(%dma_wait3A_38 : memref<10240x128xf32, #tpu.memory_space<hbm>>) dst(%arg8 : memref<128x128xf32, #tpu.memory_space<vmem>>)
      "tpu.region"() ({
        %run_scoped3A = tpu.sem_alloc : memref<!tpu.dma_semaphore, #tpu.memory_space<semaphore_mem>>
        %dma_start3A_39 = arith.constant 0 : i32
        %dma_start3A_40 = tpu.memref_slice %arg7[%scan3A_28, %dma_start3A_39] : memref<79x128xi32, #tpu.memory_space<vmem>> -> memref<1x128xi32, #tpu.memory_space<vmem>>
        %dma_start3A_41 = tpu.memref_squeeze %dma_start3A_40 : memref<1x128xi32, #tpu.memory_space<vmem>> -> memref<128xi32, #tpu.memory_space<vmem>>
        %dma_start3A_42 = arith.constant 0 : i32
        %dma_start3A_43 = arith.constant 0 : i32
        %dma_start3A_44 = tpu.memref_slice %arg11[%dma_start3A_42, %dma_start3A_43] : memref<10240x128xf32, #tpu.memory_space<vmem_shared>> -> memref<10240x128xf32, #tpu.memory_space<vmem_shared>>
        tpu.enqueue_indirect_dma source(%arg8 : memref<128x128xf32, #tpu.memory_space<vmem>>) target(%dma_start3A_44 : memref<10240x128xf32, #tpu.memory_space<vmem_shared>>) offsets(%dma_start3A_41 : memref<128xi32, #tpu.memory_space<vmem>>) semaphore(%run_scoped3A : memref<!tpu.dma_semaphore, #tpu.memory_space<semaphore_mem>>) {add = true}
        %dma_wait3A_45 = arith.constant 0 : i32
        %dma_wait3A_46 = tpu.memref_slice %arg7[%scan3A_28, %dma_wait3A_45] : memref<79x128xi32, #tpu.memory_space<vmem>> -> memref<1x128xi32, #tpu.memory_space<vmem>>
        %dma_wait3A_47 = tpu.memref_squeeze %dma_wait3A_46 : memref<1x128xi32, #tpu.memory_space<vmem>> -> memref<128xi32, #tpu.memory_space<vmem>>
        %dma_wait3A_48 = arith.constant 0 : i32
        %dma_wait3A_49 = arith.constant 0 : i32
        %dma_wait3A_50 = tpu.memref_slice %arg11[%dma_wait3A_48, %dma_wait3A_49] : memref<10240x128xf32, #tpu.memory_space<vmem_shared>> -> memref<10240x128xf32, #tpu.memory_space<vmem_shared>>
        tpu.wait_indirect_dma semaphore(%run_scoped3A : memref<!tpu.dma_semaphore, #tpu.memory_space<semaphore_mem>>) src(%arg8 : memref<128x128xf32, #tpu.memory_space<vmem>>) dst(%dma_wait3A_50 : memref<10240x128xf32, #tpu.memory_space<vmem_shared>>)
        tpu.yield
      }) : () -> ()
    }
    %scan3A_20 = arith.constant 79 : i32
    %barrier3A_21 = arith.constant 0 : index
    tpu.barrier barrier_id(%barrier3A_21)
    %scan3A_22 = arith.constant 0 : i32
    %scan3A_23 = arith.constant 0 : i32
    %scan3A_24 = arith.constant 10 : i32
    %scan3A_25 = arith.addi %scan3A_23, %scan3A_24 : i32
    %scan3A_26 = arith.constant 1 : i32
    scf.for %scan3A_28 = %scan3A_23 to %scan3A_25 step %scan3A_26  : i32 {
      %mul3A_29 = arith.constant 64 : i32
      %mul3A_30 = arith.muli %scan3A_28, %mul3A_29 : i32
      %add3A_31 = arith.addi %mul3A_2, %mul3A_30 : i32
      "tpu.region"() ({
        %run_scoped3A = tpu.sem_alloc : memref<!tpu.dma_semaphore, #tpu.memory_space<semaphore_mem>>
        %dma_start3A = arith.constant 0 : i32
        %dma_start3A_35 = tpu.memref_slice %arg11[%add3A_31, %dma_start3A] : memref<10240x128xf32, #tpu.memory_space<vmem_shared>> -> memref<64x128xf32, #tpu.memory_space<vmem_shared>>
        %dma_start3A_36 = arith.constant 0 : i32
        %dma_start3A_37 = tpu.memref_slice %arg11[%add3A_31, %dma_start3A_36] : memref<10240x128xf32, #tpu.memory_space<vmem_shared>> -> memref<64x128xf32, #tpu.memory_space<vmem_shared>>
        tpu.enqueue_dma source(%dma_start3A_37 : memref<64x128xf32, #tpu.memory_space<vmem_shared>>) target(%arg9 : memref<64x128xf32, #tpu.memory_space<vmem>>) target_semaphore(%run_scoped3A : memref<!tpu.dma_semaphore, #tpu.memory_space<semaphore_mem>>)
        %dma_wait3A = arith.constant 0 : i32
        %dma_wait3A_38 = tpu.memref_slice %arg11[%add3A_31, %dma_wait3A] : memref<10240x128xf32, #tpu.memory_space<vmem_shared>> -> memref<64x128xf32, #tpu.memory_space<vmem_shared>>
        %dma_wait3A_39 = arith.constant 0 : i32
        %dma_wait3A_40 = tpu.memref_slice %arg11[%add3A_31, %dma_wait3A_39] : memref<10240x128xf32, #tpu.memory_space<vmem_shared>> -> memref<64x128xf32, #tpu.memory_space<vmem_shared>>
        tpu.wait_dma2 semaphore(%run_scoped3A : memref<!tpu.dma_semaphore, #tpu.memory_space<semaphore_mem>>) src(%dma_wait3A_40 : memref<64x128xf32, #tpu.memory_space<vmem_shared>>) dst(%arg9 : memref<64x128xf32, #tpu.memory_space<vmem>>)
        tpu.yield
      }) : () -> ()
      %mul3A_32 = arith.constant 64 : i32
      %mul3A_33 = arith.muli %scan3A_28, %mul3A_32 : i32
      %add3A_34 = arith.addi %mul3A_2, %mul3A_33 : i32
      "tpu.region"() ({
        %run_scoped3A = tpu.sem_alloc : memref<!tpu.dma_semaphore, #tpu.memory_space<semaphore_mem>>
        %dma_start3A = arith.constant 0 : i32
        %dma_start3A_35 = tpu.memref_slice %arg5[%arg0, %add3A_34, %dma_start3A] : memref<2x10240x128xf32, #tpu.memory_space<hbm>> -> memref<1x64x128xf32, #tpu.memory_space<hbm>>
        %dma_start3A_36 = tpu.memref_squeeze %dma_start3A_35 : memref<1x64x128xf32, #tpu.memory_space<hbm>> -> memref<64x128xf32, #tpu.memory_space<hbm>>
        %dma_start3A_37 = arith.constant 0 : i32
        %dma_start3A_38 = tpu.memref_slice %arg5[%arg0, %add3A_34, %dma_start3A_37] : memref<2x10240x128xf32, #tpu.memory_space<hbm>> -> memref<1x64x128xf32, #tpu.memory_space<hbm>>
        %dma_start3A_39 = tpu.memref_squeeze %dma_start3A_38 : memref<1x64x128xf32, #tpu.memory_space<hbm>> -> memref<64x128xf32, #tpu.memory_space<hbm>>
        tpu.enqueue_dma source(%arg9 : memref<64x128xf32, #tpu.memory_space<vmem>>) target(%dma_start3A_39 : memref<64x128xf32, #tpu.memory_space<hbm>>) target_semaphore(%run_scoped3A : memref<!tpu.dma_semaphore, #tpu.memory_space<semaphore_mem>>)
        %dma_wait3A = arith.constant 0 : i32
        %dma_wait3A_40 = tpu.memref_slice %arg5[%arg0, %add3A_34, %dma_wait3A] : memref<2x10240x128xf32, #tpu.memory_space<hbm>> -> memref<1x64x128xf32, #tpu.memory_space<hbm>>
        %dma_wait3A_41 = tpu.memref_squeeze %dma_wait3A_40 : memref<1x64x128xf32, #tpu.memory_space<hbm>> -> memref<64x128xf32, #tpu.memory_space<hbm>>
        %dma_wait3A_42 = arith.constant 0 : i32
        %dma_wait3A_43 = tpu.memref_slice %arg5[%arg0, %add3A_34, %dma_wait3A_42] : memref<2x10240x128xf32, #tpu.memory_space<hbm>> -> memref<1x64x128xf32, #tpu.memory_space<hbm>>
        %dma_wait3A_44 = tpu.memref_squeeze %dma_wait3A_43 : memref<1x64x128xf32, #tpu.memory_space<hbm>> -> memref<64x128xf32, #tpu.memory_space<hbm>>
        tpu.wait_dma2 semaphore(%run_scoped3A : memref<!tpu.dma_semaphore, #tpu.memory_space<semaphore_mem>>) src(%arg9 : memref<64x128xf32, #tpu.memory_space<vmem>>) dst(%dma_wait3A_44 : memref<64x128xf32, #tpu.memory_space<hbm>>)
        tpu.yield
      }) : () -> ()
    }
    %scan3A_27 = arith.constant 10 : i32
    return
  }
}

#map = affine_map<(d0, d1) -> (0, 0)>
#map1 = affine_map<(d0, d1) -> (0, 0, 0)>
module attributes {stable_mosaic.version = 14 : i64} {
  func.func @_sc_spmm_body(%arg0: i32, %arg1: i32, %arg2: memref<10240x128xf32, #tpu.memory_space<hbm>>, %arg3: memref<32x79x128xi32, #tpu.memory_space<hbm>>, %arg4: memref<32x79x128xi32, #tpu.memory_space<hbm>>, %arg5: memref<2x10240x128xf32, #tpu.memory_space<hbm>>, %arg6: memref<79x128xi32, #tpu.memory_space<vmem>>, %arg7: memref<79x128xi32, #tpu.memory_space<vmem>>, %arg8: memref<128x128xf32, #tpu.memory_space<vmem>>, %arg9: memref<64x128xf32, #tpu.memory_space<vmem>>, %arg10: memref<!tpu.dma_semaphore, #tpu.memory_space<semaphore_mem>>, %arg11: memref<10240x128xf32, #tpu.memory_space<vmem_shared>>) attributes {dimension_semantics = [#tpu.dimension_semantics<core_parallel>, #tpu.dimension_semantics<subcore_parallel>], iteration_bounds = array<i64: 2, 16>, scalar_prefetch = 0 : i64, scratch_operands = 6 : i64, tpu.core_type = #tpu.core_type<sc_vector_subcore>, window_params = [{transform_indices = #map}, {transform_indices = #map1}, {transform_indices = #map1}, {transform_indices = #map1}]} {
    %mul3A = arith.constant 16 : i32
    %mul3A_0 = arith.muli %arg0, %mul3A : i32
    %add3A = arith.addi %mul3A_0, %arg1 : i32
    %mul3A_1 = arith.constant 640 : i32
    %mul3A_2 = arith.muli %arg1, %mul3A_1 : i32
    %broadcast_in_dim3A = arith.constant 0.000000e+00 : f32
    %broadcast_in_dim3A_3 = vector.broadcast %broadcast_in_dim3A : f32 to vector<16xf32>
    %scan3A = arith.constant 0 : i32
    %scan3A_4 = arith.constant 0 : i32
    %scan3A_5 = arith.constant 64 : i32
    %scan3A_6 = arith.addi %scan3A_4, %scan3A_5 : i32
    %scan3A_7 = arith.constant 1 : i32
    scf.for %scan3A_28 = %scan3A_4 to %scan3A_6 step %scan3A_7  : i32 {
      %swap3A = arith.index_cast %scan3A_28 : i32 to index
      %swap3A_29 = arith.constant 0 : index
      %swap3A_30 = tpu.vector_load %arg9[%swap3A, %swap3A_29] {strides = array<i32>} : memref<64x128xf32, #tpu.memory_space<vmem>>, vector<1x16xf32>,
      %swap3A_31 = vector.shape_cast %swap3A_30 : vector<1x16xf32> to vector<16xf32>
      %swap3A_32 = vector.shape_cast %broadcast_in_dim3A_3 : vector<16xf32> to vector<1x16xf32>
      tpu.vector_store %arg9[%swap3A, %swap3A_29], %swap3A_32 {strides = array<i32>} : memref<64x128xf32, #tpu.memory_space<vmem>>, vector<1x16xf32>,
      %swap3A_33 = arith.index_cast %scan3A_28 : i32 to index
      %swap3A_34 = arith.constant 16 : index
      %swap3A_35 = tpu.vector_load %arg9[%swap3A_33, %swap3A_34] {strides = array<i32>} : memref<64x128xf32, #tpu.memory_space<vmem>>, vector<1x16xf32>,
      %swap3A_36 = vector.shape_cast %swap3A_35 : vector<1x16xf32> to vector<16xf32>
      %swap3A_37 = vector.shape_cast %broadcast_in_dim3A_3 : vector<16xf32> to vector<1x16xf32>
      tpu.vector_store %arg9[%swap3A_33, %swap3A_34], %swap3A_37 {strides = array<i32>} : memref<64x128xf32, #tpu.memory_space<vmem>>, vector<1x16xf32>,
      %swap3A_38 = arith.index_cast %scan3A_28 : i32 to index
      %swap3A_39 = arith.constant 32 : index
      %swap3A_40 = tpu.vector_load %arg9[%swap3A_38, %swap3A_39] {strides = array<i32>} : memref<64x128xf32, #tpu.memory_space<vmem>>, vector<1x16xf32>,
      %swap3A_41 = vector.shape_cast %swap3A_40 : vector<1x16xf32> to vector<16xf32>
      %swap3A_42 = vector.shape_cast %broadcast_in_dim3A_3 : vector<16xf32> to vector<1x16xf32>
      tpu.vector_store %arg9[%swap3A_38, %swap3A_39], %swap3A_42 {strides = array<i32>} : memref<64x128xf32, #tpu.memory_space<vmem>>, vector<1x16xf32>,
      %swap3A_43 = arith.index_cast %scan3A_28 : i32 to index
      %swap3A_44 = arith.constant 48 : index
      %swap3A_45 = tpu.vector_load %arg9[%swap3A_43, %swap3A_44] {strides = array<i32>} : memref<64x128xf32, #tpu.memory_space<vmem>>, vector<1x16xf32>,
      %swap3A_46 = vector.shape_cast %swap3A_45 : vector<1x16xf32> to vector<16xf32>
      %swap3A_47 = vector.shape_cast %broadcast_in_dim3A_3 : vector<16xf32> to vector<1x16xf32>
      tpu.vector_store %arg9[%swap3A_43, %swap3A_44], %swap3A_47 {strides = array<i32>} : memref<64x128xf32, #tpu.memory_space<vmem>>, vector<1x16xf32>,
      %swap3A_48 = arith.index_cast %scan3A_28 : i32 to index
      %swap3A_49 = arith.constant 64 : index
      %swap3A_50 = tpu.vector_load %arg9[%swap3A_48, %swap3A_49] {strides = array<i32>} : memref<64x128xf32, #tpu.memory_space<vmem>>, vector<1x16xf32>,
      %swap3A_51 = vector.shape_cast %swap3A_50 : vector<1x16xf32> to vector<16xf32>
      %swap3A_52 = vector.shape_cast %broadcast_in_dim3A_3 : vector<16xf32> to vector<1x16xf32>
      tpu.vector_store %arg9[%swap3A_48, %swap3A_49], %swap3A_52 {strides = array<i32>} : memref<64x128xf32, #tpu.memory_space<vmem>>, vector<1x16xf32>,
      %swap3A_53 = arith.index_cast %scan3A_28 : i32 to index
      %swap3A_54 = arith.constant 80 : index
      %swap3A_55 = tpu.vector_load %arg9[%swap3A_53, %swap3A_54] {strides = array<i32>} : memref<64x128xf32, #tpu.memory_space<vmem>>, vector<1x16xf32>,
      %swap3A_56 = vector.shape_cast %swap3A_55 : vector<1x16xf32> to vector<16xf32>
      %swap3A_57 = vector.shape_cast %broadcast_in_dim3A_3 : vector<16xf32> to vector<1x16xf32>
      tpu.vector_store %arg9[%swap3A_53, %swap3A_54], %swap3A_57 {strides = array<i32>} : memref<64x128xf32, #tpu.memory_space<vmem>>, vector<1x16xf32>,
      %swap3A_58 = arith.index_cast %scan3A_28 : i32 to index
      %swap3A_59 = arith.constant 96 : index
      %swap3A_60 = tpu.vector_load %arg9[%swap3A_58, %swap3A_59] {strides = array<i32>} : memref<64x128xf32, #tpu.memory_space<vmem>>, vector<1x16xf32>,
      %swap3A_61 = vector.shape_cast %swap3A_60 : vector<1x16xf32> to vector<16xf32>
      %swap3A_62 = vector.shape_cast %broadcast_in_dim3A_3 : vector<16xf32> to vector<1x16xf32>
      tpu.vector_store %arg9[%swap3A_58, %swap3A_59], %swap3A_62 {strides = array<i32>} : memref<64x128xf32, #tpu.memory_space<vmem>>, vector<1x16xf32>,
      %swap3A_63 = arith.index_cast %scan3A_28 : i32 to index
      %swap3A_64 = arith.constant 112 : index
      %swap3A_65 = tpu.vector_load %arg9[%swap3A_63, %swap3A_64] {strides = array<i32>} : memref<64x128xf32, #tpu.memory_space<vmem>>, vector<1x16xf32>,
      %swap3A_66 = vector.shape_cast %swap3A_65 : vector<1x16xf32> to vector<16xf32>
      %swap3A_67 = vector.shape_cast %broadcast_in_dim3A_3 : vector<16xf32> to vector<1x16xf32>
      tpu.vector_store %arg9[%swap3A_63, %swap3A_64], %swap3A_67 {strides = array<i32>} : memref<64x128xf32, #tpu.memory_space<vmem>>, vector<1x16xf32>,
    }
    %scan3A_8 = arith.constant 64 : i32
    %scan3A_9 = arith.constant 0 : i32
    %scan3A_10 = arith.constant 0 : i32
    %scan3A_11 = arith.constant 10 : i32
    %scan3A_12 = arith.addi %scan3A_10, %scan3A_11 : i32
    %scan3A_13 = arith.constant 1 : i32
    scf.for %scan3A_28 = %scan3A_10 to %scan3A_12 step %scan3A_13  : i32 {
      %mul3A_29 = arith.constant 64 : i32
      %mul3A_30 = arith.muli %scan3A_28, %mul3A_29 : i32
      %add3A_31 = arith.addi %mul3A_2, %mul3A_30 : i32
      "tpu.region"() ({
        %run_scoped3A = tpu.sem_alloc : memref<!tpu.dma_semaphore, #tpu.memory_space<semaphore_mem>>
        %dma_start3A = arith.constant 0 : i32
        %dma_start3A_32 = tpu.memref_slice %arg11[%add3A_31, %dma_start3A] : memref<10240x128xf32, #tpu.memory_space<vmem_shared>> -> memref<64x128xf32, #tpu.memory_space<vmem_shared>>
        %dma_start3A_33 = arith.constant 0 : i32
        %dma_start3A_34 = tpu.memref_slice %arg11[%add3A_31, %dma_start3A_33] : memref<10240x128xf32, #tpu.memory_space<vmem_shared>> -> memref<64x128xf32, #tpu.memory_space<vmem_shared>>
        tpu.enqueue_dma source(%arg9 : memref<64x128xf32, #tpu.memory_space<vmem>>) target(%dma_start3A_34 : memref<64x128xf32, #tpu.memory_space<vmem_shared>>) target_semaphore(%run_scoped3A : memref<!tpu.dma_semaphore, #tpu.memory_space<semaphore_mem>>)
        %dma_wait3A = arith.constant 0 : i32
        %dma_wait3A_35 = tpu.memref_slice %arg11[%add3A_31, %dma_wait3A] : memref<10240x128xf32, #tpu.memory_space<vmem_shared>> -> memref<64x128xf32, #tpu.memory_space<vmem_shared>>
        %dma_wait3A_36 = arith.constant 0 : i32
        %dma_wait3A_37 = tpu.memref_slice %arg11[%add3A_31, %dma_wait3A_36] : memref<10240x128xf32, #tpu.memory_space<vmem_shared>> -> memref<64x128xf32, #tpu.memory_space<vmem_shared>>
        tpu.wait_dma2 semaphore(%run_scoped3A : memref<!tpu.dma_semaphore, #tpu.memory_space<semaphore_mem>>) src(%arg9 : memref<64x128xf32, #tpu.memory_space<vmem>>) dst(%dma_wait3A_37 : memref<64x128xf32, #tpu.memory_space<vmem_shared>>)
        tpu.yield
      }) : () -> ()
    }
    %scan3A_14 = arith.constant 10 : i32
    "tpu.region"() ({
      %run_scoped3A = tpu.sem_alloc : memref<!tpu.dma_semaphore, #tpu.memory_space<semaphore_mem>>
      %dma_start3A = arith.constant 0 : i32
      %dma_start3A_28 = arith.constant 0 : i32
      %dma_start3A_29 = tpu.memref_slice %arg3[%add3A, %dma_start3A, %dma_start3A_28] : memref<32x79x128xi32, #tpu.memory_space<hbm>> -> memref<1x79x128xi32, #tpu.memory_space<hbm>>
      %dma_start3A_30 = tpu.memref_squeeze %dma_start3A_29 : memref<1x79x128xi32, #tpu.memory_space<hbm>> -> memref<79x128xi32, #tpu.memory_space<hbm>>
      %dma_start3A_31 = arith.constant 0 : i32
      %dma_start3A_32 = arith.constant 0 : i32
      %dma_start3A_33 = tpu.memref_slice %arg3[%add3A, %dma_start3A_31, %dma_start3A_32] : memref<32x79x128xi32, #tpu.memory_space<hbm>> -> memref<1x79x128xi32, #tpu.memory_space<hbm>>
      %dma_start3A_34 = tpu.memref_squeeze %dma_start3A_33 : memref<1x79x128xi32, #tpu.memory_space<hbm>> -> memref<79x128xi32, #tpu.memory_space<hbm>>
      tpu.enqueue_dma source(%dma_start3A_34 : memref<79x128xi32, #tpu.memory_space<hbm>>) target(%arg6 : memref<79x128xi32, #tpu.memory_space<vmem>>) target_semaphore(%run_scoped3A : memref<!tpu.dma_semaphore, #tpu.memory_space<semaphore_mem>>)
      %dma_wait3A = arith.constant 0 : i32
      %dma_wait3A_35 = arith.constant 0 : i32
      %dma_wait3A_36 = tpu.memref_slice %arg3[%add3A, %dma_wait3A, %dma_wait3A_35] : memref<32x79x128xi32, #tpu.memory_space<hbm>> -> memref<1x79x128xi32, #tpu.memory_space<hbm>>
      %dma_wait3A_37 = tpu.memref_squeeze %dma_wait3A_36 : memref<1x79x128xi32, #tpu.memory_space<hbm>> -> memref<79x128xi32, #tpu.memory_space<hbm>>
      %dma_wait3A_38 = arith.constant 0 : i32
      %dma_wait3A_39 = arith.constant 0 : i32
      %dma_wait3A_40 = tpu.memref_slice %arg3[%add3A, %dma_wait3A_38, %dma_wait3A_39] : memref<32x79x128xi32, #tpu.memory_space<hbm>> -> memref<1x79x128xi32, #tpu.memory_space<hbm>>
      %dma_wait3A_41 = tpu.memref_squeeze %dma_wait3A_40 : memref<1x79x128xi32, #tpu.memory_space<hbm>> -> memref<79x128xi32, #tpu.memory_space<hbm>>
      tpu.wait_dma2 semaphore(%run_scoped3A : memref<!tpu.dma_semaphore, #tpu.memory_space<semaphore_mem>>) src(%dma_wait3A_41 : memref<79x128xi32, #tpu.memory_space<hbm>>) dst(%arg6 : memref<79x128xi32, #tpu.memory_space<vmem>>)
      tpu.yield
    }) : () -> ()
    "tpu.region"() ({
      %run_scoped3A = tpu.sem_alloc : memref<!tpu.dma_semaphore, #tpu.memory_space<semaphore_mem>>
      %dma_start3A = arith.constant 0 : i32
      %dma_start3A_28 = arith.constant 0 : i32
      %dma_start3A_29 = tpu.memref_slice %arg4[%add3A, %dma_start3A, %dma_start3A_28] : memref<32x79x128xi32, #tpu.memory_space<hbm>> -> memref<1x79x128xi32, #tpu.memory_space<hbm>>
      %dma_start3A_30 = tpu.memref_squeeze %dma_start3A_29 : memref<1x79x128xi32, #tpu.memory_space<hbm>> -> memref<79x128xi32, #tpu.memory_space<hbm>>
      %dma_start3A_31 = arith.constant 0 : i32
      %dma_start3A_32 = arith.constant 0 : i32
      %dma_start3A_33 = tpu.memref_slice %arg4[%add3A, %dma_start3A_31, %dma_start3A_32] : memref<32x79x128xi32, #tpu.memory_space<hbm>> -> memref<1x79x128xi32, #tpu.memory_space<hbm>>
      %dma_start3A_34 = tpu.memref_squeeze %dma_start3A_33 : memref<1x79x128xi32, #tpu.memory_space<hbm>> -> memref<79x128xi32, #tpu.memory_space<hbm>>
      tpu.enqueue_dma source(%dma_start3A_34 : memref<79x128xi32, #tpu.memory_space<hbm>>) target(%arg7 : memref<79x128xi32, #tpu.memory_space<vmem>>) target_semaphore(%run_scoped3A : memref<!tpu.dma_semaphore, #tpu.memory_space<semaphore_mem>>)
      %dma_wait3A = arith.constant 0 : i32
      %dma_wait3A_35 = arith.constant 0 : i32
      %dma_wait3A_36 = tpu.memref_slice %arg4[%add3A, %dma_wait3A, %dma_wait3A_35] : memref<32x79x128xi32, #tpu.memory_space<hbm>> -> memref<1x79x128xi32, #tpu.memory_space<hbm>>
      %dma_wait3A_37 = tpu.memref_squeeze %dma_wait3A_36 : memref<1x79x128xi32, #tpu.memory_space<hbm>> -> memref<79x128xi32, #tpu.memory_space<hbm>>
      %dma_wait3A_38 = arith.constant 0 : i32
      %dma_wait3A_39 = arith.constant 0 : i32
      %dma_wait3A_40 = tpu.memref_slice %arg4[%add3A, %dma_wait3A_38, %dma_wait3A_39] : memref<32x79x128xi32, #tpu.memory_space<hbm>> -> memref<1x79x128xi32, #tpu.memory_space<hbm>>
      %dma_wait3A_41 = tpu.memref_squeeze %dma_wait3A_40 : memref<1x79x128xi32, #tpu.memory_space<hbm>> -> memref<79x128xi32, #tpu.memory_space<hbm>>
      tpu.wait_dma2 semaphore(%run_scoped3A : memref<!tpu.dma_semaphore, #tpu.memory_space<semaphore_mem>>) src(%dma_wait3A_41 : memref<79x128xi32, #tpu.memory_space<hbm>>) dst(%arg7 : memref<79x128xi32, #tpu.memory_space<vmem>>)
      tpu.yield
    }) : () -> ()
    %barrier3A = arith.constant 0 : index
    tpu.barrier barrier_id(%barrier3A)
    %scan3A_15 = arith.constant 0 : i32
    %scan3A_16 = arith.constant 0 : i32
    %scan3A_17 = arith.constant 79 : i32
    %scan3A_18 = arith.addi %scan3A_16, %scan3A_17 : i32
    %scan3A_19 = arith.constant 1 : i32
    scf.for %scan3A_28 = %scan3A_16 to %scan3A_18 step %scan3A_19  : i32 {
      %dma_start3A = arith.constant 0 : i32
      %dma_start3A_29 = tpu.memref_slice %arg6[%scan3A_28, %dma_start3A] : memref<79x128xi32, #tpu.memory_space<vmem>> -> memref<1x128xi32, #tpu.memory_space<vmem>>
      %dma_start3A_30 = tpu.memref_squeeze %dma_start3A_29 : memref<1x128xi32, #tpu.memory_space<vmem>> -> memref<128xi32, #tpu.memory_space<vmem>>
      %dma_start3A_31 = arith.constant 0 : i32
      %dma_start3A_32 = arith.constant 0 : i32
      %dma_start3A_33 = tpu.memref_slice %arg2[%dma_start3A_31, %dma_start3A_32] : memref<10240x128xf32, #tpu.memory_space<hbm>> -> memref<10240x128xf32, #tpu.memory_space<hbm>>
      tpu.enqueue_indirect_dma source(%dma_start3A_33 : memref<10240x128xf32, #tpu.memory_space<hbm>>) target(%arg8 : memref<128x128xf32, #tpu.memory_space<vmem>>) offsets(%dma_start3A_30 : memref<128xi32, #tpu.memory_space<vmem>>) semaphore(%arg10 : memref<!tpu.dma_semaphore, #tpu.memory_space<semaphore_mem>>)
      %dma_wait3A = arith.constant 0 : i32
      %dma_wait3A_34 = tpu.memref_slice %arg6[%scan3A_28, %dma_wait3A] : memref<79x128xi32, #tpu.memory_space<vmem>> -> memref<1x128xi32, #tpu.memory_space<vmem>>
      %dma_wait3A_35 = tpu.memref_squeeze %dma_wait3A_34 : memref<1x128xi32, #tpu.memory_space<vmem>> -> memref<128xi32, #tpu.memory_space<vmem>>
      %dma_wait3A_36 = arith.constant 0 : i32
      %dma_wait3A_37 = arith.constant 0 : i32
      %dma_wait3A_38 = tpu.memref_slice %arg2[%dma_wait3A_36, %dma_wait3A_37] : memref<10240x128xf32, #tpu.memory_space<hbm>> -> memref<10240x128xf32, #tpu.memory_space<hbm>>
      tpu.wait_indirect_dma semaphore(%arg10 : memref<!tpu.dma_semaphore, #tpu.memory_space<semaphore_mem>>) src(%dma_wait3A_38 : memref<10240x128xf32, #tpu.memory_space<hbm>>) dst(%arg8 : memref<128x128xf32, #tpu.memory_space<vmem>>)
      "tpu.region"() ({
        %run_scoped3A = tpu.sem_alloc : memref<!tpu.dma_semaphore, #tpu.memory_space<semaphore_mem>>
        %dma_start3A_39 = arith.constant 0 : i32
        %dma_start3A_40 = tpu.memref_slice %arg7[%scan3A_28, %dma_start3A_39] : memref<79x128xi32, #tpu.memory_space<vmem>> -> memref<1x128xi32, #tpu.memory_space<vmem>>
        %dma_start3A_41 = tpu.memref_squeeze %dma_start3A_40 : memref<1x128xi32, #tpu.memory_space<vmem>> -> memref<128xi32, #tpu.memory_space<vmem>>
        %dma_start3A_42 = arith.constant 0 : i32
        %dma_start3A_43 = arith.constant 0 : i32
        %dma_start3A_44 = tpu.memref_slice %arg11[%dma_start3A_42, %dma_start3A_43] : memref<10240x128xf32, #tpu.memory_space<vmem_shared>> -> memref<10240x128xf32, #tpu.memory_space<vmem_shared>>
        tpu.enqueue_indirect_dma source(%arg8 : memref<128x128xf32, #tpu.memory_space<vmem>>) target(%dma_start3A_44 : memref<10240x128xf32, #tpu.memory_space<vmem_shared>>) offsets(%dma_start3A_41 : memref<128xi32, #tpu.memory_space<vmem>>) semaphore(%run_scoped3A : memref<!tpu.dma_semaphore, #tpu.memory_space<semaphore_mem>>) {add = true}
        %dma_wait3A_45 = arith.constant 0 : i32
        %dma_wait3A_46 = tpu.memref_slice %arg7[%scan3A_28, %dma_wait3A_45] : memref<79x128xi32, #tpu.memory_space<vmem>> -> memref<1x128xi32, #tpu.memory_space<vmem>>
        %dma_wait3A_47 = tpu.memref_squeeze %dma_wait3A_46 : memref<1x128xi32, #tpu.memory_space<vmem>> -> memref<128xi32, #tpu.memory_space<vmem>>
        %dma_wait3A_48 = arith.constant 0 : i32
        %dma_wait3A_49 = arith.constant 0 : i32
        %dma_wait3A_50 = tpu.memref_slice %arg11[%dma_wait3A_48, %dma_wait3A_49] : memref<10240x128xf32, #tpu.memory_space<vmem_shared>> -> memref<10240x128xf32, #tpu.memory_space<vmem_shared>>
        tpu.wait_indirect_dma semaphore(%run_scoped3A : memref<!tpu.dma_semaphore, #tpu.memory_space<semaphore_mem>>) src(%arg8 : memref<128x128xf32, #tpu.memory_space<vmem>>) dst(%dma_wait3A_50 : memref<10240x128xf32, #tpu.memory_space<vmem_shared>>)
        tpu.yield
      }) : () -> ()
    }
    %scan3A_20 = arith.constant 79 : i32
    %barrier3A_21 = arith.constant 0 : index
    tpu.barrier barrier_id(%barrier3A_21)
    %scan3A_22 = arith.constant 0 : i32
    %scan3A_23 = arith.constant 0 : i32
    %scan3A_24 = arith.constant 10 : i32
    %scan3A_25 = arith.addi %scan3A_23, %scan3A_24 : i32
    %scan3A_26 = arith.constant 1 : i32
    scf.for %scan3A_28 = %scan3A_23 to %scan3A_25 step %scan3A_26  : i32 {
      %mul3A_29 = arith.constant 64 : i32
      %mul3A_30 = arith.muli %scan3A_28, %mul3A_29 : i32
      %add3A_31 = arith.addi %mul3A_2, %mul3A_30 : i32
      "tpu.region"() ({
        %run_scoped3A = tpu.sem_alloc : memref<!tpu.dma_semaphore, #tpu.memory_space<semaphore_mem>>
        %dma_start3A = arith.constant 0 : i32
        %dma_start3A_35 = tpu.memref_slice %arg11[%add3A_31, %dma_start3A] : memref<10240x128xf32, #tpu.memory_space<vmem_shared>> -> memref<64x128xf32, #tpu.memory_space<vmem_shared>>
        %dma_start3A_36 = arith.constant 0 : i32
        %dma_start3A_37 = tpu.memref_slice %arg11[%add3A_31, %dma_start3A_36] : memref<10240x128xf32, #tpu.memory_space<vmem_shared>> -> memref<64x128xf32, #tpu.memory_space<vmem_shared>>
        tpu.enqueue_dma source(%dma_start3A_37 : memref<64x128xf32, #tpu.memory_space<vmem_shared>>) target(%arg9 : memref<64x128xf32, #tpu.memory_space<vmem>>) target_semaphore(%run_scoped3A : memref<!tpu.dma_semaphore, #tpu.memory_space<semaphore_mem>>)
        %dma_wait3A = arith.constant 0 : i32
        %dma_wait3A_38 = tpu.memref_slice %arg11[%add3A_31, %dma_wait3A] : memref<10240x128xf32, #tpu.memory_space<vmem_shared>> -> memref<64x128xf32, #tpu.memory_space<vmem_shared>>
        %dma_wait3A_39 = arith.constant 0 : i32
        %dma_wait3A_40 = tpu.memref_slice %arg11[%add3A_31, %dma_wait3A_39] : memref<10240x128xf32, #tpu.memory_space<vmem_shared>> -> memref<64x128xf32, #tpu.memory_space<vmem_shared>>
        tpu.wait_dma2 semaphore(%run_scoped3A : memref<!tpu.dma_semaphore, #tpu.memory_space<semaphore_mem>>) src(%dma_wait3A_40 : memref<64x128xf32, #tpu.memory_space<vmem_shared>>) dst(%arg9 : memref<64x128xf32, #tpu.memory_space<vmem>>)
        tpu.yield
      }) : () -> ()
      %mul3A_32 = arith.constant 64 : i32
      %mul3A_33 = arith.muli %scan3A_28, %mul3A_32 : i32
      %add3A_34 = arith.addi %mul3A_2, %mul3A_33 : i32
      "tpu.region"() ({
        %run_scoped3A = tpu.sem_alloc : memref<!tpu.dma_semaphore, #tpu.memory_space<semaphore_mem>>
        %dma_start3A = arith.constant 0 : i32
        %dma_start3A_35 = tpu.memref_slice %arg5[%arg0, %add3A_34, %dma_start3A] : memref<2x10240x128xf32, #tpu.memory_space<hbm>> -> memref<1x64x128xf32, #tpu.memory_space<hbm>>
        %dma_start3A_36 = tpu.memref_squeeze %dma_start3A_35 : memref<1x64x128xf32, #tpu.memory_space<hbm>> -> memref<64x128xf32, #tpu.memory_space<hbm>>
        %dma_start3A_37 = arith.constant 0 : i32
        %dma_start3A_38 = tpu.memref_slice %arg5[%arg0, %add3A_34, %dma_start3A_37] : memref<2x10240x128xf32, #tpu.memory_space<hbm>> -> memref<1x64x128xf32, #tpu.memory_space<hbm>>
        %dma_start3A_39 = tpu.memref_squeeze %dma_start3A_38 : memref<1x64x128xf32, #tpu.memory_space<hbm>> -> memref<64x128xf32, #tpu.memory_space<hbm>>
        tpu.enqueue_dma source(%arg9 : memref<64x128xf32, #tpu.memory_space<vmem>>) target(%dma_start3A_39 : memref<64x128xf32, #tpu.memory_space<hbm>>) target_semaphore(%run_scoped3A : memref<!tpu.dma_semaphore, #tpu.memory_space<semaphore_mem>>)
        %dma_wait3A = arith.constant 0 : i32
        %dma_wait3A_40 = tpu.memref_slice %arg5[%arg0, %add3A_34, %dma_wait3A] : memref<2x10240x128xf32, #tpu.memory_space<hbm>> -> memref<1x64x128xf32, #tpu.memory_space<hbm>>
        %dma_wait3A_41 = tpu.memref_squeeze %dma_wait3A_40 : memref<1x64x128xf32, #tpu.memory_space<hbm>> -> memref<64x128xf32, #tpu.memory_space<hbm>>
        %dma_wait3A_42 = arith.constant 0 : i32
        %dma_wait3A_43 = tpu.memref_slice %arg5[%arg0, %add3A_34, %dma_wait3A_42] : memref<2x10240x128xf32, #tpu.memory_space<hbm>> -> memref<1x64x128xf32, #tpu.memory_space<hbm>>
        %dma_wait3A_44 = tpu.memref_squeeze %dma_wait3A_43 : memref<1x64x128xf32, #tpu.memory_space<hbm>> -> memref<64x128xf32, #tpu.memory_space<hbm>>
        tpu.wait_dma2 semaphore(%run_scoped3A : memref<!tpu.dma_semaphore, #tpu.memory_space<semaphore_mem>>) src(%arg9 : memref<64x128xf32, #tpu.memory_space<vmem>>) dst(%dma_wait3A_44 : memref<64x128xf32, #tpu.memory_space<hbm>>)
        tpu.yield
      }) : () -> ()
    }
    %scan3A_27 = arith.constant 10 : i32
    return
  }
}

#map = affine_map<(d0, d1) -> (0, 0, 0)>
module attributes {stable_mosaic.version = 14 : i64} {
  func.func @_sc_deg_body(%arg0: i32, %arg1: i32, %arg2: memref<32x79x128xi32, #tpu.memory_space<hbm>>, %arg3: memref<2x10240x128xf32, #tpu.memory_space<hbm>>, %arg4: memref<79x128xi32, #tpu.memory_space<vmem>>, %arg5: memref<128x128xf32, #tpu.memory_space<vmem>>, %arg6: memref<64x128xf32, #tpu.memory_space<vmem>>, %arg7: memref<10240x128xf32, #tpu.memory_space<vmem_shared>>) attributes {dimension_semantics = [#tpu.dimension_semantics<core_parallel>, #tpu.dimension_semantics<subcore_parallel>], iteration_bounds = array<i64: 2, 16>, scalar_prefetch = 0 : i64, scratch_operands = 4 : i64, tpu.core_type = #tpu.core_type<sc_vector_subcore>, window_params = [{transform_indices = #map}, {transform_indices = #map}]} {
    %mul3A = arith.constant 16 : i32
    %mul3A_0 = arith.muli %arg0, %mul3A : i32
    %add3A = arith.addi %mul3A_0, %arg1 : i32
    %mul3A_1 = arith.constant 640 : i32
    %mul3A_2 = arith.muli %arg1, %mul3A_1 : i32
    %broadcast_in_dim3A = arith.constant 0.000000e+00 : f32
    %broadcast_in_dim3A_3 = vector.broadcast %broadcast_in_dim3A : f32 to vector<16xf32>
    %broadcast_in_dim3A_4 = arith.constant 1.000000e+00 : f32
    %broadcast_in_dim3A_5 = vector.broadcast %broadcast_in_dim3A_4 : f32 to vector<16xf32>
    %scan3A = arith.constant 0 : i32
    %scan3A_6 = arith.constant 0 : i32
    %scan3A_7 = arith.constant 128 : i32
    %scan3A_8 = arith.addi %scan3A_6, %scan3A_7 : i32
    %scan3A_9 = arith.constant 1 : i32
    scf.for %scan3A_36 = %scan3A_6 to %scan3A_8 step %scan3A_9  : i32 {
      %swap3A = arith.index_cast %scan3A_36 : i32 to index
      %swap3A_37 = arith.constant 0 : index
      %swap3A_38 = tpu.vector_load %arg5[%swap3A, %swap3A_37] {strides = array<i32>} : memref<128x128xf32, #tpu.memory_space<vmem>>, vector<1x16xf32>,
      %swap3A_39 = vector.shape_cast %swap3A_38 : vector<1x16xf32> to vector<16xf32>
      %swap3A_40 = vector.shape_cast %broadcast_in_dim3A_5 : vector<16xf32> to vector<1x16xf32>
      tpu.vector_store %arg5[%swap3A, %swap3A_37], %swap3A_40 {strides = array<i32>} : memref<128x128xf32, #tpu.memory_space<vmem>>, vector<1x16xf32>,
      %swap3A_41 = arith.index_cast %scan3A_36 : i32 to index
      %swap3A_42 = arith.constant 16 : index
      %swap3A_43 = tpu.vector_load %arg5[%swap3A_41, %swap3A_42] {strides = array<i32>} : memref<128x128xf32, #tpu.memory_space<vmem>>, vector<1x16xf32>,
      %swap3A_44 = vector.shape_cast %swap3A_43 : vector<1x16xf32> to vector<16xf32>
      %swap3A_45 = vector.shape_cast %broadcast_in_dim3A_5 : vector<16xf32> to vector<1x16xf32>
      tpu.vector_store %arg5[%swap3A_41, %swap3A_42], %swap3A_45 {strides = array<i32>} : memref<128x128xf32, #tpu.memory_space<vmem>>, vector<1x16xf32>,
      %swap3A_46 = arith.index_cast %scan3A_36 : i32 to index
      %swap3A_47 = arith.constant 32 : index
      %swap3A_48 = tpu.vector_load %arg5[%swap3A_46, %swap3A_47] {strides = array<i32>} : memref<128x128xf32, #tpu.memory_space<vmem>>, vector<1x16xf32>,
      %swap3A_49 = vector.shape_cast %swap3A_48 : vector<1x16xf32> to vector<16xf32>
      %swap3A_50 = vector.shape_cast %broadcast_in_dim3A_5 : vector<16xf32> to vector<1x16xf32>
      tpu.vector_store %arg5[%swap3A_46, %swap3A_47], %swap3A_50 {strides = array<i32>} : memref<128x128xf32, #tpu.memory_space<vmem>>, vector<1x16xf32>,
      %swap3A_51 = arith.index_cast %scan3A_36 : i32 to index
      %swap3A_52 = arith.constant 48 : index
      %swap3A_53 = tpu.vector_load %arg5[%swap3A_51, %swap3A_52] {strides = array<i32>} : memref<128x128xf32, #tpu.memory_space<vmem>>, vector<1x16xf32>,
      %swap3A_54 = vector.shape_cast %swap3A_53 : vector<1x16xf32> to vector<16xf32>
      %swap3A_55 = vector.shape_cast %broadcast_in_dim3A_5 : vector<16xf32> to vector<1x16xf32>
      tpu.vector_store %arg5[%swap3A_51, %swap3A_52], %swap3A_55 {strides = array<i32>} : memref<128x128xf32, #tpu.memory_space<vmem>>, vector<1x16xf32>,
      %swap3A_56 = arith.index_cast %scan3A_36 : i32 to index
      %swap3A_57 = arith.constant 64 : index
      %swap3A_58 = tpu.vector_load %arg5[%swap3A_56, %swap3A_57] {strides = array<i32>} : memref<128x128xf32, #tpu.memory_space<vmem>>, vector<1x16xf32>,
      %swap3A_59 = vector.shape_cast %swap3A_58 : vector<1x16xf32> to vector<16xf32>
      %swap3A_60 = vector.shape_cast %broadcast_in_dim3A_5 : vector<16xf32> to vector<1x16xf32>
      tpu.vector_store %arg5[%swap3A_56, %swap3A_57], %swap3A_60 {strides = array<i32>} : memref<128x128xf32, #tpu.memory_space<vmem>>, vector<1x16xf32>,
      %swap3A_61 = arith.index_cast %scan3A_36 : i32 to index
      %swap3A_62 = arith.constant 80 : index
      %swap3A_63 = tpu.vector_load %arg5[%swap3A_61, %swap3A_62] {strides = array<i32>} : memref<128x128xf32, #tpu.memory_space<vmem>>, vector<1x16xf32>,
      %swap3A_64 = vector.shape_cast %swap3A_63 : vector<1x16xf32> to vector<16xf32>
      %swap3A_65 = vector.shape_cast %broadcast_in_dim3A_5 : vector<16xf32> to vector<1x16xf32>
      tpu.vector_store %arg5[%swap3A_61, %swap3A_62], %swap3A_65 {strides = array<i32>} : memref<128x128xf32, #tpu.memory_space<vmem>>, vector<1x16xf32>,
      %swap3A_66 = arith.index_cast %scan3A_36 : i32 to index
      %swap3A_67 = arith.constant 96 : index
      %swap3A_68 = tpu.vector_load %arg5[%swap3A_66, %swap3A_67] {strides = array<i32>} : memref<128x128xf32, #tpu.memory_space<vmem>>, vector<1x16xf32>,
      %swap3A_69 = vector.shape_cast %swap3A_68 : vector<1x16xf32> to vector<16xf32>
      %swap3A_70 = vector.shape_cast %broadcast_in_dim3A_5 : vector<16xf32> to vector<1x16xf32>
      tpu.vector_store %arg5[%swap3A_66, %swap3A_67], %swap3A_70 {strides = array<i32>} : memref<128x128xf32, #tpu.memory_space<vmem>>, vector<1x16xf32>,
      %swap3A_71 = arith.index_cast %scan3A_36 : i32 to index
      %swap3A_72 = arith.constant 112 : index
      %swap3A_73 = tpu.vector_load %arg5[%swap3A_71, %swap3A_72] {strides = array<i32>} : memref<128x128xf32, #tpu.memory_space<vmem>>, vector<1x16xf32>,
      %swap3A_74 = vector.shape_cast %swap3A_73 : vector<1x16xf32> to vector<16xf32>
      %swap3A_75 = vector.shape_cast %broadcast_in_dim3A_5 : vector<16xf32> to vector<1x16xf32>
      tpu.vector_store %arg5[%swap3A_71, %swap3A_72], %swap3A_75 {strides = array<i32>} : memref<128x128xf32, #tpu.memory_space<vmem>>, vector<1x16xf32>,
    }
    %scan3A_10 = arith.constant 128 : i32
    %scan3A_11 = arith.constant 0 : i32
    %scan3A_12 = arith.constant 0 : i32
    %scan3A_13 = arith.constant 64 : i32
    %scan3A_14 = arith.addi %scan3A_12, %scan3A_13 : i32
    %scan3A_15 = arith.constant 1 : i32
    scf.for %scan3A_36 = %scan3A_12 to %scan3A_14 step %scan3A_15  : i32 {
      %swap3A = arith.index_cast %scan3A_36 : i32 to index
      %swap3A_37 = arith.constant 0 : index
      %swap3A_38 = tpu.vector_load %arg6[%swap3A, %swap3A_37] {strides = array<i32>} : memref<64x128xf32, #tpu.memory_space<vmem>>, vector<1x16xf32>,
      %swap3A_39 = vector.shape_cast %swap3A_38 : vector<1x16xf32> to vector<16xf32>
      %swap3A_40 = vector.shape_cast %broadcast_in_dim3A_3 : vector<16xf32> to vector<1x16xf32>
      tpu.vector_store %arg6[%swap3A, %swap3A_37], %swap3A_40 {strides = array<i32>} : memref<64x128xf32, #tpu.memory_space<vmem>>, vector<1x16xf32>,
      %swap3A_41 = arith.index_cast %scan3A_36 : i32 to index
      %swap3A_42 = arith.constant 16 : index
      %swap3A_43 = tpu.vector_load %arg6[%swap3A_41, %swap3A_42] {strides = array<i32>} : memref<64x128xf32, #tpu.memory_space<vmem>>, vector<1x16xf32>,
      %swap3A_44 = vector.shape_cast %swap3A_43 : vector<1x16xf32> to vector<16xf32>
      %swap3A_45 = vector.shape_cast %broadcast_in_dim3A_3 : vector<16xf32> to vector<1x16xf32>
      tpu.vector_store %arg6[%swap3A_41, %swap3A_42], %swap3A_45 {strides = array<i32>} : memref<64x128xf32, #tpu.memory_space<vmem>>, vector<1x16xf32>,
      %swap3A_46 = arith.index_cast %scan3A_36 : i32 to index
      %swap3A_47 = arith.constant 32 : index
      %swap3A_48 = tpu.vector_load %arg6[%swap3A_46, %swap3A_47] {strides = array<i32>} : memref<64x128xf32, #tpu.memory_space<vmem>>, vector<1x16xf32>,
      %swap3A_49 = vector.shape_cast %swap3A_48 : vector<1x16xf32> to vector<16xf32>
      %swap3A_50 = vector.shape_cast %broadcast_in_dim3A_3 : vector<16xf32> to vector<1x16xf32>
      tpu.vector_store %arg6[%swap3A_46, %swap3A_47], %swap3A_50 {strides = array<i32>} : memref<64x128xf32, #tpu.memory_space<vmem>>, vector<1x16xf32>,
      %swap3A_51 = arith.index_cast %scan3A_36 : i32 to index
      %swap3A_52 = arith.constant 48 : index
      %swap3A_53 = tpu.vector_load %arg6[%swap3A_51, %swap3A_52] {strides = array<i32>} : memref<64x128xf32, #tpu.memory_space<vmem>>, vector<1x16xf32>,
      %swap3A_54 = vector.shape_cast %swap3A_53 : vector<1x16xf32> to vector<16xf32>
      %swap3A_55 = vector.shape_cast %broadcast_in_dim3A_3 : vector<16xf32> to vector<1x16xf32>
      tpu.vector_store %arg6[%swap3A_51, %swap3A_52], %swap3A_55 {strides = array<i32>} : memref<64x128xf32, #tpu.memory_space<vmem>>, vector<1x16xf32>,
      %swap3A_56 = arith.index_cast %scan3A_36 : i32 to index
      %swap3A_57 = arith.constant 64 : index
      %swap3A_58 = tpu.vector_load %arg6[%swap3A_56, %swap3A_57] {strides = array<i32>} : memref<64x128xf32, #tpu.memory_space<vmem>>, vector<1x16xf32>,
      %swap3A_59 = vector.shape_cast %swap3A_58 : vector<1x16xf32> to vector<16xf32>
      %swap3A_60 = vector.shape_cast %broadcast_in_dim3A_3 : vector<16xf32> to vector<1x16xf32>
      tpu.vector_store %arg6[%swap3A_56, %swap3A_57], %swap3A_60 {strides = array<i32>} : memref<64x128xf32, #tpu.memory_space<vmem>>, vector<1x16xf32>,
      %swap3A_61 = arith.index_cast %scan3A_36 : i32 to index
      %swap3A_62 = arith.constant 80 : index
      %swap3A_63 = tpu.vector_load %arg6[%swap3A_61, %swap3A_62] {strides = array<i32>} : memref<64x128xf32, #tpu.memory_space<vmem>>, vector<1x16xf32>,
      %swap3A_64 = vector.shape_cast %swap3A_63 : vector<1x16xf32> to vector<16xf32>
      %swap3A_65 = vector.shape_cast %broadcast_in_dim3A_3 : vector<16xf32> to vector<1x16xf32>
      tpu.vector_store %arg6[%swap3A_61, %swap3A_62], %swap3A_65 {strides = array<i32>} : memref<64x128xf32, #tpu.memory_space<vmem>>, vector<1x16xf32>,
      %swap3A_66 = arith.index_cast %scan3A_36 : i32 to index
      %swap3A_67 = arith.constant 96 : index
      %swap3A_68 = tpu.vector_load %arg6[%swap3A_66, %swap3A_67] {strides = array<i32>} : memref<64x128xf32, #tpu.memory_space<vmem>>, vector<1x16xf32>,
      %swap3A_69 = vector.shape_cast %swap3A_68 : vector<1x16xf32> to vector<16xf32>
      %swap3A_70 = vector.shape_cast %broadcast_in_dim3A_3 : vector<16xf32> to vector<1x16xf32>
      tpu.vector_store %arg6[%swap3A_66, %swap3A_67], %swap3A_70 {strides = array<i32>} : memref<64x128xf32, #tpu.memory_space<vmem>>, vector<1x16xf32>,
      %swap3A_71 = arith.index_cast %scan3A_36 : i32 to index
      %swap3A_72 = arith.constant 112 : index
      %swap3A_73 = tpu.vector_load %arg6[%swap3A_71, %swap3A_72] {strides = array<i32>} : memref<64x128xf32, #tpu.memory_space<vmem>>, vector<1x16xf32>,
      %swap3A_74 = vector.shape_cast %swap3A_73 : vector<1x16xf32> to vector<16xf32>
      %swap3A_75 = vector.shape_cast %broadcast_in_dim3A_3 : vector<16xf32> to vector<1x16xf32>
      tpu.vector_store %arg6[%swap3A_71, %swap3A_72], %swap3A_75 {strides = array<i32>} : memref<64x128xf32, #tpu.memory_space<vmem>>, vector<1x16xf32>,
    }
    %scan3A_16 = arith.constant 64 : i32
    %scan3A_17 = arith.constant 0 : i32
    %scan3A_18 = arith.constant 0 : i32
    %scan3A_19 = arith.constant 10 : i32
    %scan3A_20 = arith.addi %scan3A_18, %scan3A_19 : i32
    %scan3A_21 = arith.constant 1 : i32
    scf.for %scan3A_36 = %scan3A_18 to %scan3A_20 step %scan3A_21  : i32 {
      %mul3A_37 = arith.constant 64 : i32
      %mul3A_38 = arith.muli %scan3A_36, %mul3A_37 : i32
      %add3A_39 = arith.addi %mul3A_2, %mul3A_38 : i32
      "tpu.region"() ({
        %run_scoped3A = tpu.sem_alloc : memref<!tpu.dma_semaphore, #tpu.memory_space<semaphore_mem>>
        %dma_start3A = arith.constant 0 : i32
        %dma_start3A_40 = tpu.memref_slice %arg7[%add3A_39, %dma_start3A] : memref<10240x128xf32, #tpu.memory_space<vmem_shared>> -> memref<64x128xf32, #tpu.memory_space<vmem_shared>>
        %dma_start3A_41 = arith.constant 0 : i32
        %dma_start3A_42 = tpu.memref_slice %arg7[%add3A_39, %dma_start3A_41] : memref<10240x128xf32, #tpu.memory_space<vmem_shared>> -> memref<64x128xf32, #tpu.memory_space<vmem_shared>>
        tpu.enqueue_dma source(%arg6 : memref<64x128xf32, #tpu.memory_space<vmem>>) target(%dma_start3A_42 : memref<64x128xf32, #tpu.memory_space<vmem_shared>>) target_semaphore(%run_scoped3A : memref<!tpu.dma_semaphore, #tpu.memory_space<semaphore_mem>>)
        %dma_wait3A = arith.constant 0 : i32
        %dma_wait3A_43 = tpu.memref_slice %arg7[%add3A_39, %dma_wait3A] : memref<10240x128xf32, #tpu.memory_space<vmem_shared>> -> memref<64x128xf32, #tpu.memory_space<vmem_shared>>
        %dma_wait3A_44 = arith.constant 0 : i32
        %dma_wait3A_45 = tpu.memref_slice %arg7[%add3A_39, %dma_wait3A_44] : memref<10240x128xf32, #tpu.memory_space<vmem_shared>> -> memref<64x128xf32, #tpu.memory_space<vmem_shared>>
        tpu.wait_dma2 semaphore(%run_scoped3A : memref<!tpu.dma_semaphore, #tpu.memory_space<semaphore_mem>>) src(%arg6 : memref<64x128xf32, #tpu.memory_space<vmem>>) dst(%dma_wait3A_45 : memref<64x128xf32, #tpu.memory_space<vmem_shared>>)
        tpu.yield
      }) : () -> ()
    }
    %scan3A_22 = arith.constant 10 : i32
    "tpu.region"() ({
      %run_scoped3A = tpu.sem_alloc : memref<!tpu.dma_semaphore, #tpu.memory_space<semaphore_mem>>
      %dma_start3A = arith.constant 0 : i32
      %dma_start3A_36 = arith.constant 0 : i32
      %dma_start3A_37 = tpu.memref_slice %arg2[%add3A, %dma_start3A, %dma_start3A_36] : memref<32x79x128xi32, #tpu.memory_space<hbm>> -> memref<1x79x128xi32, #tpu.memory_space<hbm>>
      %dma_start3A_38 = tpu.memref_squeeze %dma_start3A_37 : memref<1x79x128xi32, #tpu.memory_space<hbm>> -> memref<79x128xi32, #tpu.memory_space<hbm>>
      %dma_start3A_39 = arith.constant 0 : i32
      %dma_start3A_40 = arith.constant 0 : i32
      %dma_start3A_41 = tpu.memref_slice %arg2[%add3A, %dma_start3A_39, %dma_start3A_40] : memref<32x79x128xi32, #tpu.memory_space<hbm>> -> memref<1x79x128xi32, #tpu.memory_space<hbm>>
      %dma_start3A_42 = tpu.memref_squeeze %dma_start3A_41 : memref<1x79x128xi32, #tpu.memory_space<hbm>> -> memref<79x128xi32, #tpu.memory_space<hbm>>
      tpu.enqueue_dma source(%dma_start3A_42 : memref<79x128xi32, #tpu.memory_space<hbm>>) target(%arg4 : memref<79x128xi32, #tpu.memory_space<vmem>>) target_semaphore(%run_scoped3A : memref<!tpu.dma_semaphore, #tpu.memory_space<semaphore_mem>>)
      %dma_wait3A = arith.constant 0 : i32
      %dma_wait3A_43 = arith.constant 0 : i32
      %dma_wait3A_44 = tpu.memref_slice %arg2[%add3A, %dma_wait3A, %dma_wait3A_43] : memref<32x79x128xi32, #tpu.memory_space<hbm>> -> memref<1x79x128xi32, #tpu.memory_space<hbm>>
      %dma_wait3A_45 = tpu.memref_squeeze %dma_wait3A_44 : memref<1x79x128xi32, #tpu.memory_space<hbm>> -> memref<79x128xi32, #tpu.memory_space<hbm>>
      %dma_wait3A_46 = arith.constant 0 : i32
      %dma_wait3A_47 = arith.constant 0 : i32
      %dma_wait3A_48 = tpu.memref_slice %arg2[%add3A, %dma_wait3A_46, %dma_wait3A_47] : memref<32x79x128xi32, #tpu.memory_space<hbm>> -> memref<1x79x128xi32, #tpu.memory_space<hbm>>
      %dma_wait3A_49 = tpu.memref_squeeze %dma_wait3A_48 : memref<1x79x128xi32, #tpu.memory_space<hbm>> -> memref<79x128xi32, #tpu.memory_space<hbm>>
      tpu.wait_dma2 semaphore(%run_scoped3A : memref<!tpu.dma_semaphore, #tpu.memory_space<semaphore_mem>>) src(%dma_wait3A_49 : memref<79x128xi32, #tpu.memory_space<hbm>>) dst(%arg4 : memref<79x128xi32, #tpu.memory_space<vmem>>)
      tpu.yield
    }) : () -> ()
    %barrier3A = arith.constant 0 : index
    tpu.barrier barrier_id(%barrier3A)
    %scan3A_23 = arith.constant 0 : i32
    %scan3A_24 = arith.constant 0 : i32
    %scan3A_25 = arith.constant 79 : i32
    %scan3A_26 = arith.addi %scan3A_24, %scan3A_25 : i32
    %scan3A_27 = arith.constant 1 : i32
    scf.for %scan3A_36 = %scan3A_24 to %scan3A_26 step %scan3A_27  : i32 {
      "tpu.region"() ({
        %run_scoped3A = tpu.sem_alloc : memref<!tpu.dma_semaphore, #tpu.memory_space<semaphore_mem>>
        %dma_start3A = arith.constant 0 : i32
        %dma_start3A_37 = tpu.memref_slice %arg4[%scan3A_36, %dma_start3A] : memref<79x128xi32, #tpu.memory_space<vmem>> -> memref<1x128xi32, #tpu.memory_space<vmem>>
        %dma_start3A_38 = tpu.memref_squeeze %dma_start3A_37 : memref<1x128xi32, #tpu.memory_space<vmem>> -> memref<128xi32, #tpu.memory_space<vmem>>
        %dma_start3A_39 = arith.constant 0 : i32
        %dma_start3A_40 = arith.constant 0 : i32
        %dma_start3A_41 = tpu.memref_slice %arg7[%dma_start3A_39, %dma_start3A_40] : memref<10240x128xf32, #tpu.memory_space<vmem_shared>> -> memref<10240x128xf32, #tpu.memory_space<vmem_shared>>
        tpu.enqueue_indirect_dma source(%arg5 : memref<128x128xf32, #tpu.memory_space<vmem>>) target(%dma_start3A_41 : memref<10240x128xf32, #tpu.memory_space<vmem_shared>>) offsets(%dma_start3A_38 : memref<128xi32, #tpu.memory_space<vmem>>) semaphore(%run_scoped3A : memref<!tpu.dma_semaphore, #tpu.memory_space<semaphore_mem>>) {add = true}
        %dma_wait3A = arith.constant 0 : i32
        %dma_wait3A_42 = tpu.memref_slice %arg4[%scan3A_36, %dma_wait3A] : memref<79x128xi32, #tpu.memory_space<vmem>> -> memref<1x128xi32, #tpu.memory_space<vmem>>
        %dma_wait3A_43 = tpu.memref_squeeze %dma_wait3A_42 : memref<1x128xi32, #tpu.memory_space<vmem>> -> memref<128xi32, #tpu.memory_space<vmem>>
        %dma_wait3A_44 = arith.constant 0 : i32
        %dma_wait3A_45 = arith.constant 0 : i32
        %dma_wait3A_46 = tpu.memref_slice %arg7[%dma_wait3A_44, %dma_wait3A_45] : memref<10240x128xf32, #tpu.memory_space<vmem_shared>> -> memref<10240x128xf32, #tpu.memory_space<vmem_shared>>
        tpu.wait_indirect_dma semaphore(%run_scoped3A : memref<!tpu.dma_semaphore, #tpu.memory_space<semaphore_mem>>) src(%arg5 : memref<128x128xf32, #tpu.memory_space<vmem>>) dst(%dma_wait3A_46 : memref<10240x128xf32, #tpu.memory_space<vmem_shared>>)
        tpu.yield
      }) : () -> ()
    }
    %scan3A_28 = arith.constant 79 : i32
    %barrier3A_29 = arith.constant 0 : index
    tpu.barrier barrier_id(%barrier3A_29)
    %scan3A_30 = arith.constant 0 : i32
    %scan3A_31 = arith.constant 0 : i32
    %scan3A_32 = arith.constant 10 : i32
    %scan3A_33 = arith.addi %scan3A_31, %scan3A_32 : i32
    %scan3A_34 = arith.constant 1 : i32
    scf.for %scan3A_36 = %scan3A_31 to %scan3A_33 step %scan3A_34  : i32 {
      %mul3A_37 = arith.constant 64 : i32
      %mul3A_38 = arith.muli %scan3A_36, %mul3A_37 : i32
      %add3A_39 = arith.addi %mul3A_2, %mul3A_38 : i32
      "tpu.region"() ({
        %run_scoped3A = tpu.sem_alloc : memref<!tpu.dma_semaphore, #tpu.memory_space<semaphore_mem>>
        %dma_start3A = arith.constant 0 : i32
        %dma_start3A_43 = tpu.memref_slice %arg7[%add3A_39, %dma_start3A] : memref<10240x128xf32, #tpu.memory_space<vmem_shared>> -> memref<64x128xf32, #tpu.memory_space<vmem_shared>>
        %dma_start3A_44 = arith.constant 0 : i32
        %dma_start3A_45 = tpu.memref_slice %arg7[%add3A_39, %dma_start3A_44] : memref<10240x128xf32, #tpu.memory_space<vmem_shared>> -> memref<64x128xf32, #tpu.memory_space<vmem_shared>>
        tpu.enqueue_dma source(%dma_start3A_45 : memref<64x128xf32, #tpu.memory_space<vmem_shared>>) target(%arg6 : memref<64x128xf32, #tpu.memory_space<vmem>>) target_semaphore(%run_scoped3A : memref<!tpu.dma_semaphore, #tpu.memory_space<semaphore_mem>>)
        %dma_wait3A = arith.constant 0 : i32
        %dma_wait3A_46 = tpu.memref_slice %arg7[%add3A_39, %dma_wait3A] : memref<10240x128xf32, #tpu.memory_space<vmem_shared>> -> memref<64x128xf32, #tpu.memory_space<vmem_shared>>
        %dma_wait3A_47 = arith.constant 0 : i32
        %dma_wait3A_48 = tpu.memref_slice %arg7[%add3A_39, %dma_wait3A_47] : memref<10240x128xf32, #tpu.memory_space<vmem_shared>> -> memref<64x128xf32, #tpu.memory_space<vmem_shared>>
        tpu.wait_dma2 semaphore(%run_scoped3A : memref<!tpu.dma_semaphore, #tpu.memory_space<semaphore_mem>>) src(%dma_wait3A_48 : memref<64x128xf32, #tpu.memory_space<vmem_shared>>) dst(%arg6 : memref<64x128xf32, #tpu.memory_space<vmem>>)
        tpu.yield
      }) : () -> ()
      %mul3A_40 = arith.constant 64 : i32
      %mul3A_41 = arith.muli %scan3A_36, %mul3A_40 : i32
      %add3A_42 = arith.addi %mul3A_2, %mul3A_41 : i32
      "tpu.region"() ({
        %run_scoped3A = tpu.sem_alloc : memref<!tpu.dma_semaphore, #tpu.memory_space<semaphore_mem>>
        %dma_start3A = arith.constant 0 : i32
        %dma_start3A_43 = tpu.memref_slice %arg3[%arg0, %add3A_42, %dma_start3A] : memref<2x10240x128xf32, #tpu.memory_space<hbm>> -> memref<1x64x128xf32, #tpu.memory_space<hbm>>
        %dma_start3A_44 = tpu.memref_squeeze %dma_start3A_43 : memref<1x64x128xf32, #tpu.memory_space<hbm>> -> memref<64x128xf32, #tpu.memory_space<hbm>>
        %dma_start3A_45 = arith.constant 0 : i32
        %dma_start3A_46 = tpu.memref_slice %arg3[%arg0, %add3A_42, %dma_start3A_45] : memref<2x10240x128xf32, #tpu.memory_space<hbm>> -> memref<1x64x128xf32, #tpu.memory_space<hbm>>
        %dma_start3A_47 = tpu.memref_squeeze %dma_start3A_46 : memref<1x64x128xf32, #tpu.memory_space<hbm>> -> memref<64x128xf32, #tpu.memory_space<hbm>>
        tpu.enqueue_dma source(%arg6 : memref<64x128xf32, #tpu.memory_space<vmem>>) target(%dma_start3A_47 : memref<64x128xf32, #tpu.memory_space<hbm>>) target_semaphore(%run_scoped3A : memref<!tpu.dma_semaphore, #tpu.memory_space<semaphore_mem>>)
        %dma_wait3A = arith.constant 0 : i32
        %dma_wait3A_48 = tpu.memref_slice %arg3[%arg0, %add3A_42, %dma_wait3A] : memref<2x10240x128xf32, #tpu.memory_space<hbm>> -> memref<1x64x128xf32, #tpu.memory_space<hbm>>
        %dma_wait3A_49 = tpu.memref_squeeze %dma_wait3A_48 : memref<1x64x128xf32, #tpu.memory_space<hbm>> -> memref<64x128xf32, #tpu.memory_space<hbm>>
        %dma_wait3A_50 = arith.constant 0 : i32
        %dma_wait3A_51 = tpu.memref_slice %arg3[%arg0, %add3A_42, %dma_wait3A_50] : memref<2x10240x128xf32, #tpu.memory_space<hbm>> -> memref<1x64x128xf32, #tpu.memory_space<hbm>>
        %dma_wait3A_52 = tpu.memref_squeeze %dma_wait3A_51 : memref<1x64x128xf32, #tpu.memory_space<hbm>> -> memref<64x128xf32, #tpu.memory_space<hbm>>
        tpu.wait_dma2 semaphore(%run_scoped3A : memref<!tpu.dma_semaphore, #tpu.memory_space<semaphore_mem>>) src(%arg6 : memref<64x128xf32, #tpu.memory_space<vmem>>) dst(%dma_wait3A_52 : memref<64x128xf32, #tpu.memory_space<hbm>>)
        tpu.yield
      }) : () -> ()
    }
    %scan3A_35 = arith.constant 10 : i32
    return
  }
}

module attributes {stable_mosaic.version = 14 : i64} {
  func.func @_tc1_body(%arg0: i32, %arg1: memref<1024x128xf32, #tpu.memory_space<vmem>>, %arg2: memref<128x128xf32, #tpu.memory_space<vmem>>, %arg3: memref<128x128xf32, #tpu.memory_space<vmem>>, %arg4: memref<1024x128xf32, #tpu.memory_space<vmem>>, %arg5: memref<1024x128xf32, #tpu.memory_space<vmem>>) attributes {dimension_semantics = [#tpu.dimension_semantics<arbitrary>], iteration_bounds = array<i64: 10>, scalar_prefetch = 0 : i64, scratch_operands = 0 : i64, tpu.core_type = #tpu.core_type<tc>, window_params = [{transform_indices = @transform_0, window_bounds = array<i64: 1024, 128>}, {pipeline_mode = #tpu.pipeline_mode<synchronous>, transform_indices = @transform_1, window_bounds = array<i64: 128, 128>}, {pipeline_mode = #tpu.pipeline_mode<synchronous>, transform_indices = @transform_2, window_bounds = array<i64: 128, 128>}, {transform_indices = @transform_3, window_bounds = array<i64: 1024, 128>}, {transform_indices = @transform_4, window_bounds = array<i64: 1024, 128>}]} {
    %get3A = arith.constant 0 : index
    %get3A_0 = arith.constant 0 : index
    %get3A_1 = vector.load %arg1[%get3A, %get3A_0] : memref<1024x128xf32, #tpu.memory_space<vmem>>, vector<1024x128xf32>
    %get3A_2 = arith.constant 0 : index
    %get3A_3 = arith.constant 0 : index
    %get3A_4 = vector.load %arg2[%get3A_2, %get3A_3] : memref<128x128xf32, #tpu.memory_space<vmem>>, vector<128x128xf32>
    %dot_general3A = arith.constant dense<0.000000e+00> : vector<1024x128xf32>
    %dot_general3A_5 = tpu.matmul %get3A_1, %get3A_4, %dot_general3A {dimension_numbers = #tpu.dot_dimension_numbers<[1], [0], [0], [1], [0, 0, 1, 1], [], []>, transpose_lhs_hint = false} : vector<1024x128xf32>, vector<128x128xf32>, vector<1024x128xf32> -> vector<1024x128xf32>
    %swap3A = arith.constant 0 : index
    %swap3A_6 = arith.constant 0 : index
    %swap3A_7 = vector.load %arg4[%swap3A, %swap3A_6] : memref<1024x128xf32, #tpu.memory_space<vmem>>, vector<1024x128xf32>
    tpu.vector_store %arg4[%swap3A, %swap3A_6], %dot_general3A_5 {strides = array<i32>} : memref<1024x128xf32, #tpu.memory_space<vmem>>, vector<1024x128xf32>,
    %get3A_8 = arith.constant 0 : index
    %get3A_9 = arith.constant 0 : index
    %get3A_10 = vector.load %arg3[%get3A_8, %get3A_9] : memref<128x128xf32, #tpu.memory_space<vmem>>, vector<128x128xf32>
    %dot_general3A_11 = arith.constant dense<0.000000e+00> : vector<1024x128xf32>
    %dot_general3A_12 = tpu.matmul %get3A_1, %get3A_10, %dot_general3A_11 {dimension_numbers = #tpu.dot_dimension_numbers<[1], [0], [0], [1], [0, 0, 1, 1], [], []>, transpose_lhs_hint = false} : vector<1024x128xf32>, vector<128x128xf32>, vector<1024x128xf32> -> vector<1024x128xf32>
    %swap3A_13 = arith.constant 0 : index
    %swap3A_14 = arith.constant 0 : index
    %swap3A_15 = vector.load %arg5[%swap3A_13, %swap3A_14] : memref<1024x128xf32, #tpu.memory_space<vmem>>, vector<1024x128xf32>
    tpu.vector_store %arg5[%swap3A_13, %swap3A_14], %dot_general3A_12 {strides = array<i32>} : memref<1024x128xf32, #tpu.memory_space<vmem>>, vector<1024x128xf32>,
    return
  }
  func.func @transform_0(%arg0: i32) -> (i32, i32) {
    %c0_i32 = arith.constant 0 : i32
    %c0_i32_0 = arith.constant 0 : i32
    return %arg0, %c0_i32 : i32, i32
  }
  func.func @transform_1(%arg0: i32) -> (i32, i32) {
    %c0_i32 = arith.constant 0 : i32
    %c0_i32_0 = arith.constant 0 : i32
    %c0_i32_1 = arith.constant 0 : i32
    return %c0_i32, %c0_i32_0 : i32, i32
  }
  func.func @transform_2(%arg0: i32) -> (i32, i32) {
    %c0_i32 = arith.constant 0 : i32
    %c0_i32_0 = arith.constant 0 : i32
    %c0_i32_1 = arith.constant 0 : i32
    return %c0_i32, %c0_i32_0 : i32, i32
  }
  func.func @transform_3(%arg0: i32) -> (i32, i32) {
    %c0_i32 = arith.constant 0 : i32
    %c0_i32_0 = arith.constant 0 : i32
    return %arg0, %c0_i32 : i32, i32
  }
  func.func @transform_4(%arg0: i32) -> (i32, i32) {
    %c0_i32 = arith.constant 0 : i32
    %c0_i32_0 = arith.constant 0 : i32
    return %arg0, %c0_i32 : i32, i32
  }
}

module attributes {stable_mosaic.version = 14 : i64} {
  func.func @_tc2_body(%arg0: i32, %arg1: memref<2x1024x128xf32, #tpu.memory_space<vmem>>, %arg2: memref<2x1024x128xf32, #tpu.memory_space<vmem>>, %arg3: memref<1024x128xf32, #tpu.memory_space<vmem>>, %arg4: memref<1x128xf32, #tpu.memory_space<vmem>>, %arg5: memref<128x128xf32, #tpu.memory_space<vmem>>, %arg6: memref<128x128xf32, #tpu.memory_space<vmem>>, %arg7: memref<1024x128xf32, #tpu.memory_space<vmem>>, %arg8: memref<1024x128xf32, #tpu.memory_space<vmem>>) attributes {dimension_semantics = [#tpu.dimension_semantics<arbitrary>], iteration_bounds = array<i64: 10>, scalar_prefetch = 0 : i64, scratch_operands = 0 : i64, tpu.core_type = #tpu.core_type<tc>, window_params = [{transform_indices = @transform_0, window_bounds = array<i64: 2, 1024, 128>}, {transform_indices = @transform_1, window_bounds = array<i64: 2, 1024, 128>}, {transform_indices = @transform_2, window_bounds = array<i64: 1024, 128>}, {pipeline_mode = #tpu.pipeline_mode<synchronous>, transform_indices = @transform_3, window_bounds = array<i64: 1, 128>}, {pipeline_mode = #tpu.pipeline_mode<synchronous>, transform_indices = @transform_4, window_bounds = array<i64: 128, 128>}, {pipeline_mode = #tpu.pipeline_mode<synchronous>, transform_indices = @transform_5, window_bounds = array<i64: 128, 128>}, {transform_indices = @transform_6, window_bounds = array<i64: 1024, 128>}, {transform_indices = @transform_7, window_bounds = array<i64: 1024, 128>}]} {
    %get3A = arith.constant 0 : index
    %get3A_0 = arith.constant 0 : index
    %get3A_1 = arith.constant 0 : index
    %get3A_2 = vector.load %arg2[%get3A, %get3A_0, %get3A_1] : memref<2x1024x128xf32, #tpu.memory_space<vmem>>, vector<1x1024x1xf32>
    %get3A_3 = vector.shape_cast %get3A_2 : vector<1x1024x1xf32> to vector<1024x1xf32>
    %get3A_4 = arith.constant 1 : index
    %get3A_5 = arith.constant 0 : index
    %get3A_6 = arith.constant 0 : index
    %get3A_7 = vector.load %arg2[%get3A_4, %get3A_5, %get3A_6] : memref<2x1024x128xf32, #tpu.memory_space<vmem>>, vector<1x1024x1xf32>
    %get3A_8 = vector.shape_cast %get3A_7 : vector<1x1024x1xf32> to vector<1024x1xf32>
    %add3A = arith.addf %get3A_3, %get3A_8 : vector<1024x1xf32>
    %max3A = arith.constant 1.000000e+00 : f32
    %max3A_9 = vector.broadcast %max3A : f32 to vector<1024x1xf32>
    %max3A_10 = arith.maximumf %add3A, %max3A_9 : vector<1024x1xf32>
    %get3A_11 = arith.constant 0 : index
    %get3A_12 = arith.constant 0 : index
    %get3A_13 = arith.constant 0 : index
    %get3A_14 = vector.load %arg1[%get3A_11, %get3A_12, %get3A_13] : memref<2x1024x128xf32, #tpu.memory_space<vmem>>, vector<1x1024x128xf32>
    %get3A_15 = vector.shape_cast %get3A_14 : vector<1x1024x128xf32> to vector<1024x128xf32>
    %get3A_16 = arith.constant 1 : index
    %get3A_17 = arith.constant 0 : index
    %get3A_18 = arith.constant 0 : index
    %get3A_19 = vector.load %arg1[%get3A_16, %get3A_17, %get3A_18] : memref<2x1024x128xf32, #tpu.memory_space<vmem>>, vector<1x1024x128xf32>
    %get3A_20 = vector.shape_cast %get3A_19 : vector<1x1024x128xf32> to vector<1024x128xf32>
    %add3A_21 = arith.addf %get3A_15, %get3A_20 : vector<1024x128xf32>
    %div3A = vector.broadcast %max3A_10 : vector<1024x1xf32> to vector<1024x128xf32>
    %div3A_22 = arith.divf %add3A_21, %div3A : vector<1024x128xf32>
    %get3A_23 = arith.constant 0 : index
    %get3A_24 = arith.constant 0 : index
    %get3A_25 = vector.load %arg4[%get3A_23, %get3A_24] : memref<1x128xf32, #tpu.memory_space<vmem>>, vector<1x128xf32>
    %add3A_26 = vector.broadcast %get3A_25 : vector<1x128xf32> to vector<1024x128xf32>
    %add3A_27 = arith.addf %div3A_22, %add3A_26 : vector<1024x128xf32>
    %get3A_28 = arith.constant 0 : index
    %get3A_29 = arith.constant 0 : index
    %get3A_30 = vector.load %arg3[%get3A_28, %get3A_29] : memref<1024x128xf32, #tpu.memory_space<vmem>>, vector<1024x128xf32>
    %add3A_31 = arith.addf %add3A_27, %get3A_30 : vector<1024x128xf32>
    %max3A_32 = arith.constant 0.000000e+00 : f32
    %max3A_33 = vector.broadcast %max3A_32 : f32 to vector<1024x128xf32>
    %max3A_34 = arith.maximumf %add3A_31, %max3A_33 : vector<1024x128xf32>
    %get3A_35 = arith.constant 0 : index
    %get3A_36 = arith.constant 0 : index
    %get3A_37 = vector.load %arg5[%get3A_35, %get3A_36] : memref<128x128xf32, #tpu.memory_space<vmem>>, vector<128x128xf32>
    %dot_general3A = arith.constant dense<0.000000e+00> : vector<1024x128xf32>
    %dot_general3A_38 = tpu.matmul %max3A_34, %get3A_37, %dot_general3A {dimension_numbers = #tpu.dot_dimension_numbers<[1], [0], [0], [1], [0, 0, 1, 1], [], []>, transpose_lhs_hint = false} : vector<1024x128xf32>, vector<128x128xf32>, vector<1024x128xf32> -> vector<1024x128xf32>
    %swap3A = arith.constant 0 : index
    %swap3A_39 = arith.constant 0 : index
    %swap3A_40 = vector.load %arg7[%swap3A, %swap3A_39] : memref<1024x128xf32, #tpu.memory_space<vmem>>, vector<1024x128xf32>
    tpu.vector_store %arg7[%swap3A, %swap3A_39], %dot_general3A_38 {strides = array<i32>} : memref<1024x128xf32, #tpu.memory_space<vmem>>, vector<1024x128xf32>,
    %get3A_41 = arith.constant 0 : index
    %get3A_42 = arith.constant 0 : index
    %get3A_43 = vector.load %arg6[%get3A_41, %get3A_42] : memref<128x128xf32, #tpu.memory_space<vmem>>, vector<128x128xf32>
    %dot_general3A_44 = arith.constant dense<0.000000e+00> : vector<1024x128xf32>
    %dot_general3A_45 = tpu.matmul %max3A_34, %get3A_43, %dot_general3A_44 {dimension_numbers = #tpu.dot_dimension_numbers<[1], [0], [0], [1], [0, 0, 1, 1], [], []>, transpose_lhs_hint = false} : vector<1024x128xf32>, vector<128x128xf32>, vector<1024x128xf32> -> vector<1024x128xf32>
    %swap3A_46 = arith.constant 0 : index
    %swap3A_47 = arith.constant 0 : index
    %swap3A_48 = vector.load %arg8[%swap3A_46, %swap3A_47] : memref<1024x128xf32, #tpu.memory_space<vmem>>, vector<1024x128xf32>
    tpu.vector_store %arg8[%swap3A_46, %swap3A_47], %dot_general3A_45 {strides = array<i32>} : memref<1024x128xf32, #tpu.memory_space<vmem>>, vector<1024x128xf32>,
    return
  }
  func.func @transform_0(%arg0: i32) -> (i32, i32, i32) {
    %c0_i32 = arith.constant 0 : i32
    %c0_i32_0 = arith.constant 0 : i32
    %c0_i32_1 = arith.constant 0 : i32
    return %c0_i32, %arg0, %c0_i32_0 : i32, i32, i32
  }
  func.func @transform_1(%arg0: i32) -> (i32, i32, i32) {
    %c0_i32 = arith.constant 0 : i32
    %c0_i32_0 = arith.constant 0 : i32
    %c0_i32_1 = arith.constant 0 : i32
    return %c0_i32, %arg0, %c0_i32_0 : i32, i32, i32
  }
  func.func @transform_2(%arg0: i32) -> (i32, i32) {
    %c0_i32 = arith.constant 0 : i32
    %c0_i32_0 = arith.constant 0 : i32
    return %arg0, %c0_i32 : i32, i32
  }
  func.func @transform_3(%arg0: i32) -> (i32, i32) {
    %c0_i32 = arith.constant 0 : i32
    %c0_i32_0 = arith.constant 0 : i32
    %c0_i32_1 = arith.constant 0 : i32
    return %c0_i32, %c0_i32_0 : i32, i32
  }
  func.func @transform_4(%arg0: i32) -> (i32, i32) {
    %c0_i32 = arith.constant 0 : i32
    %c0_i32_0 = arith.constant 0 : i32
    %c0_i32_1 = arith.constant 0 : i32
    return %c0_i32, %c0_i32_0 : i32, i32
  }
  func.func @transform_5(%arg0: i32) -> (i32, i32) {
    %c0_i32 = arith.constant 0 : i32
    %c0_i32_0 = arith.constant 0 : i32
    %c0_i32_1 = arith.constant 0 : i32
    return %c0_i32, %c0_i32_0 : i32, i32
  }
  func.func @transform_6(%arg0: i32) -> (i32, i32) {
    %c0_i32 = arith.constant 0 : i32
    %c0_i32_0 = arith.constant 0 : i32
    return %arg0, %c0_i32 : i32, i32
  }
  func.func @transform_7(%arg0: i32) -> (i32, i32) {
    %c0_i32 = arith.constant 0 : i32
    %c0_i32_0 = arith.constant 0 : i32
    return %arg0, %c0_i32 : i32, i32
  }
}

module attributes {stable_mosaic.version = 14 : i64} {
  func.func @_tc3_body(%arg0: i32, %arg1: memref<2x1024x128xf32, #tpu.memory_space<vmem>>, %arg2: memref<2x1024x128xf32, #tpu.memory_space<vmem>>, %arg3: memref<1024x128xf32, #tpu.memory_space<vmem>>, %arg4: memref<1x128xf32, #tpu.memory_space<vmem>>, %arg5: memref<1024x1xi32, #tpu.memory_space<vmem>>, %arg6: memref<1x128xf32, #tpu.memory_space<vmem>>, %arg7: memref<1024x128xf32, #tpu.memory_space<vmem>>, %arg8: memref<64x128xf32, #tpu.memory_space<vmem>>) attributes {dimension_semantics = [#tpu.dimension_semantics<arbitrary>], iteration_bounds = array<i64: 10>, scalar_prefetch = 0 : i64, scratch_operands = 1 : i64, tpu.core_type = #tpu.core_type<tc>, window_params = [{transform_indices = @transform_0, window_bounds = array<i64: 2, 1024, 128>}, {transform_indices = @transform_1, window_bounds = array<i64: 2, 1024, 128>}, {transform_indices = @transform_2, window_bounds = array<i64: 1024, 128>}, {pipeline_mode = #tpu.pipeline_mode<synchronous>, transform_indices = @transform_3, window_bounds = array<i64: 1, 128>}, {transform_indices = @transform_4, window_bounds = array<i64: 1024, 1>}, {pipeline_mode = #tpu.pipeline_mode<synchronous>, transform_indices = @transform_5, window_bounds = array<i64: 1, 128>}, {transform_indices = @transform_6, window_bounds = array<i64: 1024, 128>}]} {
    %get3A = arith.constant 0 : index
    %get3A_0 = arith.constant 0 : index
    %get3A_1 = arith.constant 0 : index
    %get3A_2 = vector.load %arg2[%get3A, %get3A_0, %get3A_1] : memref<2x1024x128xf32, #tpu.memory_space<vmem>>, vector<1x1024x1xf32>
    %get3A_3 = vector.shape_cast %get3A_2 : vector<1x1024x1xf32> to vector<1024x1xf32>
    %get3A_4 = arith.constant 1 : index
    %get3A_5 = arith.constant 0 : index
    %get3A_6 = arith.constant 0 : index
    %get3A_7 = vector.load %arg2[%get3A_4, %get3A_5, %get3A_6] : memref<2x1024x128xf32, #tpu.memory_space<vmem>>, vector<1x1024x1xf32>
    %get3A_8 = vector.shape_cast %get3A_7 : vector<1x1024x1xf32> to vector<1024x1xf32>
    %add3A = arith.addf %get3A_3, %get3A_8 : vector<1024x1xf32>
    %max3A = arith.constant 1.000000e+00 : f32
    %max3A_9 = vector.broadcast %max3A : f32 to vector<1024x1xf32>
    %max3A_10 = arith.maximumf %add3A, %max3A_9 : vector<1024x1xf32>
    %get3A_11 = arith.constant 0 : index
    %get3A_12 = arith.constant 0 : index
    %get3A_13 = arith.constant 0 : index
    %get3A_14 = vector.load %arg1[%get3A_11, %get3A_12, %get3A_13] : memref<2x1024x128xf32, #tpu.memory_space<vmem>>, vector<1x1024x128xf32>
    %get3A_15 = vector.shape_cast %get3A_14 : vector<1x1024x128xf32> to vector<1024x128xf32>
    %get3A_16 = arith.constant 1 : index
    %get3A_17 = arith.constant 0 : index
    %get3A_18 = arith.constant 0 : index
    %get3A_19 = vector.load %arg1[%get3A_16, %get3A_17, %get3A_18] : memref<2x1024x128xf32, #tpu.memory_space<vmem>>, vector<1x1024x128xf32>
    %get3A_20 = vector.shape_cast %get3A_19 : vector<1x1024x128xf32> to vector<1024x128xf32>
    %add3A_21 = arith.addf %get3A_15, %get3A_20 : vector<1024x128xf32>
    %div3A = vector.broadcast %max3A_10 : vector<1024x1xf32> to vector<1024x128xf32>
    %div3A_22 = arith.divf %add3A_21, %div3A : vector<1024x128xf32>
    %get3A_23 = arith.constant 0 : index
    %get3A_24 = arith.constant 0 : index
    %get3A_25 = vector.load %arg4[%get3A_23, %get3A_24] : memref<1x128xf32, #tpu.memory_space<vmem>>, vector<1x128xf32>
    %add3A_26 = vector.broadcast %get3A_25 : vector<1x128xf32> to vector<1024x128xf32>
    %add3A_27 = arith.addf %div3A_22, %add3A_26 : vector<1024x128xf32>
    %get3A_28 = arith.constant 0 : index
    %get3A_29 = arith.constant 0 : index
    %get3A_30 = vector.load %arg3[%get3A_28, %get3A_29] : memref<1024x128xf32, #tpu.memory_space<vmem>>, vector<1024x128xf32>
    %add3A_31 = arith.addf %add3A_27, %get3A_30 : vector<1024x128xf32>
    %reduce_max3A = arith.constant dense<0xFF800000> : vector<1024xf32>
    %reduce_max3A_32 = vector.multi_reduction <maximumf>, %add3A_31, %reduce_max3A [1] : vector<1024x128xf32> to vector<1024xf32>
    %broadcast_in_dim3A = vector.shape_cast %reduce_max3A_32 : vector<1024xf32> to vector<1024x1xf32>
    %sub3A = vector.broadcast %broadcast_in_dim3A : vector<1024x1xf32> to vector<1024x128xf32>
    %sub3A_33 = arith.subf %add3A_31, %sub3A : vector<1024x128xf32>
    %exp3A = math.exp %sub3A_33 : vector<1024x128xf32>
    %reduce_sum3A = arith.constant dense<0.000000e+00> : vector<1024xf32>
    %reduce_sum3A_34 = vector.multi_reduction <add>, %exp3A, %reduce_sum3A [1] : vector<1024x128xf32> to vector<1024xf32>
    %broadcast_in_dim3A_35 = vector.shape_cast %reduce_sum3A_34 : vector<1024xf32> to vector<1024x1xf32>
    %log3A = math.log %broadcast_in_dim3A_35 : vector<1024x1xf32>
    %add3A_36 = arith.addf %log3A, %broadcast_in_dim3A : vector<1024x1xf32>
    %sub3A_37 = vector.broadcast %add3A_36 : vector<1024x1xf32> to vector<1024x128xf32>
    %sub3A_38 = arith.subf %add3A_31, %sub3A_37 : vector<1024x128xf32>
    %swap3A = arith.constant 0 : index
    %swap3A_39 = arith.constant 0 : index
    %swap3A_40 = vector.load %arg7[%swap3A, %swap3A_39] : memref<1024x128xf32, #tpu.memory_space<vmem>>, vector<1024x128xf32>
    tpu.vector_store %arg7[%swap3A, %swap3A_39], %sub3A_38 {strides = array<i32>} : memref<1024x128xf32, #tpu.memory_space<vmem>>, vector<1024x128xf32>,
    %eq3A = arith.constant 0 : i32
    %eq3A_41 = arith.cmpi eq, %arg0, %eq3A : i32
    %convert_element_type3A = arith.extui %eq3A_41 : i1 to i32
    %cond3A = arith.constant 0 : i32
    %cond3A_42 = arith.cmpi ne, %convert_element_type3A, %cond3A : i32
    scf.if %cond3A_42 {
      %broadcast_in_dim3A_760 = arith.constant 0xFF800000 : f32
      %broadcast_in_dim3A_761 = vector.broadcast %broadcast_in_dim3A_760 : f32 to vector<64x128xf32>
      %swap3A_762 = arith.constant 0 : index
      %swap3A_763 = arith.constant 0 : index
      %swap3A_764 = vector.load %arg8[%swap3A_762, %swap3A_763] : memref<64x128xf32, #tpu.memory_space<vmem>>, vector<64x128xf32>
      tpu.vector_store %arg8[%swap3A_762, %swap3A_763], %broadcast_in_dim3A_761 {strides = array<i32>} : memref<64x128xf32, #tpu.memory_space<vmem>>, vector<64x128xf32>,
    } else {
    }
    %get3A_43 = arith.constant 0 : index
    %get3A_44 = arith.constant 0 : index
    %get3A_45 = vector.load %arg5[%get3A_43, %get3A_44] : memref<1024x1xi32, #tpu.memory_space<vmem>>, vector<1024x1xi32>
    %eq3A_46 = arith.constant 0 : i32
    %eq3A_47 = vector.broadcast %eq3A_46 : i32 to vector<1024x1xi32>
    %eq3A_48 = arith.cmpi eq, %get3A_45, %eq3A_47 : vector<1024x1xi32>
    %jit3A = arith.constant 0xFF800000 : f32
    %broadcast_in_dim3A_49 = vector.shape_cast %eq3A_48 : vector<1024x1xi1> to vector<1024x1xi1>
    %broadcast_in_dim3A_50 = vector.broadcast %broadcast_in_dim3A_49 : vector<1024x1xi1> to vector<1024x128xi1>
    %broadcast_in_dim3A_51 = vector.broadcast %jit3A : f32 to vector<1024x128xf32>
    %select_n3A = arith.select %broadcast_in_dim3A_50, %add3A_31, %broadcast_in_dim3A_51 : vector<1024x128xi1>, vector<1024x128xf32>
    %reduce_max3A_52 = arith.constant dense<0xFF800000> : vector<128xf32>
    %reduce_max3A_53 = vector.multi_reduction <maximumf>, %select_n3A, %reduce_max3A_52 [0] : vector<1024x128xf32> to vector<128xf32>
    %eq3A_54 = arith.constant 1 : i32
    %eq3A_55 = vector.broadcast %eq3A_54 : i32 to vector<1024x1xi32>
    %eq3A_56 = arith.cmpi eq, %get3A_45, %eq3A_55 : vector<1024x1xi32>
    %jit3A_57 = arith.constant 0xFF800000 : f32
    %broadcast_in_dim3A_58 = vector.shape_cast %eq3A_56 : vector<1024x1xi1> to vector<1024x1xi1>
    %broadcast_in_dim3A_59 = vector.broadcast %broadcast_in_dim3A_58 : vector<1024x1xi1> to vector<1024x128xi1>
    %broadcast_in_dim3A_60 = vector.broadcast %jit3A_57 : f32 to vector<1024x128xf32>
    %select_n3A_61 = arith.select %broadcast_in_dim3A_59, %add3A_31, %broadcast_in_dim3A_60 : vector<1024x128xi1>, vector<1024x128xf32>
    %reduce_max3A_62 = arith.constant dense<0xFF800000> : vector<128xf32>
    %reduce_max3A_63 = vector.multi_reduction <maximumf>, %select_n3A_61, %reduce_max3A_62 [0] : vector<1024x128xf32> to vector<128xf32>
    %eq3A_64 = arith.constant 2 : i32
    %eq3A_65 = vector.broadcast %eq3A_64 : i32 to vector<1024x1xi32>
    %eq3A_66 = arith.cmpi eq, %get3A_45, %eq3A_65 : vector<1024x1xi32>
    %jit3A_67 = arith.constant 0xFF800000 : f32
    %broadcast_in_dim3A_68 = vector.shape_cast %eq3A_66 : vector<1024x1xi1> to vector<1024x1xi1>
    %broadcast_in_dim3A_69 = vector.broadcast %broadcast_in_dim3A_68 : vector<1024x1xi1> to vector<1024x128xi1>
    %broadcast_in_dim3A_70 = vector.broadcast %jit3A_67 : f32 to vector<1024x128xf32>
    %select_n3A_71 = arith.select %broadcast_in_dim3A_69, %add3A_31, %broadcast_in_dim3A_70 : vector<1024x128xi1>, vector<1024x128xf32>
    %reduce_max3A_72 = arith.constant dense<0xFF800000> : vector<128xf32>
    %reduce_max3A_73 = vector.multi_reduction <maximumf>, %select_n3A_71, %reduce_max3A_72 [0] : vector<1024x128xf32> to vector<128xf32>
    %eq3A_74 = arith.constant 3 : i32
    %eq3A_75 = vector.broadcast %eq3A_74 : i32 to vector<1024x1xi32>
    %eq3A_76 = arith.cmpi eq, %get3A_45, %eq3A_75 : vector<1024x1xi32>
    %jit3A_77 = arith.constant 0xFF800000 : f32
    %broadcast_in_dim3A_78 = vector.shape_cast %eq3A_76 : vector<1024x1xi1> to vector<1024x1xi1>
    %broadcast_in_dim3A_79 = vector.broadcast %broadcast_in_dim3A_78 : vector<1024x1xi1> to vector<1024x128xi1>
    %broadcast_in_dim3A_80 = vector.broadcast %jit3A_77 : f32 to vector<1024x128xf32>
    %select_n3A_81 = arith.select %broadcast_in_dim3A_79, %add3A_31, %broadcast_in_dim3A_80 : vector<1024x128xi1>, vector<1024x128xf32>
    %reduce_max3A_82 = arith.constant dense<0xFF800000> : vector<128xf32>
    %reduce_max3A_83 = vector.multi_reduction <maximumf>, %select_n3A_81, %reduce_max3A_82 [0] : vector<1024x128xf32> to vector<128xf32>
    %eq3A_84 = arith.constant 4 : i32
    %eq3A_85 = vector.broadcast %eq3A_84 : i32 to vector<1024x1xi32>
    %eq3A_86 = arith.cmpi eq, %get3A_45, %eq3A_85 : vector<1024x1xi32>
    %jit3A_87 = arith.constant 0xFF800000 : f32
    %broadcast_in_dim3A_88 = vector.shape_cast %eq3A_86 : vector<1024x1xi1> to vector<1024x1xi1>
    %broadcast_in_dim3A_89 = vector.broadcast %broadcast_in_dim3A_88 : vector<1024x1xi1> to vector<1024x128xi1>
    %broadcast_in_dim3A_90 = vector.broadcast %jit3A_87 : f32 to vector<1024x128xf32>
    %select_n3A_91 = arith.select %broadcast_in_dim3A_89, %add3A_31, %broadcast_in_dim3A_90 : vector<1024x128xi1>, vector<1024x128xf32>
    %reduce_max3A_92 = arith.constant dense<0xFF800000> : vector<128xf32>
    %reduce_max3A_93 = vector.multi_reduction <maximumf>, %select_n3A_91, %reduce_max3A_92 [0] : vector<1024x128xf32> to vector<128xf32>
    %eq3A_94 = arith.constant 5 : i32
    %eq3A_95 = vector.broadcast %eq3A_94 : i32 to vector<1024x1xi32>
    %eq3A_96 = arith.cmpi eq, %get3A_45, %eq3A_95 : vector<1024x1xi32>
    %jit3A_97 = arith.constant 0xFF800000 : f32
    %broadcast_in_dim3A_98 = vector.shape_cast %eq3A_96 : vector<1024x1xi1> to vector<1024x1xi1>
    %broadcast_in_dim3A_99 = vector.broadcast %broadcast_in_dim3A_98 : vector<1024x1xi1> to vector<1024x128xi1>
    %broadcast_in_dim3A_100 = vector.broadcast %jit3A_97 : f32 to vector<1024x128xf32>
    %select_n3A_101 = arith.select %broadcast_in_dim3A_99, %add3A_31, %broadcast_in_dim3A_100 : vector<1024x128xi1>, vector<1024x128xf32>
    %reduce_max3A_102 = arith.constant dense<0xFF800000> : vector<128xf32>
    %reduce_max3A_103 = vector.multi_reduction <maximumf>, %select_n3A_101, %reduce_max3A_102 [0] : vector<1024x128xf32> to vector<128xf32>
    %eq3A_104 = arith.constant 6 : i32
    %eq3A_105 = vector.broadcast %eq3A_104 : i32 to vector<1024x1xi32>
    %eq3A_106 = arith.cmpi eq, %get3A_45, %eq3A_105 : vector<1024x1xi32>
    %jit3A_107 = arith.constant 0xFF800000 : f32
    %broadcast_in_dim3A_108 = vector.shape_cast %eq3A_106 : vector<1024x1xi1> to vector<1024x1xi1>
    %broadcast_in_dim3A_109 = vector.broadcast %broadcast_in_dim3A_108 : vector<1024x1xi1> to vector<1024x128xi1>
    %broadcast_in_dim3A_110 = vector.broadcast %jit3A_107 : f32 to vector<1024x128xf32>
    %select_n3A_111 = arith.select %broadcast_in_dim3A_109, %add3A_31, %broadcast_in_dim3A_110 : vector<1024x128xi1>, vector<1024x128xf32>
    %reduce_max3A_112 = arith.constant dense<0xFF800000> : vector<128xf32>
    %reduce_max3A_113 = vector.multi_reduction <maximumf>, %select_n3A_111, %reduce_max3A_112 [0] : vector<1024x128xf32> to vector<128xf32>
    %eq3A_114 = arith.constant 7 : i32
    %eq3A_115 = vector.broadcast %eq3A_114 : i32 to vector<1024x1xi32>
    %eq3A_116 = arith.cmpi eq, %get3A_45, %eq3A_115 : vector<1024x1xi32>
    %jit3A_117 = arith.constant 0xFF800000 : f32
    %broadcast_in_dim3A_118 = vector.shape_cast %eq3A_116 : vector<1024x1xi1> to vector<1024x1xi1>
    %broadcast_in_dim3A_119 = vector.broadcast %broadcast_in_dim3A_118 : vector<1024x1xi1> to vector<1024x128xi1>
    %broadcast_in_dim3A_120 = vector.broadcast %jit3A_117 : f32 to vector<1024x128xf32>
    %select_n3A_121 = arith.select %broadcast_in_dim3A_119, %add3A_31, %broadcast_in_dim3A_120 : vector<1024x128xi1>, vector<1024x128xf32>
    %reduce_max3A_122 = arith.constant dense<0xFF800000> : vector<128xf32>
    %reduce_max3A_123 = vector.multi_reduction <maximumf>, %select_n3A_121, %reduce_max3A_122 [0] : vector<1024x128xf32> to vector<128xf32>
    %eq3A_124 = arith.constant 8 : i32
    %eq3A_125 = vector.broadcast %eq3A_124 : i32 to vector<1024x1xi32>
    %eq3A_126 = arith.cmpi eq, %get3A_45, %eq3A_125 : vector<1024x1xi32>
    %jit3A_127 = arith.constant 0xFF800000 : f32
    %broadcast_in_dim3A_128 = vector.shape_cast %eq3A_126 : vector<1024x1xi1> to vector<1024x1xi1>
    %broadcast_in_dim3A_129 = vector.broadcast %broadcast_in_dim3A_128 : vector<1024x1xi1> to vector<1024x128xi1>
    %broadcast_in_dim3A_130 = vector.broadcast %jit3A_127 : f32 to vector<1024x128xf32>
    %select_n3A_131 = arith.select %broadcast_in_dim3A_129, %add3A_31, %broadcast_in_dim3A_130 : vector<1024x128xi1>, vector<1024x128xf32>
    %reduce_max3A_132 = arith.constant dense<0xFF800000> : vector<128xf32>
    %reduce_max3A_133 = vector.multi_reduction <maximumf>, %select_n3A_131, %reduce_max3A_132 [0] : vector<1024x128xf32> to vector<128xf32>
    %eq3A_134 = arith.constant 9 : i32
    %eq3A_135 = vector.broadcast %eq3A_134 : i32 to vector<1024x1xi32>
    %eq3A_136 = arith.cmpi eq, %get3A_45, %eq3A_135 : vector<1024x1xi32>
    %jit3A_137 = arith.constant 0xFF800000 : f32
    %broadcast_in_dim3A_138 = vector.shape_cast %eq3A_136 : vector<1024x1xi1> to vector<1024x1xi1>
    %broadcast_in_dim3A_139 = vector.broadcast %broadcast_in_dim3A_138 : vector<1024x1xi1> to vector<1024x128xi1>
    %broadcast_in_dim3A_140 = vector.broadcast %jit3A_137 : f32 to vector<1024x128xf32>
    %select_n3A_141 = arith.select %broadcast_in_dim3A_139, %add3A_31, %broadcast_in_dim3A_140 : vector<1024x128xi1>, vector<1024x128xf32>
    %reduce_max3A_142 = arith.constant dense<0xFF800000> : vector<128xf32>
    %reduce_max3A_143 = vector.multi_reduction <maximumf>, %select_n3A_141, %reduce_max3A_142 [0] : vector<1024x128xf32> to vector<128xf32>
    %eq3A_144 = arith.constant 10 : i32
    %eq3A_145 = vector.broadcast %eq3A_144 : i32 to vector<1024x1xi32>
    %eq3A_146 = arith.cmpi eq, %get3A_45, %eq3A_145 : vector<1024x1xi32>
    %jit3A_147 = arith.constant 0xFF800000 : f32
    %broadcast_in_dim3A_148 = vector.shape_cast %eq3A_146 : vector<1024x1xi1> to vector<1024x1xi1>
    %broadcast_in_dim3A_149 = vector.broadcast %broadcast_in_dim3A_148 : vector<1024x1xi1> to vector<1024x128xi1>
    %broadcast_in_dim3A_150 = vector.broadcast %jit3A_147 : f32 to vector<1024x128xf32>
    %select_n3A_151 = arith.select %broadcast_in_dim3A_149, %add3A_31, %broadcast_in_dim3A_150 : vector<1024x128xi1>, vector<1024x128xf32>
    %reduce_max3A_152 = arith.constant dense<0xFF800000> : vector<128xf32>
    %reduce_max3A_153 = vector.multi_reduction <maximumf>, %select_n3A_151, %reduce_max3A_152 [0] : vector<1024x128xf32> to vector<128xf32>
    %eq3A_154 = arith.constant 11 : i32
    %eq3A_155 = vector.broadcast %eq3A_154 : i32 to vector<1024x1xi32>
    %eq3A_156 = arith.cmpi eq, %get3A_45, %eq3A_155 : vector<1024x1xi32>
    %jit3A_157 = arith.constant 0xFF800000 : f32
    %broadcast_in_dim3A_158 = vector.shape_cast %eq3A_156 : vector<1024x1xi1> to vector<1024x1xi1>
    %broadcast_in_dim3A_159 = vector.broadcast %broadcast_in_dim3A_158 : vector<1024x1xi1> to vector<1024x128xi1>
    %broadcast_in_dim3A_160 = vector.broadcast %jit3A_157 : f32 to vector<1024x128xf32>
    %select_n3A_161 = arith.select %broadcast_in_dim3A_159, %add3A_31, %broadcast_in_dim3A_160 : vector<1024x128xi1>, vector<1024x128xf32>
    %reduce_max3A_162 = arith.constant dense<0xFF800000> : vector<128xf32>
    %reduce_max3A_163 = vector.multi_reduction <maximumf>, %select_n3A_161, %reduce_max3A_162 [0] : vector<1024x128xf32> to vector<128xf32>
    %eq3A_164 = arith.constant 12 : i32
    %eq3A_165 = vector.broadcast %eq3A_164 : i32 to vector<1024x1xi32>
    %eq3A_166 = arith.cmpi eq, %get3A_45, %eq3A_165 : vector<1024x1xi32>
    %jit3A_167 = arith.constant 0xFF800000 : f32
    %broadcast_in_dim3A_168 = vector.shape_cast %eq3A_166 : vector<1024x1xi1> to vector<1024x1xi1>
    %broadcast_in_dim3A_169 = vector.broadcast %broadcast_in_dim3A_168 : vector<1024x1xi1> to vector<1024x128xi1>
    %broadcast_in_dim3A_170 = vector.broadcast %jit3A_167 : f32 to vector<1024x128xf32>
    %select_n3A_171 = arith.select %broadcast_in_dim3A_169, %add3A_31, %broadcast_in_dim3A_170 : vector<1024x128xi1>, vector<1024x128xf32>
    %reduce_max3A_172 = arith.constant dense<0xFF800000> : vector<128xf32>
    %reduce_max3A_173 = vector.multi_reduction <maximumf>, %select_n3A_171, %reduce_max3A_172 [0] : vector<1024x128xf32> to vector<128xf32>
    %eq3A_174 = arith.constant 13 : i32
    %eq3A_175 = vector.broadcast %eq3A_174 : i32 to vector<1024x1xi32>
    %eq3A_176 = arith.cmpi eq, %get3A_45, %eq3A_175 : vector<1024x1xi32>
    %jit3A_177 = arith.constant 0xFF800000 : f32
    %broadcast_in_dim3A_178 = vector.shape_cast %eq3A_176 : vector<1024x1xi1> to vector<1024x1xi1>
    %broadcast_in_dim3A_179 = vector.broadcast %broadcast_in_dim3A_178 : vector<1024x1xi1> to vector<1024x128xi1>
    %broadcast_in_dim3A_180 = vector.broadcast %jit3A_177 : f32 to vector<1024x128xf32>
    %select_n3A_181 = arith.select %broadcast_in_dim3A_179, %add3A_31, %broadcast_in_dim3A_180 : vector<1024x128xi1>, vector<1024x128xf32>
    %reduce_max3A_182 = arith.constant dense<0xFF800000> : vector<128xf32>
    %reduce_max3A_183 = vector.multi_reduction <maximumf>, %select_n3A_181, %reduce_max3A_182 [0] : vector<1024x128xf32> to vector<128xf32>
    %eq3A_184 = arith.constant 14 : i32
    %eq3A_185 = vector.broadcast %eq3A_184 : i32 to vector<1024x1xi32>
    %eq3A_186 = arith.cmpi eq, %get3A_45, %eq3A_185 : vector<1024x1xi32>
    %jit3A_187 = arith.constant 0xFF800000 : f32
    %broadcast_in_dim3A_188 = vector.shape_cast %eq3A_186 : vector<1024x1xi1> to vector<1024x1xi1>
    %broadcast_in_dim3A_189 = vector.broadcast %broadcast_in_dim3A_188 : vector<1024x1xi1> to vector<1024x128xi1>
    %broadcast_in_dim3A_190 = vector.broadcast %jit3A_187 : f32 to vector<1024x128xf32>
    %select_n3A_191 = arith.select %broadcast_in_dim3A_189, %add3A_31, %broadcast_in_dim3A_190 : vector<1024x128xi1>, vector<1024x128xf32>
    %reduce_max3A_192 = arith.constant dense<0xFF800000> : vector<128xf32>
    %reduce_max3A_193 = vector.multi_reduction <maximumf>, %select_n3A_191, %reduce_max3A_192 [0] : vector<1024x128xf32> to vector<128xf32>
    %eq3A_194 = arith.constant 15 : i32
    %eq3A_195 = vector.broadcast %eq3A_194 : i32 to vector<1024x1xi32>
    %eq3A_196 = arith.cmpi eq, %get3A_45, %eq3A_195 : vector<1024x1xi32>
    %jit3A_197 = arith.constant 0xFF800000 : f32
    %broadcast_in_dim3A_198 = vector.shape_cast %eq3A_196 : vector<1024x1xi1> to vector<1024x1xi1>
    %broadcast_in_dim3A_199 = vector.broadcast %broadcast_in_dim3A_198 : vector<1024x1xi1> to vector<1024x128xi1>
    %broadcast_in_dim3A_200 = vector.broadcast %jit3A_197 : f32 to vector<1024x128xf32>
    %select_n3A_201 = arith.select %broadcast_in_dim3A_199, %add3A_31, %broadcast_in_dim3A_200 : vector<1024x128xi1>, vector<1024x128xf32>
    %reduce_max3A_202 = arith.constant dense<0xFF800000> : vector<128xf32>
    %reduce_max3A_203 = vector.multi_reduction <maximumf>, %select_n3A_201, %reduce_max3A_202 [0] : vector<1024x128xf32> to vector<128xf32>
    %eq3A_204 = arith.constant 16 : i32
    %eq3A_205 = vector.broadcast %eq3A_204 : i32 to vector<1024x1xi32>
    %eq3A_206 = arith.cmpi eq, %get3A_45, %eq3A_205 : vector<1024x1xi32>
    %jit3A_207 = arith.constant 0xFF800000 : f32
    %broadcast_in_dim3A_208 = vector.shape_cast %eq3A_206 : vector<1024x1xi1> to vector<1024x1xi1>
    %broadcast_in_dim3A_209 = vector.broadcast %broadcast_in_dim3A_208 : vector<1024x1xi1> to vector<1024x128xi1>
    %broadcast_in_dim3A_210 = vector.broadcast %jit3A_207 : f32 to vector<1024x128xf32>
    %select_n3A_211 = arith.select %broadcast_in_dim3A_209, %add3A_31, %broadcast_in_dim3A_210 : vector<1024x128xi1>, vector<1024x128xf32>
    %reduce_max3A_212 = arith.constant dense<0xFF800000> : vector<128xf32>
    %reduce_max3A_213 = vector.multi_reduction <maximumf>, %select_n3A_211, %reduce_max3A_212 [0] : vector<1024x128xf32> to vector<128xf32>
    %eq3A_214 = arith.constant 17 : i32
    %eq3A_215 = vector.broadcast %eq3A_214 : i32 to vector<1024x1xi32>
    %eq3A_216 = arith.cmpi eq, %get3A_45, %eq3A_215 : vector<1024x1xi32>
    %jit3A_217 = arith.constant 0xFF800000 : f32
    %broadcast_in_dim3A_218 = vector.shape_cast %eq3A_216 : vector<1024x1xi1> to vector<1024x1xi1>
    %broadcast_in_dim3A_219 = vector.broadcast %broadcast_in_dim3A_218 : vector<1024x1xi1> to vector<1024x128xi1>
    %broadcast_in_dim3A_220 = vector.broadcast %jit3A_217 : f32 to vector<1024x128xf32>
    %select_n3A_221 = arith.select %broadcast_in_dim3A_219, %add3A_31, %broadcast_in_dim3A_220 : vector<1024x128xi1>, vector<1024x128xf32>
    %reduce_max3A_222 = arith.constant dense<0xFF800000> : vector<128xf32>
    %reduce_max3A_223 = vector.multi_reduction <maximumf>, %select_n3A_221, %reduce_max3A_222 [0] : vector<1024x128xf32> to vector<128xf32>
    %eq3A_224 = arith.constant 18 : i32
    %eq3A_225 = vector.broadcast %eq3A_224 : i32 to vector<1024x1xi32>
    %eq3A_226 = arith.cmpi eq, %get3A_45, %eq3A_225 : vector<1024x1xi32>
    %jit3A_227 = arith.constant 0xFF800000 : f32
    %broadcast_in_dim3A_228 = vector.shape_cast %eq3A_226 : vector<1024x1xi1> to vector<1024x1xi1>
    %broadcast_in_dim3A_229 = vector.broadcast %broadcast_in_dim3A_228 : vector<1024x1xi1> to vector<1024x128xi1>
    %broadcast_in_dim3A_230 = vector.broadcast %jit3A_227 : f32 to vector<1024x128xf32>
    %select_n3A_231 = arith.select %broadcast_in_dim3A_229, %add3A_31, %broadcast_in_dim3A_230 : vector<1024x128xi1>, vector<1024x128xf32>
    %reduce_max3A_232 = arith.constant dense<0xFF800000> : vector<128xf32>
    %reduce_max3A_233 = vector.multi_reduction <maximumf>, %select_n3A_231, %reduce_max3A_232 [0] : vector<1024x128xf32> to vector<128xf32>
    %eq3A_234 = arith.constant 19 : i32
    %eq3A_235 = vector.broadcast %eq3A_234 : i32 to vector<1024x1xi32>
    %eq3A_236 = arith.cmpi eq, %get3A_45, %eq3A_235 : vector<1024x1xi32>
    %jit3A_237 = arith.constant 0xFF800000 : f32
    %broadcast_in_dim3A_238 = vector.shape_cast %eq3A_236 : vector<1024x1xi1> to vector<1024x1xi1>
    %broadcast_in_dim3A_239 = vector.broadcast %broadcast_in_dim3A_238 : vector<1024x1xi1> to vector<1024x128xi1>
    %broadcast_in_dim3A_240 = vector.broadcast %jit3A_237 : f32 to vector<1024x128xf32>
    %select_n3A_241 = arith.select %broadcast_in_dim3A_239, %add3A_31, %broadcast_in_dim3A_240 : vector<1024x128xi1>, vector<1024x128xf32>
    %reduce_max3A_242 = arith.constant dense<0xFF800000> : vector<128xf32>
    %reduce_max3A_243 = vector.multi_reduction <maximumf>, %select_n3A_241, %reduce_max3A_242 [0] : vector<1024x128xf32> to vector<128xf32>
    %eq3A_244 = arith.constant 20 : i32
    %eq3A_245 = vector.broadcast %eq3A_244 : i32 to vector<1024x1xi32>
    %eq3A_246 = arith.cmpi eq, %get3A_45, %eq3A_245 : vector<1024x1xi32>
    %jit3A_247 = arith.constant 0xFF800000 : f32
    %broadcast_in_dim3A_248 = vector.shape_cast %eq3A_246 : vector<1024x1xi1> to vector<1024x1xi1>
    %broadcast_in_dim3A_249 = vector.broadcast %broadcast_in_dim3A_248 : vector<1024x1xi1> to vector<1024x128xi1>
    %broadcast_in_dim3A_250 = vector.broadcast %jit3A_247 : f32 to vector<1024x128xf32>
    %select_n3A_251 = arith.select %broadcast_in_dim3A_249, %add3A_31, %broadcast_in_dim3A_250 : vector<1024x128xi1>, vector<1024x128xf32>
    %reduce_max3A_252 = arith.constant dense<0xFF800000> : vector<128xf32>
    %reduce_max3A_253 = vector.multi_reduction <maximumf>, %select_n3A_251, %reduce_max3A_252 [0] : vector<1024x128xf32> to vector<128xf32>
    %eq3A_254 = arith.constant 21 : i32
    %eq3A_255 = vector.broadcast %eq3A_254 : i32 to vector<1024x1xi32>
    %eq3A_256 = arith.cmpi eq, %get3A_45, %eq3A_255 : vector<1024x1xi32>
    %jit3A_257 = arith.constant 0xFF800000 : f32
    %broadcast_in_dim3A_258 = vector.shape_cast %eq3A_256 : vector<1024x1xi1> to vector<1024x1xi1>
    %broadcast_in_dim3A_259 = vector.broadcast %broadcast_in_dim3A_258 : vector<1024x1xi1> to vector<1024x128xi1>
    %broadcast_in_dim3A_260 = vector.broadcast %jit3A_257 : f32 to vector<1024x128xf32>
    %select_n3A_261 = arith.select %broadcast_in_dim3A_259, %add3A_31, %broadcast_in_dim3A_260 : vector<1024x128xi1>, vector<1024x128xf32>
    %reduce_max3A_262 = arith.constant dense<0xFF800000> : vector<128xf32>
    %reduce_max3A_263 = vector.multi_reduction <maximumf>, %select_n3A_261, %reduce_max3A_262 [0] : vector<1024x128xf32> to vector<128xf32>
    %eq3A_264 = arith.constant 22 : i32
    %eq3A_265 = vector.broadcast %eq3A_264 : i32 to vector<1024x1xi32>
    %eq3A_266 = arith.cmpi eq, %get3A_45, %eq3A_265 : vector<1024x1xi32>
    %jit3A_267 = arith.constant 0xFF800000 : f32
    %broadcast_in_dim3A_268 = vector.shape_cast %eq3A_266 : vector<1024x1xi1> to vector<1024x1xi1>
    %broadcast_in_dim3A_269 = vector.broadcast %broadcast_in_dim3A_268 : vector<1024x1xi1> to vector<1024x128xi1>
    %broadcast_in_dim3A_270 = vector.broadcast %jit3A_267 : f32 to vector<1024x128xf32>
    %select_n3A_271 = arith.select %broadcast_in_dim3A_269, %add3A_31, %broadcast_in_dim3A_270 : vector<1024x128xi1>, vector<1024x128xf32>
    %reduce_max3A_272 = arith.constant dense<0xFF800000> : vector<128xf32>
    %reduce_max3A_273 = vector.multi_reduction <maximumf>, %select_n3A_271, %reduce_max3A_272 [0] : vector<1024x128xf32> to vector<128xf32>
    %eq3A_274 = arith.constant 23 : i32
    %eq3A_275 = vector.broadcast %eq3A_274 : i32 to vector<1024x1xi32>
    %eq3A_276 = arith.cmpi eq, %get3A_45, %eq3A_275 : vector<1024x1xi32>
    %jit3A_277 = arith.constant 0xFF800000 : f32
    %broadcast_in_dim3A_278 = vector.shape_cast %eq3A_276 : vector<1024x1xi1> to vector<1024x1xi1>
    %broadcast_in_dim3A_279 = vector.broadcast %broadcast_in_dim3A_278 : vector<1024x1xi1> to vector<1024x128xi1>
    %broadcast_in_dim3A_280 = vector.broadcast %jit3A_277 : f32 to vector<1024x128xf32>
    %select_n3A_281 = arith.select %broadcast_in_dim3A_279, %add3A_31, %broadcast_in_dim3A_280 : vector<1024x128xi1>, vector<1024x128xf32>
    %reduce_max3A_282 = arith.constant dense<0xFF800000> : vector<128xf32>
    %reduce_max3A_283 = vector.multi_reduction <maximumf>, %select_n3A_281, %reduce_max3A_282 [0] : vector<1024x128xf32> to vector<128xf32>
    %eq3A_284 = arith.constant 24 : i32
    %eq3A_285 = vector.broadcast %eq3A_284 : i32 to vector<1024x1xi32>
    %eq3A_286 = arith.cmpi eq, %get3A_45, %eq3A_285 : vector<1024x1xi32>
    %jit3A_287 = arith.constant 0xFF800000 : f32
    %broadcast_in_dim3A_288 = vector.shape_cast %eq3A_286 : vector<1024x1xi1> to vector<1024x1xi1>
    %broadcast_in_dim3A_289 = vector.broadcast %broadcast_in_dim3A_288 : vector<1024x1xi1> to vector<1024x128xi1>
    %broadcast_in_dim3A_290 = vector.broadcast %jit3A_287 : f32 to vector<1024x128xf32>
    %select_n3A_291 = arith.select %broadcast_in_dim3A_289, %add3A_31, %broadcast_in_dim3A_290 : vector<1024x128xi1>, vector<1024x128xf32>
    %reduce_max3A_292 = arith.constant dense<0xFF800000> : vector<128xf32>
    %reduce_max3A_293 = vector.multi_reduction <maximumf>, %select_n3A_291, %reduce_max3A_292 [0] : vector<1024x128xf32> to vector<128xf32>
    %eq3A_294 = arith.constant 25 : i32
    %eq3A_295 = vector.broadcast %eq3A_294 : i32 to vector<1024x1xi32>
    %eq3A_296 = arith.cmpi eq, %get3A_45, %eq3A_295 : vector<1024x1xi32>
    %jit3A_297 = arith.constant 0xFF800000 : f32
    %broadcast_in_dim3A_298 = vector.shape_cast %eq3A_296 : vector<1024x1xi1> to vector<1024x1xi1>
    %broadcast_in_dim3A_299 = vector.broadcast %broadcast_in_dim3A_298 : vector<1024x1xi1> to vector<1024x128xi1>
    %broadcast_in_dim3A_300 = vector.broadcast %jit3A_297 : f32 to vector<1024x128xf32>
    %select_n3A_301 = arith.select %broadcast_in_dim3A_299, %add3A_31, %broadcast_in_dim3A_300 : vector<1024x128xi1>, vector<1024x128xf32>
    %reduce_max3A_302 = arith.constant dense<0xFF800000> : vector<128xf32>
    %reduce_max3A_303 = vector.multi_reduction <maximumf>, %select_n3A_301, %reduce_max3A_302 [0] : vector<1024x128xf32> to vector<128xf32>
    %eq3A_304 = arith.constant 26 : i32
    %eq3A_305 = vector.broadcast %eq3A_304 : i32 to vector<1024x1xi32>
    %eq3A_306 = arith.cmpi eq, %get3A_45, %eq3A_305 : vector<1024x1xi32>
    %jit3A_307 = arith.constant 0xFF800000 : f32
    %broadcast_in_dim3A_308 = vector.shape_cast %eq3A_306 : vector<1024x1xi1> to vector<1024x1xi1>
    %broadcast_in_dim3A_309 = vector.broadcast %broadcast_in_dim3A_308 : vector<1024x1xi1> to vector<1024x128xi1>
    %broadcast_in_dim3A_310 = vector.broadcast %jit3A_307 : f32 to vector<1024x128xf32>
    %select_n3A_311 = arith.select %broadcast_in_dim3A_309, %add3A_31, %broadcast_in_dim3A_310 : vector<1024x128xi1>, vector<1024x128xf32>
    %reduce_max3A_312 = arith.constant dense<0xFF800000> : vector<128xf32>
    %reduce_max3A_313 = vector.multi_reduction <maximumf>, %select_n3A_311, %reduce_max3A_312 [0] : vector<1024x128xf32> to vector<128xf32>
    %eq3A_314 = arith.constant 27 : i32
    %eq3A_315 = vector.broadcast %eq3A_314 : i32 to vector<1024x1xi32>
    %eq3A_316 = arith.cmpi eq, %get3A_45, %eq3A_315 : vector<1024x1xi32>
    %jit3A_317 = arith.constant 0xFF800000 : f32
    %broadcast_in_dim3A_318 = vector.shape_cast %eq3A_316 : vector<1024x1xi1> to vector<1024x1xi1>
    %broadcast_in_dim3A_319 = vector.broadcast %broadcast_in_dim3A_318 : vector<1024x1xi1> to vector<1024x128xi1>
    %broadcast_in_dim3A_320 = vector.broadcast %jit3A_317 : f32 to vector<1024x128xf32>
    %select_n3A_321 = arith.select %broadcast_in_dim3A_319, %add3A_31, %broadcast_in_dim3A_320 : vector<1024x128xi1>, vector<1024x128xf32>
    %reduce_max3A_322 = arith.constant dense<0xFF800000> : vector<128xf32>
    %reduce_max3A_323 = vector.multi_reduction <maximumf>, %select_n3A_321, %reduce_max3A_322 [0] : vector<1024x128xf32> to vector<128xf32>
    %eq3A_324 = arith.constant 28 : i32
    %eq3A_325 = vector.broadcast %eq3A_324 : i32 to vector<1024x1xi32>
    %eq3A_326 = arith.cmpi eq, %get3A_45, %eq3A_325 : vector<1024x1xi32>
    %jit3A_327 = arith.constant 0xFF800000 : f32
    %broadcast_in_dim3A_328 = vector.shape_cast %eq3A_326 : vector<1024x1xi1> to vector<1024x1xi1>
    %broadcast_in_dim3A_329 = vector.broadcast %broadcast_in_dim3A_328 : vector<1024x1xi1> to vector<1024x128xi1>
    %broadcast_in_dim3A_330 = vector.broadcast %jit3A_327 : f32 to vector<1024x128xf32>
    %select_n3A_331 = arith.select %broadcast_in_dim3A_329, %add3A_31, %broadcast_in_dim3A_330 : vector<1024x128xi1>, vector<1024x128xf32>
    %reduce_max3A_332 = arith.constant dense<0xFF800000> : vector<128xf32>
    %reduce_max3A_333 = vector.multi_reduction <maximumf>, %select_n3A_331, %reduce_max3A_332 [0] : vector<1024x128xf32> to vector<128xf32>
    %eq3A_334 = arith.constant 29 : i32
    %eq3A_335 = vector.broadcast %eq3A_334 : i32 to vector<1024x1xi32>
    %eq3A_336 = arith.cmpi eq, %get3A_45, %eq3A_335 : vector<1024x1xi32>
    %jit3A_337 = arith.constant 0xFF800000 : f32
    %broadcast_in_dim3A_338 = vector.shape_cast %eq3A_336 : vector<1024x1xi1> to vector<1024x1xi1>
    %broadcast_in_dim3A_339 = vector.broadcast %broadcast_in_dim3A_338 : vector<1024x1xi1> to vector<1024x128xi1>
    %broadcast_in_dim3A_340 = vector.broadcast %jit3A_337 : f32 to vector<1024x128xf32>
    %select_n3A_341 = arith.select %broadcast_in_dim3A_339, %add3A_31, %broadcast_in_dim3A_340 : vector<1024x128xi1>, vector<1024x128xf32>
    %reduce_max3A_342 = arith.constant dense<0xFF800000> : vector<128xf32>
    %reduce_max3A_343 = vector.multi_reduction <maximumf>, %select_n3A_341, %reduce_max3A_342 [0] : vector<1024x128xf32> to vector<128xf32>
    %eq3A_344 = arith.constant 30 : i32
    %eq3A_345 = vector.broadcast %eq3A_344 : i32 to vector<1024x1xi32>
    %eq3A_346 = arith.cmpi eq, %get3A_45, %eq3A_345 : vector<1024x1xi32>
    %jit3A_347 = arith.constant 0xFF800000 : f32
    %broadcast_in_dim3A_348 = vector.shape_cast %eq3A_346 : vector<1024x1xi1> to vector<1024x1xi1>
    %broadcast_in_dim3A_349 = vector.broadcast %broadcast_in_dim3A_348 : vector<1024x1xi1> to vector<1024x128xi1>
    %broadcast_in_dim3A_350 = vector.broadcast %jit3A_347 : f32 to vector<1024x128xf32>
    %select_n3A_351 = arith.select %broadcast_in_dim3A_349, %add3A_31, %broadcast_in_dim3A_350 : vector<1024x128xi1>, vector<1024x128xf32>
    %reduce_max3A_352 = arith.constant dense<0xFF800000> : vector<128xf32>
    %reduce_max3A_353 = vector.multi_reduction <maximumf>, %select_n3A_351, %reduce_max3A_352 [0] : vector<1024x128xf32> to vector<128xf32>
    %eq3A_354 = arith.constant 31 : i32
    %eq3A_355 = vector.broadcast %eq3A_354 : i32 to vector<1024x1xi32>
    %eq3A_356 = arith.cmpi eq, %get3A_45, %eq3A_355 : vector<1024x1xi32>
    %jit3A_357 = arith.constant 0xFF800000 : f32
    %broadcast_in_dim3A_358 = vector.shape_cast %eq3A_356 : vector<1024x1xi1> to vector<1024x1xi1>
    %broadcast_in_dim3A_359 = vector.broadcast %broadcast_in_dim3A_358 : vector<1024x1xi1> to vector<1024x128xi1>
    %broadcast_in_dim3A_360 = vector.broadcast %jit3A_357 : f32 to vector<1024x128xf32>
    %select_n3A_361 = arith.select %broadcast_in_dim3A_359, %add3A_31, %broadcast_in_dim3A_360 : vector<1024x128xi1>, vector<1024x128xf32>
    %reduce_max3A_362 = arith.constant dense<0xFF800000> : vector<128xf32>
    %reduce_max3A_363 = vector.multi_reduction <maximumf>, %select_n3A_361, %reduce_max3A_362 [0] : vector<1024x128xf32> to vector<128xf32>
    %eq3A_364 = arith.constant 32 : i32
    %eq3A_365 = vector.broadcast %eq3A_364 : i32 to vector<1024x1xi32>
    %eq3A_366 = arith.cmpi eq, %get3A_45, %eq3A_365 : vector<1024x1xi32>
    %jit3A_367 = arith.constant 0xFF800000 : f32
    %broadcast_in_dim3A_368 = vector.shape_cast %eq3A_366 : vector<1024x1xi1> to vector<1024x1xi1>
    %broadcast_in_dim3A_369 = vector.broadcast %broadcast_in_dim3A_368 : vector<1024x1xi1> to vector<1024x128xi1>
    %broadcast_in_dim3A_370 = vector.broadcast %jit3A_367 : f32 to vector<1024x128xf32>
    %select_n3A_371 = arith.select %broadcast_in_dim3A_369, %add3A_31, %broadcast_in_dim3A_370 : vector<1024x128xi1>, vector<1024x128xf32>
    %reduce_max3A_372 = arith.constant dense<0xFF800000> : vector<128xf32>
    %reduce_max3A_373 = vector.multi_reduction <maximumf>, %select_n3A_371, %reduce_max3A_372 [0] : vector<1024x128xf32> to vector<128xf32>
    %eq3A_374 = arith.constant 33 : i32
    %eq3A_375 = vector.broadcast %eq3A_374 : i32 to vector<1024x1xi32>
    %eq3A_376 = arith.cmpi eq, %get3A_45, %eq3A_375 : vector<1024x1xi32>
    %jit3A_377 = arith.constant 0xFF800000 : f32
    %broadcast_in_dim3A_378 = vector.shape_cast %eq3A_376 : vector<1024x1xi1> to vector<1024x1xi1>
    %broadcast_in_dim3A_379 = vector.broadcast %broadcast_in_dim3A_378 : vector<1024x1xi1> to vector<1024x128xi1>
    %broadcast_in_dim3A_380 = vector.broadcast %jit3A_377 : f32 to vector<1024x128xf32>
    %select_n3A_381 = arith.select %broadcast_in_dim3A_379, %add3A_31, %broadcast_in_dim3A_380 : vector<1024x128xi1>, vector<1024x128xf32>
    %reduce_max3A_382 = arith.constant dense<0xFF800000> : vector<128xf32>
    %reduce_max3A_383 = vector.multi_reduction <maximumf>, %select_n3A_381, %reduce_max3A_382 [0] : vector<1024x128xf32> to vector<128xf32>
    %eq3A_384 = arith.constant 34 : i32
    %eq3A_385 = vector.broadcast %eq3A_384 : i32 to vector<1024x1xi32>
    %eq3A_386 = arith.cmpi eq, %get3A_45, %eq3A_385 : vector<1024x1xi32>
    %jit3A_387 = arith.constant 0xFF800000 : f32
    %broadcast_in_dim3A_388 = vector.shape_cast %eq3A_386 : vector<1024x1xi1> to vector<1024x1xi1>
    %broadcast_in_dim3A_389 = vector.broadcast %broadcast_in_dim3A_388 : vector<1024x1xi1> to vector<1024x128xi1>
    %broadcast_in_dim3A_390 = vector.broadcast %jit3A_387 : f32 to vector<1024x128xf32>
    %select_n3A_391 = arith.select %broadcast_in_dim3A_389, %add3A_31, %broadcast_in_dim3A_390 : vector<1024x128xi1>, vector<1024x128xf32>
    %reduce_max3A_392 = arith.constant dense<0xFF800000> : vector<128xf32>
    %reduce_max3A_393 = vector.multi_reduction <maximumf>, %select_n3A_391, %reduce_max3A_392 [0] : vector<1024x128xf32> to vector<128xf32>
    %eq3A_394 = arith.constant 35 : i32
    %eq3A_395 = vector.broadcast %eq3A_394 : i32 to vector<1024x1xi32>
    %eq3A_396 = arith.cmpi eq, %get3A_45, %eq3A_395 : vector<1024x1xi32>
    %jit3A_397 = arith.constant 0xFF800000 : f32
    %broadcast_in_dim3A_398 = vector.shape_cast %eq3A_396 : vector<1024x1xi1> to vector<1024x1xi1>
    %broadcast_in_dim3A_399 = vector.broadcast %broadcast_in_dim3A_398 : vector<1024x1xi1> to vector<1024x128xi1>
    %broadcast_in_dim3A_400 = vector.broadcast %jit3A_397 : f32 to vector<1024x128xf32>
    %select_n3A_401 = arith.select %broadcast_in_dim3A_399, %add3A_31, %broadcast_in_dim3A_400 : vector<1024x128xi1>, vector<1024x128xf32>
    %reduce_max3A_402 = arith.constant dense<0xFF800000> : vector<128xf32>
    %reduce_max3A_403 = vector.multi_reduction <maximumf>, %select_n3A_401, %reduce_max3A_402 [0] : vector<1024x128xf32> to vector<128xf32>
    %eq3A_404 = arith.constant 36 : i32
    %eq3A_405 = vector.broadcast %eq3A_404 : i32 to vector<1024x1xi32>
    %eq3A_406 = arith.cmpi eq, %get3A_45, %eq3A_405 : vector<1024x1xi32>
    %jit3A_407 = arith.constant 0xFF800000 : f32
    %broadcast_in_dim3A_408 = vector.shape_cast %eq3A_406 : vector<1024x1xi1> to vector<1024x1xi1>
    %broadcast_in_dim3A_409 = vector.broadcast %broadcast_in_dim3A_408 : vector<1024x1xi1> to vector<1024x128xi1>
    %broadcast_in_dim3A_410 = vector.broadcast %jit3A_407 : f32 to vector<1024x128xf32>
    %select_n3A_411 = arith.select %broadcast_in_dim3A_409, %add3A_31, %broadcast_in_dim3A_410 : vector<1024x128xi1>, vector<1024x128xf32>
    %reduce_max3A_412 = arith.constant dense<0xFF800000> : vector<128xf32>
    %reduce_max3A_413 = vector.multi_reduction <maximumf>, %select_n3A_411, %reduce_max3A_412 [0] : vector<1024x128xf32> to vector<128xf32>
    %eq3A_414 = arith.constant 37 : i32
    %eq3A_415 = vector.broadcast %eq3A_414 : i32 to vector<1024x1xi32>
    %eq3A_416 = arith.cmpi eq, %get3A_45, %eq3A_415 : vector<1024x1xi32>
    %jit3A_417 = arith.constant 0xFF800000 : f32
    %broadcast_in_dim3A_418 = vector.shape_cast %eq3A_416 : vector<1024x1xi1> to vector<1024x1xi1>
    %broadcast_in_dim3A_419 = vector.broadcast %broadcast_in_dim3A_418 : vector<1024x1xi1> to vector<1024x128xi1>
    %broadcast_in_dim3A_420 = vector.broadcast %jit3A_417 : f32 to vector<1024x128xf32>
    %select_n3A_421 = arith.select %broadcast_in_dim3A_419, %add3A_31, %broadcast_in_dim3A_420 : vector<1024x128xi1>, vector<1024x128xf32>
    %reduce_max3A_422 = arith.constant dense<0xFF800000> : vector<128xf32>
    %reduce_max3A_423 = vector.multi_reduction <maximumf>, %select_n3A_421, %reduce_max3A_422 [0] : vector<1024x128xf32> to vector<128xf32>
    %eq3A_424 = arith.constant 38 : i32
    %eq3A_425 = vector.broadcast %eq3A_424 : i32 to vector<1024x1xi32>
    %eq3A_426 = arith.cmpi eq, %get3A_45, %eq3A_425 : vector<1024x1xi32>
    %jit3A_427 = arith.constant 0xFF800000 : f32
    %broadcast_in_dim3A_428 = vector.shape_cast %eq3A_426 : vector<1024x1xi1> to vector<1024x1xi1>
    %broadcast_in_dim3A_429 = vector.broadcast %broadcast_in_dim3A_428 : vector<1024x1xi1> to vector<1024x128xi1>
    %broadcast_in_dim3A_430 = vector.broadcast %jit3A_427 : f32 to vector<1024x128xf32>
    %select_n3A_431 = arith.select %broadcast_in_dim3A_429, %add3A_31, %broadcast_in_dim3A_430 : vector<1024x128xi1>, vector<1024x128xf32>
    %reduce_max3A_432 = arith.constant dense<0xFF800000> : vector<128xf32>
    %reduce_max3A_433 = vector.multi_reduction <maximumf>, %select_n3A_431, %reduce_max3A_432 [0] : vector<1024x128xf32> to vector<128xf32>
    %eq3A_434 = arith.constant 39 : i32
    %eq3A_435 = vector.broadcast %eq3A_434 : i32 to vector<1024x1xi32>
    %eq3A_436 = arith.cmpi eq, %get3A_45, %eq3A_435 : vector<1024x1xi32>
    %jit3A_437 = arith.constant 0xFF800000 : f32
    %broadcast_in_dim3A_438 = vector.shape_cast %eq3A_436 : vector<1024x1xi1> to vector<1024x1xi1>
    %broadcast_in_dim3A_439 = vector.broadcast %broadcast_in_dim3A_438 : vector<1024x1xi1> to vector<1024x128xi1>
    %broadcast_in_dim3A_440 = vector.broadcast %jit3A_437 : f32 to vector<1024x128xf32>
    %select_n3A_441 = arith.select %broadcast_in_dim3A_439, %add3A_31, %broadcast_in_dim3A_440 : vector<1024x128xi1>, vector<1024x128xf32>
    %reduce_max3A_442 = arith.constant dense<0xFF800000> : vector<128xf32>
    %reduce_max3A_443 = vector.multi_reduction <maximumf>, %select_n3A_441, %reduce_max3A_442 [0] : vector<1024x128xf32> to vector<128xf32>
    %eq3A_444 = arith.constant 40 : i32
    %eq3A_445 = vector.broadcast %eq3A_444 : i32 to vector<1024x1xi32>
    %eq3A_446 = arith.cmpi eq, %get3A_45, %eq3A_445 : vector<1024x1xi32>
    %jit3A_447 = arith.constant 0xFF800000 : f32
    %broadcast_in_dim3A_448 = vector.shape_cast %eq3A_446 : vector<1024x1xi1> to vector<1024x1xi1>
    %broadcast_in_dim3A_449 = vector.broadcast %broadcast_in_dim3A_448 : vector<1024x1xi1> to vector<1024x128xi1>
    %broadcast_in_dim3A_450 = vector.broadcast %jit3A_447 : f32 to vector<1024x128xf32>
    %select_n3A_451 = arith.select %broadcast_in_dim3A_449, %add3A_31, %broadcast_in_dim3A_450 : vector<1024x128xi1>, vector<1024x128xf32>
    %reduce_max3A_452 = arith.constant dense<0xFF800000> : vector<128xf32>
    %reduce_max3A_453 = vector.multi_reduction <maximumf>, %select_n3A_451, %reduce_max3A_452 [0] : vector<1024x128xf32> to vector<128xf32>
    %eq3A_454 = arith.constant 41 : i32
    %eq3A_455 = vector.broadcast %eq3A_454 : i32 to vector<1024x1xi32>
    %eq3A_456 = arith.cmpi eq, %get3A_45, %eq3A_455 : vector<1024x1xi32>
    %jit3A_457 = arith.constant 0xFF800000 : f32
    %broadcast_in_dim3A_458 = vector.shape_cast %eq3A_456 : vector<1024x1xi1> to vector<1024x1xi1>
    %broadcast_in_dim3A_459 = vector.broadcast %broadcast_in_dim3A_458 : vector<1024x1xi1> to vector<1024x128xi1>
    %broadcast_in_dim3A_460 = vector.broadcast %jit3A_457 : f32 to vector<1024x128xf32>
    %select_n3A_461 = arith.select %broadcast_in_dim3A_459, %add3A_31, %broadcast_in_dim3A_460 : vector<1024x128xi1>, vector<1024x128xf32>
    %reduce_max3A_462 = arith.constant dense<0xFF800000> : vector<128xf32>
    %reduce_max3A_463 = vector.multi_reduction <maximumf>, %select_n3A_461, %reduce_max3A_462 [0] : vector<1024x128xf32> to vector<128xf32>
    %eq3A_464 = arith.constant 42 : i32
    %eq3A_465 = vector.broadcast %eq3A_464 : i32 to vector<1024x1xi32>
    %eq3A_466 = arith.cmpi eq, %get3A_45, %eq3A_465 : vector<1024x1xi32>
    %jit3A_467 = arith.constant 0xFF800000 : f32
    %broadcast_in_dim3A_468 = vector.shape_cast %eq3A_466 : vector<1024x1xi1> to vector<1024x1xi1>
    %broadcast_in_dim3A_469 = vector.broadcast %broadcast_in_dim3A_468 : vector<1024x1xi1> to vector<1024x128xi1>
    %broadcast_in_dim3A_470 = vector.broadcast %jit3A_467 : f32 to vector<1024x128xf32>
    %select_n3A_471 = arith.select %broadcast_in_dim3A_469, %add3A_31, %broadcast_in_dim3A_470 : vector<1024x128xi1>, vector<1024x128xf32>
    %reduce_max3A_472 = arith.constant dense<0xFF800000> : vector<128xf32>
    %reduce_max3A_473 = vector.multi_reduction <maximumf>, %select_n3A_471, %reduce_max3A_472 [0] : vector<1024x128xf32> to vector<128xf32>
    %eq3A_474 = arith.constant 43 : i32
    %eq3A_475 = vector.broadcast %eq3A_474 : i32 to vector<1024x1xi32>
    %eq3A_476 = arith.cmpi eq, %get3A_45, %eq3A_475 : vector<1024x1xi32>
    %jit3A_477 = arith.constant 0xFF800000 : f32
    %broadcast_in_dim3A_478 = vector.shape_cast %eq3A_476 : vector<1024x1xi1> to vector<1024x1xi1>
    %broadcast_in_dim3A_479 = vector.broadcast %broadcast_in_dim3A_478 : vector<1024x1xi1> to vector<1024x128xi1>
    %broadcast_in_dim3A_480 = vector.broadcast %jit3A_477 : f32 to vector<1024x128xf32>
    %select_n3A_481 = arith.select %broadcast_in_dim3A_479, %add3A_31, %broadcast_in_dim3A_480 : vector<1024x128xi1>, vector<1024x128xf32>
    %reduce_max3A_482 = arith.constant dense<0xFF800000> : vector<128xf32>
    %reduce_max3A_483 = vector.multi_reduction <maximumf>, %select_n3A_481, %reduce_max3A_482 [0] : vector<1024x128xf32> to vector<128xf32>
    %eq3A_484 = arith.constant 44 : i32
    %eq3A_485 = vector.broadcast %eq3A_484 : i32 to vector<1024x1xi32>
    %eq3A_486 = arith.cmpi eq, %get3A_45, %eq3A_485 : vector<1024x1xi32>
    %jit3A_487 = arith.constant 0xFF800000 : f32
    %broadcast_in_dim3A_488 = vector.shape_cast %eq3A_486 : vector<1024x1xi1> to vector<1024x1xi1>
    %broadcast_in_dim3A_489 = vector.broadcast %broadcast_in_dim3A_488 : vector<1024x1xi1> to vector<1024x128xi1>
    %broadcast_in_dim3A_490 = vector.broadcast %jit3A_487 : f32 to vector<1024x128xf32>
    %select_n3A_491 = arith.select %broadcast_in_dim3A_489, %add3A_31, %broadcast_in_dim3A_490 : vector<1024x128xi1>, vector<1024x128xf32>
    %reduce_max3A_492 = arith.constant dense<0xFF800000> : vector<128xf32>
    %reduce_max3A_493 = vector.multi_reduction <maximumf>, %select_n3A_491, %reduce_max3A_492 [0] : vector<1024x128xf32> to vector<128xf32>
    %eq3A_494 = arith.constant 45 : i32
    %eq3A_495 = vector.broadcast %eq3A_494 : i32 to vector<1024x1xi32>
    %eq3A_496 = arith.cmpi eq, %get3A_45, %eq3A_495 : vector<1024x1xi32>
    %jit3A_497 = arith.constant 0xFF800000 : f32
    %broadcast_in_dim3A_498 = vector.shape_cast %eq3A_496 : vector<1024x1xi1> to vector<1024x1xi1>
    %broadcast_in_dim3A_499 = vector.broadcast %broadcast_in_dim3A_498 : vector<1024x1xi1> to vector<1024x128xi1>
    %broadcast_in_dim3A_500 = vector.broadcast %jit3A_497 : f32 to vector<1024x128xf32>
    %select_n3A_501 = arith.select %broadcast_in_dim3A_499, %add3A_31, %broadcast_in_dim3A_500 : vector<1024x128xi1>, vector<1024x128xf32>
    %reduce_max3A_502 = arith.constant dense<0xFF800000> : vector<128xf32>
    %reduce_max3A_503 = vector.multi_reduction <maximumf>, %select_n3A_501, %reduce_max3A_502 [0] : vector<1024x128xf32> to vector<128xf32>
    %eq3A_504 = arith.constant 46 : i32
    %eq3A_505 = vector.broadcast %eq3A_504 : i32 to vector<1024x1xi32>
    %eq3A_506 = arith.cmpi eq, %get3A_45, %eq3A_505 : vector<1024x1xi32>
    %jit3A_507 = arith.constant 0xFF800000 : f32
    %broadcast_in_dim3A_508 = vector.shape_cast %eq3A_506 : vector<1024x1xi1> to vector<1024x1xi1>
    %broadcast_in_dim3A_509 = vector.broadcast %broadcast_in_dim3A_508 : vector<1024x1xi1> to vector<1024x128xi1>
    %broadcast_in_dim3A_510 = vector.broadcast %jit3A_507 : f32 to vector<1024x128xf32>
    %select_n3A_511 = arith.select %broadcast_in_dim3A_509, %add3A_31, %broadcast_in_dim3A_510 : vector<1024x128xi1>, vector<1024x128xf32>
    %reduce_max3A_512 = arith.constant dense<0xFF800000> : vector<128xf32>
    %reduce_max3A_513 = vector.multi_reduction <maximumf>, %select_n3A_511, %reduce_max3A_512 [0] : vector<1024x128xf32> to vector<128xf32>
    %eq3A_514 = arith.constant 47 : i32
    %eq3A_515 = vector.broadcast %eq3A_514 : i32 to vector<1024x1xi32>
    %eq3A_516 = arith.cmpi eq, %get3A_45, %eq3A_515 : vector<1024x1xi32>
    %jit3A_517 = arith.constant 0xFF800000 : f32
    %broadcast_in_dim3A_518 = vector.shape_cast %eq3A_516 : vector<1024x1xi1> to vector<1024x1xi1>
    %broadcast_in_dim3A_519 = vector.broadcast %broadcast_in_dim3A_518 : vector<1024x1xi1> to vector<1024x128xi1>
    %broadcast_in_dim3A_520 = vector.broadcast %jit3A_517 : f32 to vector<1024x128xf32>
    %select_n3A_521 = arith.select %broadcast_in_dim3A_519, %add3A_31, %broadcast_in_dim3A_520 : vector<1024x128xi1>, vector<1024x128xf32>
    %reduce_max3A_522 = arith.constant dense<0xFF800000> : vector<128xf32>
    %reduce_max3A_523 = vector.multi_reduction <maximumf>, %select_n3A_521, %reduce_max3A_522 [0] : vector<1024x128xf32> to vector<128xf32>
    %eq3A_524 = arith.constant 48 : i32
    %eq3A_525 = vector.broadcast %eq3A_524 : i32 to vector<1024x1xi32>
    %eq3A_526 = arith.cmpi eq, %get3A_45, %eq3A_525 : vector<1024x1xi32>
    %jit3A_527 = arith.constant 0xFF800000 : f32
    %broadcast_in_dim3A_528 = vector.shape_cast %eq3A_526 : vector<1024x1xi1> to vector<1024x1xi1>
    %broadcast_in_dim3A_529 = vector.broadcast %broadcast_in_dim3A_528 : vector<1024x1xi1> to vector<1024x128xi1>
    %broadcast_in_dim3A_530 = vector.broadcast %jit3A_527 : f32 to vector<1024x128xf32>
    %select_n3A_531 = arith.select %broadcast_in_dim3A_529, %add3A_31, %broadcast_in_dim3A_530 : vector<1024x128xi1>, vector<1024x128xf32>
    %reduce_max3A_532 = arith.constant dense<0xFF800000> : vector<128xf32>
    %reduce_max3A_533 = vector.multi_reduction <maximumf>, %select_n3A_531, %reduce_max3A_532 [0] : vector<1024x128xf32> to vector<128xf32>
    %eq3A_534 = arith.constant 49 : i32
    %eq3A_535 = vector.broadcast %eq3A_534 : i32 to vector<1024x1xi32>
    %eq3A_536 = arith.cmpi eq, %get3A_45, %eq3A_535 : vector<1024x1xi32>
    %jit3A_537 = arith.constant 0xFF800000 : f32
    %broadcast_in_dim3A_538 = vector.shape_cast %eq3A_536 : vector<1024x1xi1> to vector<1024x1xi1>
    %broadcast_in_dim3A_539 = vector.broadcast %broadcast_in_dim3A_538 : vector<1024x1xi1> to vector<1024x128xi1>
    %broadcast_in_dim3A_540 = vector.broadcast %jit3A_537 : f32 to vector<1024x128xf32>
    %select_n3A_541 = arith.select %broadcast_in_dim3A_539, %add3A_31, %broadcast_in_dim3A_540 : vector<1024x128xi1>, vector<1024x128xf32>
    %reduce_max3A_542 = arith.constant dense<0xFF800000> : vector<128xf32>
    %reduce_max3A_543 = vector.multi_reduction <maximumf>, %select_n3A_541, %reduce_max3A_542 [0] : vector<1024x128xf32> to vector<128xf32>
    %eq3A_544 = arith.constant 50 : i32
    %eq3A_545 = vector.broadcast %eq3A_544 : i32 to vector<1024x1xi32>
    %eq3A_546 = arith.cmpi eq, %get3A_45, %eq3A_545 : vector<1024x1xi32>
    %jit3A_547 = arith.constant 0xFF800000 : f32
    %broadcast_in_dim3A_548 = vector.shape_cast %eq3A_546 : vector<1024x1xi1> to vector<1024x1xi1>
    %broadcast_in_dim3A_549 = vector.broadcast %broadcast_in_dim3A_548 : vector<1024x1xi1> to vector<1024x128xi1>
    %broadcast_in_dim3A_550 = vector.broadcast %jit3A_547 : f32 to vector<1024x128xf32>
    %select_n3A_551 = arith.select %broadcast_in_dim3A_549, %add3A_31, %broadcast_in_dim3A_550 : vector<1024x128xi1>, vector<1024x128xf32>
    %reduce_max3A_552 = arith.constant dense<0xFF800000> : vector<128xf32>
    %reduce_max3A_553 = vector.multi_reduction <maximumf>, %select_n3A_551, %reduce_max3A_552 [0] : vector<1024x128xf32> to vector<128xf32>
    %eq3A_554 = arith.constant 51 : i32
    %eq3A_555 = vector.broadcast %eq3A_554 : i32 to vector<1024x1xi32>
    %eq3A_556 = arith.cmpi eq, %get3A_45, %eq3A_555 : vector<1024x1xi32>
    %jit3A_557 = arith.constant 0xFF800000 : f32
    %broadcast_in_dim3A_558 = vector.shape_cast %eq3A_556 : vector<1024x1xi1> to vector<1024x1xi1>
    %broadcast_in_dim3A_559 = vector.broadcast %broadcast_in_dim3A_558 : vector<1024x1xi1> to vector<1024x128xi1>
    %broadcast_in_dim3A_560 = vector.broadcast %jit3A_557 : f32 to vector<1024x128xf32>
    %select_n3A_561 = arith.select %broadcast_in_dim3A_559, %add3A_31, %broadcast_in_dim3A_560 : vector<1024x128xi1>, vector<1024x128xf32>
    %reduce_max3A_562 = arith.constant dense<0xFF800000> : vector<128xf32>
    %reduce_max3A_563 = vector.multi_reduction <maximumf>, %select_n3A_561, %reduce_max3A_562 [0] : vector<1024x128xf32> to vector<128xf32>
    %eq3A_564 = arith.constant 52 : i32
    %eq3A_565 = vector.broadcast %eq3A_564 : i32 to vector<1024x1xi32>
    %eq3A_566 = arith.cmpi eq, %get3A_45, %eq3A_565 : vector<1024x1xi32>
    %jit3A_567 = arith.constant 0xFF800000 : f32
    %broadcast_in_dim3A_568 = vector.shape_cast %eq3A_566 : vector<1024x1xi1> to vector<1024x1xi1>
    %broadcast_in_dim3A_569 = vector.broadcast %broadcast_in_dim3A_568 : vector<1024x1xi1> to vector<1024x128xi1>
    %broadcast_in_dim3A_570 = vector.broadcast %jit3A_567 : f32 to vector<1024x128xf32>
    %select_n3A_571 = arith.select %broadcast_in_dim3A_569, %add3A_31, %broadcast_in_dim3A_570 : vector<1024x128xi1>, vector<1024x128xf32>
    %reduce_max3A_572 = arith.constant dense<0xFF800000> : vector<128xf32>
    %reduce_max3A_573 = vector.multi_reduction <maximumf>, %select_n3A_571, %reduce_max3A_572 [0] : vector<1024x128xf32> to vector<128xf32>
    %eq3A_574 = arith.constant 53 : i32
    %eq3A_575 = vector.broadcast %eq3A_574 : i32 to vector<1024x1xi32>
    %eq3A_576 = arith.cmpi eq, %get3A_45, %eq3A_575 : vector<1024x1xi32>
    %jit3A_577 = arith.constant 0xFF800000 : f32
    %broadcast_in_dim3A_578 = vector.shape_cast %eq3A_576 : vector<1024x1xi1> to vector<1024x1xi1>
    %broadcast_in_dim3A_579 = vector.broadcast %broadcast_in_dim3A_578 : vector<1024x1xi1> to vector<1024x128xi1>
    %broadcast_in_dim3A_580 = vector.broadcast %jit3A_577 : f32 to vector<1024x128xf32>
    %select_n3A_581 = arith.select %broadcast_in_dim3A_579, %add3A_31, %broadcast_in_dim3A_580 : vector<1024x128xi1>, vector<1024x128xf32>
    %reduce_max3A_582 = arith.constant dense<0xFF800000> : vector<128xf32>
    %reduce_max3A_583 = vector.multi_reduction <maximumf>, %select_n3A_581, %reduce_max3A_582 [0] : vector<1024x128xf32> to vector<128xf32>
    %eq3A_584 = arith.constant 54 : i32
    %eq3A_585 = vector.broadcast %eq3A_584 : i32 to vector<1024x1xi32>
    %eq3A_586 = arith.cmpi eq, %get3A_45, %eq3A_585 : vector<1024x1xi32>
    %jit3A_587 = arith.constant 0xFF800000 : f32
    %broadcast_in_dim3A_588 = vector.shape_cast %eq3A_586 : vector<1024x1xi1> to vector<1024x1xi1>
    %broadcast_in_dim3A_589 = vector.broadcast %broadcast_in_dim3A_588 : vector<1024x1xi1> to vector<1024x128xi1>
    %broadcast_in_dim3A_590 = vector.broadcast %jit3A_587 : f32 to vector<1024x128xf32>
    %select_n3A_591 = arith.select %broadcast_in_dim3A_589, %add3A_31, %broadcast_in_dim3A_590 : vector<1024x128xi1>, vector<1024x128xf32>
    %reduce_max3A_592 = arith.constant dense<0xFF800000> : vector<128xf32>
    %reduce_max3A_593 = vector.multi_reduction <maximumf>, %select_n3A_591, %reduce_max3A_592 [0] : vector<1024x128xf32> to vector<128xf32>
    %eq3A_594 = arith.constant 55 : i32
    %eq3A_595 = vector.broadcast %eq3A_594 : i32 to vector<1024x1xi32>
    %eq3A_596 = arith.cmpi eq, %get3A_45, %eq3A_595 : vector<1024x1xi32>
    %jit3A_597 = arith.constant 0xFF800000 : f32
    %broadcast_in_dim3A_598 = vector.shape_cast %eq3A_596 : vector<1024x1xi1> to vector<1024x1xi1>
    %broadcast_in_dim3A_599 = vector.broadcast %broadcast_in_dim3A_598 : vector<1024x1xi1> to vector<1024x128xi1>
    %broadcast_in_dim3A_600 = vector.broadcast %jit3A_597 : f32 to vector<1024x128xf32>
    %select_n3A_601 = arith.select %broadcast_in_dim3A_599, %add3A_31, %broadcast_in_dim3A_600 : vector<1024x128xi1>, vector<1024x128xf32>
    %reduce_max3A_602 = arith.constant dense<0xFF800000> : vector<128xf32>
    %reduce_max3A_603 = vector.multi_reduction <maximumf>, %select_n3A_601, %reduce_max3A_602 [0] : vector<1024x128xf32> to vector<128xf32>
    %eq3A_604 = arith.constant 56 : i32
    %eq3A_605 = vector.broadcast %eq3A_604 : i32 to vector<1024x1xi32>
    %eq3A_606 = arith.cmpi eq, %get3A_45, %eq3A_605 : vector<1024x1xi32>
    %jit3A_607 = arith.constant 0xFF800000 : f32
    %broadcast_in_dim3A_608 = vector.shape_cast %eq3A_606 : vector<1024x1xi1> to vector<1024x1xi1>
    %broadcast_in_dim3A_609 = vector.broadcast %broadcast_in_dim3A_608 : vector<1024x1xi1> to vector<1024x128xi1>
    %broadcast_in_dim3A_610 = vector.broadcast %jit3A_607 : f32 to vector<1024x128xf32>
    %select_n3A_611 = arith.select %broadcast_in_dim3A_609, %add3A_31, %broadcast_in_dim3A_610 : vector<1024x128xi1>, vector<1024x128xf32>
    %reduce_max3A_612 = arith.constant dense<0xFF800000> : vector<128xf32>
    %reduce_max3A_613 = vector.multi_reduction <maximumf>, %select_n3A_611, %reduce_max3A_612 [0] : vector<1024x128xf32> to vector<128xf32>
    %eq3A_614 = arith.constant 57 : i32
    %eq3A_615 = vector.broadcast %eq3A_614 : i32 to vector<1024x1xi32>
    %eq3A_616 = arith.cmpi eq, %get3A_45, %eq3A_615 : vector<1024x1xi32>
    %jit3A_617 = arith.constant 0xFF800000 : f32
    %broadcast_in_dim3A_618 = vector.shape_cast %eq3A_616 : vector<1024x1xi1> to vector<1024x1xi1>
    %broadcast_in_dim3A_619 = vector.broadcast %broadcast_in_dim3A_618 : vector<1024x1xi1> to vector<1024x128xi1>
    %broadcast_in_dim3A_620 = vector.broadcast %jit3A_617 : f32 to vector<1024x128xf32>
    %select_n3A_621 = arith.select %broadcast_in_dim3A_619, %add3A_31, %broadcast_in_dim3A_620 : vector<1024x128xi1>, vector<1024x128xf32>
    %reduce_max3A_622 = arith.constant dense<0xFF800000> : vector<128xf32>
    %reduce_max3A_623 = vector.multi_reduction <maximumf>, %select_n3A_621, %reduce_max3A_622 [0] : vector<1024x128xf32> to vector<128xf32>
    %eq3A_624 = arith.constant 58 : i32
    %eq3A_625 = vector.broadcast %eq3A_624 : i32 to vector<1024x1xi32>
    %eq3A_626 = arith.cmpi eq, %get3A_45, %eq3A_625 : vector<1024x1xi32>
    %jit3A_627 = arith.constant 0xFF800000 : f32
    %broadcast_in_dim3A_628 = vector.shape_cast %eq3A_626 : vector<1024x1xi1> to vector<1024x1xi1>
    %broadcast_in_dim3A_629 = vector.broadcast %broadcast_in_dim3A_628 : vector<1024x1xi1> to vector<1024x128xi1>
    %broadcast_in_dim3A_630 = vector.broadcast %jit3A_627 : f32 to vector<1024x128xf32>
    %select_n3A_631 = arith.select %broadcast_in_dim3A_629, %add3A_31, %broadcast_in_dim3A_630 : vector<1024x128xi1>, vector<1024x128xf32>
    %reduce_max3A_632 = arith.constant dense<0xFF800000> : vector<128xf32>
    %reduce_max3A_633 = vector.multi_reduction <maximumf>, %select_n3A_631, %reduce_max3A_632 [0] : vector<1024x128xf32> to vector<128xf32>
    %eq3A_634 = arith.constant 59 : i32
    %eq3A_635 = vector.broadcast %eq3A_634 : i32 to vector<1024x1xi32>
    %eq3A_636 = arith.cmpi eq, %get3A_45, %eq3A_635 : vector<1024x1xi32>
    %jit3A_637 = arith.constant 0xFF800000 : f32
    %broadcast_in_dim3A_638 = vector.shape_cast %eq3A_636 : vector<1024x1xi1> to vector<1024x1xi1>
    %broadcast_in_dim3A_639 = vector.broadcast %broadcast_in_dim3A_638 : vector<1024x1xi1> to vector<1024x128xi1>
    %broadcast_in_dim3A_640 = vector.broadcast %jit3A_637 : f32 to vector<1024x128xf32>
    %select_n3A_641 = arith.select %broadcast_in_dim3A_639, %add3A_31, %broadcast_in_dim3A_640 : vector<1024x128xi1>, vector<1024x128xf32>
    %reduce_max3A_642 = arith.constant dense<0xFF800000> : vector<128xf32>
    %reduce_max3A_643 = vector.multi_reduction <maximumf>, %select_n3A_641, %reduce_max3A_642 [0] : vector<1024x128xf32> to vector<128xf32>
    %eq3A_644 = arith.constant 60 : i32
    %eq3A_645 = vector.broadcast %eq3A_644 : i32 to vector<1024x1xi32>
    %eq3A_646 = arith.cmpi eq, %get3A_45, %eq3A_645 : vector<1024x1xi32>
    %jit3A_647 = arith.constant 0xFF800000 : f32
    %broadcast_in_dim3A_648 = vector.shape_cast %eq3A_646 : vector<1024x1xi1> to vector<1024x1xi1>
    %broadcast_in_dim3A_649 = vector.broadcast %broadcast_in_dim3A_648 : vector<1024x1xi1> to vector<1024x128xi1>
    %broadcast_in_dim3A_650 = vector.broadcast %jit3A_647 : f32 to vector<1024x128xf32>
    %select_n3A_651 = arith.select %broadcast_in_dim3A_649, %add3A_31, %broadcast_in_dim3A_650 : vector<1024x128xi1>, vector<1024x128xf32>
    %reduce_max3A_652 = arith.constant dense<0xFF800000> : vector<128xf32>
    %reduce_max3A_653 = vector.multi_reduction <maximumf>, %select_n3A_651, %reduce_max3A_652 [0] : vector<1024x128xf32> to vector<128xf32>
    %eq3A_654 = arith.constant 61 : i32
    %eq3A_655 = vector.broadcast %eq3A_654 : i32 to vector<1024x1xi32>
    %eq3A_656 = arith.cmpi eq, %get3A_45, %eq3A_655 : vector<1024x1xi32>
    %jit3A_657 = arith.constant 0xFF800000 : f32
    %broadcast_in_dim3A_658 = vector.shape_cast %eq3A_656 : vector<1024x1xi1> to vector<1024x1xi1>
    %broadcast_in_dim3A_659 = vector.broadcast %broadcast_in_dim3A_658 : vector<1024x1xi1> to vector<1024x128xi1>
    %broadcast_in_dim3A_660 = vector.broadcast %jit3A_657 : f32 to vector<1024x128xf32>
    %select_n3A_661 = arith.select %broadcast_in_dim3A_659, %add3A_31, %broadcast_in_dim3A_660 : vector<1024x128xi1>, vector<1024x128xf32>
    %reduce_max3A_662 = arith.constant dense<0xFF800000> : vector<128xf32>
    %reduce_max3A_663 = vector.multi_reduction <maximumf>, %select_n3A_661, %reduce_max3A_662 [0] : vector<1024x128xf32> to vector<128xf32>
    %eq3A_664 = arith.constant 62 : i32
    %eq3A_665 = vector.broadcast %eq3A_664 : i32 to vector<1024x1xi32>
    %eq3A_666 = arith.cmpi eq, %get3A_45, %eq3A_665 : vector<1024x1xi32>
    %jit3A_667 = arith.constant 0xFF800000 : f32
    %broadcast_in_dim3A_668 = vector.shape_cast %eq3A_666 : vector<1024x1xi1> to vector<1024x1xi1>
    %broadcast_in_dim3A_669 = vector.broadcast %broadcast_in_dim3A_668 : vector<1024x1xi1> to vector<1024x128xi1>
    %broadcast_in_dim3A_670 = vector.broadcast %jit3A_667 : f32 to vector<1024x128xf32>
    %select_n3A_671 = arith.select %broadcast_in_dim3A_669, %add3A_31, %broadcast_in_dim3A_670 : vector<1024x128xi1>, vector<1024x128xf32>
    %reduce_max3A_672 = arith.constant dense<0xFF800000> : vector<128xf32>
    %reduce_max3A_673 = vector.multi_reduction <maximumf>, %select_n3A_671, %reduce_max3A_672 [0] : vector<1024x128xf32> to vector<128xf32>
    %eq3A_674 = arith.constant 63 : i32
    %eq3A_675 = vector.broadcast %eq3A_674 : i32 to vector<1024x1xi32>
    %eq3A_676 = arith.cmpi eq, %get3A_45, %eq3A_675 : vector<1024x1xi32>
    %jit3A_677 = arith.constant 0xFF800000 : f32
    %broadcast_in_dim3A_678 = vector.shape_cast %eq3A_676 : vector<1024x1xi1> to vector<1024x1xi1>
    %broadcast_in_dim3A_679 = vector.broadcast %broadcast_in_dim3A_678 : vector<1024x1xi1> to vector<1024x128xi1>
    %broadcast_in_dim3A_680 = vector.broadcast %jit3A_677 : f32 to vector<1024x128xf32>
    %select_n3A_681 = arith.select %broadcast_in_dim3A_679, %add3A_31, %broadcast_in_dim3A_680 : vector<1024x128xi1>, vector<1024x128xf32>
    %reduce_max3A_682 = arith.constant dense<0xFF800000> : vector<128xf32>
    %reduce_max3A_683 = vector.multi_reduction <maximumf>, %select_n3A_681, %reduce_max3A_682 [0] : vector<1024x128xf32> to vector<128xf32>
    %get3A_684 = arith.constant 0 : index
    %get3A_685 = arith.constant 0 : index
    %get3A_686 = vector.load %arg8[%get3A_684, %get3A_685] : memref<64x128xf32, #tpu.memory_space<vmem>>, vector<64x128xf32>
    %stack3A = vector.shape_cast %reduce_max3A_53 : vector<128xf32> to vector<1x128xf32>
    %stack3A_687 = vector.shape_cast %reduce_max3A_63 : vector<128xf32> to vector<1x128xf32>
    %stack3A_688 = vector.shape_cast %reduce_max3A_73 : vector<128xf32> to vector<1x128xf32>
    %stack3A_689 = vector.shape_cast %reduce_max3A_83 : vector<128xf32> to vector<1x128xf32>
    %stack3A_690 = vector.shape_cast %reduce_max3A_93 : vector<128xf32> to vector<1x128xf32>
    %stack3A_691 = vector.shape_cast %reduce_max3A_103 : vector<128xf32> to vector<1x128xf32>
    %stack3A_692 = vector.shape_cast %reduce_max3A_113 : vector<128xf32> to vector<1x128xf32>
    %stack3A_693 = vector.shape_cast %reduce_max3A_123 : vector<128xf32> to vector<1x128xf32>
    %stack3A_694 = vector.shape_cast %reduce_max3A_133 : vector<128xf32> to vector<1x128xf32>
    %stack3A_695 = vector.shape_cast %reduce_max3A_143 : vector<128xf32> to vector<1x128xf32>
    %stack3A_696 = vector.shape_cast %reduce_max3A_153 : vector<128xf32> to vector<1x128xf32>
    %stack3A_697 = vector.shape_cast %reduce_max3A_163 : vector<128xf32> to vector<1x128xf32>
    %stack3A_698 = vector.shape_cast %reduce_max3A_173 : vector<128xf32> to vector<1x128xf32>
    %stack3A_699 = vector.shape_cast %reduce_max3A_183 : vector<128xf32> to vector<1x128xf32>
    %stack3A_700 = vector.shape_cast %reduce_max3A_193 : vector<128xf32> to vector<1x128xf32>
    %stack3A_701 = vector.shape_cast %reduce_max3A_203 : vector<128xf32> to vector<1x128xf32>
    %stack3A_702 = vector.shape_cast %reduce_max3A_213 : vector<128xf32> to vector<1x128xf32>
    %stack3A_703 = vector.shape_cast %reduce_max3A_223 : vector<128xf32> to vector<1x128xf32>
    %stack3A_704 = vector.shape_cast %reduce_max3A_233 : vector<128xf32> to vector<1x128xf32>
    %stack3A_705 = vector.shape_cast %reduce_max3A_243 : vector<128xf32> to vector<1x128xf32>
    %stack3A_706 = vector.shape_cast %reduce_max3A_253 : vector<128xf32> to vector<1x128xf32>
    %stack3A_707 = vector.shape_cast %reduce_max3A_263 : vector<128xf32> to vector<1x128xf32>
    %stack3A_708 = vector.shape_cast %reduce_max3A_273 : vector<128xf32> to vector<1x128xf32>
    %stack3A_709 = vector.shape_cast %reduce_max3A_283 : vector<128xf32> to vector<1x128xf32>
    %stack3A_710 = vector.shape_cast %reduce_max3A_293 : vector<128xf32> to vector<1x128xf32>
    %stack3A_711 = vector.shape_cast %reduce_max3A_303 : vector<128xf32> to vector<1x128xf32>
    %stack3A_712 = vector.shape_cast %reduce_max3A_313 : vector<128xf32> to vector<1x128xf32>
    %stack3A_713 = vector.shape_cast %reduce_max3A_323 : vector<128xf32> to vector<1x128xf32>
    %stack3A_714 = vector.shape_cast %reduce_max3A_333 : vector<128xf32> to vector<1x128xf32>
    %stack3A_715 = vector.shape_cast %reduce_max3A_343 : vector<128xf32> to vector<1x128xf32>
    %stack3A_716 = vector.shape_cast %reduce_max3A_353 : vector<128xf32> to vector<1x128xf32>
    %stack3A_717 = vector.shape_cast %reduce_max3A_363 : vector<128xf32> to vector<1x128xf32>
    %stack3A_718 = vector.shape_cast %reduce_max3A_373 : vector<128xf32> to vector<1x128xf32>
    %stack3A_719 = vector.shape_cast %reduce_max3A_383 : vector<128xf32> to vector<1x128xf32>
    %stack3A_720 = vector.shape_cast %reduce_max3A_393 : vector<128xf32> to vector<1x128xf32>
    %stack3A_721 = vector.shape_cast %reduce_max3A_403 : vector<128xf32> to vector<1x128xf32>
    %stack3A_722 = vector.shape_cast %reduce_max3A_413 : vector<128xf32> to vector<1x128xf32>
    %stack3A_723 = vector.shape_cast %reduce_max3A_423 : vector<128xf32> to vector<1x128xf32>
    %stack3A_724 = vector.shape_cast %reduce_max3A_433 : vector<128xf32> to vector<1x128xf32>
    %stack3A_725 = vector.shape_cast %reduce_max3A_443 : vector<128xf32> to vector<1x128xf32>
    %stack3A_726 = vector.shape_cast %reduce_max3A_453 : vector<128xf32> to vector<1x128xf32>
    %stack3A_727 = vector.shape_cast %reduce_max3A_463 : vector<128xf32> to vector<1x128xf32>
    %stack3A_728 = vector.shape_cast %reduce_max3A_473 : vector<128xf32> to vector<1x128xf32>
    %stack3A_729 = vector.shape_cast %reduce_max3A_483 : vector<128xf32> to vector<1x128xf32>
    %stack3A_730 = vector.shape_cast %reduce_max3A_493 : vector<128xf32> to vector<1x128xf32>
    %stack3A_731 = vector.shape_cast %reduce_max3A_503 : vector<128xf32> to vector<1x128xf32>
    %stack3A_732 = vector.shape_cast %reduce_max3A_513 : vector<128xf32> to vector<1x128xf32>
    %stack3A_733 = vector.shape_cast %reduce_max3A_523 : vector<128xf32> to vector<1x128xf32>
    %stack3A_734 = vector.shape_cast %reduce_max3A_533 : vector<128xf32> to vector<1x128xf32>
    %stack3A_735 = vector.shape_cast %reduce_max3A_543 : vector<128xf32> to vector<1x128xf32>
    %stack3A_736 = vector.shape_cast %reduce_max3A_553 : vector<128xf32> to vector<1x128xf32>
    %stack3A_737 = vector.shape_cast %reduce_max3A_563 : vector<128xf32> to vector<1x128xf32>
    %stack3A_738 = vector.shape_cast %reduce_max3A_573 : vector<128xf32> to vector<1x128xf32>
    %stack3A_739 = vector.shape_cast %reduce_max3A_583 : vector<128xf32> to vector<1x128xf32>
    %stack3A_740 = vector.shape_cast %reduce_max3A_593 : vector<128xf32> to vector<1x128xf32>
    %stack3A_741 = vector.shape_cast %reduce_max3A_603 : vector<128xf32> to vector<1x128xf32>
    %stack3A_742 = vector.shape_cast %reduce_max3A_613 : vector<128xf32> to vector<1x128xf32>
    %stack3A_743 = vector.shape_cast %reduce_max3A_623 : vector<128xf32> to vector<1x128xf32>
    %stack3A_744 = vector.shape_cast %reduce_max3A_633 : vector<128xf32> to vector<1x128xf32>
    %stack3A_745 = vector.shape_cast %reduce_max3A_643 : vector<128xf32> to vector<1x128xf32>
    %stack3A_746 = vector.shape_cast %reduce_max3A_653 : vector<128xf32> to vector<1x128xf32>
    %stack3A_747 = vector.shape_cast %reduce_max3A_663 : vector<128xf32> to vector<1x128xf32>
    %stack3A_748 = vector.shape_cast %reduce_max3A_673 : vector<128xf32> to vector<1x128xf32>
    %stack3A_749 = vector.shape_cast %reduce_max3A_683 : vector<128xf32> to vector<1x128xf32>
    %stack3A_750 = tpu.concatenate %stack3A, %stack3A_687, %stack3A_688, %stack3A_689, %stack3A_690, %stack3A_691, %stack3A_692, %stack3A_693, %stack3A_694, %stack3A_695, %stack3A_696, %stack3A_697, %stack3A_698, %stack3A_699, %stack3A_700, %stack3A_701, %stack3A_702, %stack3A_703, %stack3A_704, %stack3A_705, %stack3A_706, %stack3A_707, %stack3A_708, %stack3A_709, %stack3A_710, %stack3A_711, %stack3A_712, %stack3A_713, %stack3A_714, %stack3A_715, %stack3A_716, %stack3A_717, %stack3A_718, %stack3A_719, %stack3A_720, %stack3A_721, %stack3A_722, %stack3A_723, %stack3A_724, %stack3A_725, %stack3A_726, %stack3A_727, %stack3A_728, %stack3A_729, %stack3A_730, %stack3A_731, %stack3A_732, %stack3A_733, %stack3A_734, %stack3A_735, %stack3A_736, %stack3A_737, %stack3A_738, %stack3A_739, %stack3A_740, %stack3A_741, %stack3A_742, %stack3A_743, %stack3A_744, %stack3A_745, %stack3A_746, %stack3A_747, %stack3A_748, %stack3A_749 in 0 : vector<1x128xf32>, vector<1x128xf32>, vector<1x128xf32>, vector<1x128xf32>, vector<1x128xf32>, vector<1x128xf32>, vector<1x128xf32>, vector<1x128xf32>, vector<1x128xf32>, vector<1x128xf32>, vector<1x128xf32>, vector<1x128xf32>, vector<1x128xf32>, vector<1x128xf32>, vector<1x128xf32>, vector<1x128xf32>, vector<1x128xf32>, vector<1x128xf32>, vector<1x128xf32>, vector<1x128xf32>, vector<1x128xf32>, vector<1x128xf32>, vector<1x128xf32>, vector<1x128xf32>, vector<1x128xf32>, vector<1x128xf32>, vector<1x128xf32>, vector<1x128xf32>, vector<1x128xf32>, vector<1x128xf32>, vector<1x128xf32>, vector<1x128xf32>, vector<1x128xf32>, vector<1x128xf32>, vector<1x128xf32>, vector<1x128xf32>, vector<1x128xf32>, vector<1x128xf32>, vector<1x128xf32>, vector<1x128xf32>, vector<1x128xf32>, vector<1x128xf32>, vector<1x128xf32>, vector<1x128xf32>, vector<1x128xf32>, vector<1x128xf32>, vector<1x128xf32>, vector<1x128xf32>, vector<1x128xf32>, vector<1x128xf32>, vector<1x128xf32>, vector<1x128xf32>, vector<1x128xf32>, vector<1x128xf32>, vector<1x128xf32>, vector<1x128xf32>, vector<1x128xf32>, vector<1x128xf32>, vector<1x128xf32>, vector<1x128xf32>, vector<1x128xf32>, vector<1x128xf32>, vector<1x128xf32>, vector<1x128xf32> -> vector<64x128xf32>
    %max3A_751 = arith.maximumf %get3A_686, %stack3A_750 : vector<64x128xf32>
    %swap3A_752 = arith.constant 0 : index
    %swap3A_753 = arith.constant 0 : index
    %swap3A_754 = vector.load %arg8[%swap3A_752, %swap3A_753] : memref<64x128xf32, #tpu.memory_space<vmem>>, vector<64x128xf32>
    tpu.vector_store %arg8[%swap3A_752, %swap3A_753], %max3A_751 {strides = array<i32>} : memref<64x128xf32, #tpu.memory_space<vmem>>, vector<64x128xf32>,
    %eq3A_755 = arith.constant 9 : i32
    %eq3A_756 = arith.cmpi eq, %arg0, %eq3A_755 : i32
    %convert_element_type3A_757 = arith.extui %eq3A_756 : i1 to i32
    %cond3A_758 = arith.constant 0 : i32
    %cond3A_759 = arith.cmpi ne, %convert_element_type3A_757, %cond3A_758 : i32
    scf.if %cond3A_759 {
      %get3A_760 = arith.constant 0 : index
      %get3A_761 = arith.constant 0 : index
      %get3A_762 = vector.load %arg8[%get3A_760, %get3A_761] : memref<64x128xf32, #tpu.memory_space<vmem>>, vector<64x128xf32>
      %reduce_sum3A_763 = arith.constant dense<0.000000e+00> : vector<128xf32>
      %reduce_sum3A_764 = vector.multi_reduction <add>, %get3A_762, %reduce_sum3A_763 [0] : vector<64x128xf32> to vector<128xf32>
      %broadcast_in_dim3A_765 = vector.shape_cast %reduce_sum3A_764 : vector<128xf32> to vector<1x128xf32>
      %div3A_766 = arith.constant 6.400000e+01 : f32
      %div3A_767 = vector.broadcast %div3A_766 : f32 to vector<1x128xf32>
      %div3A_768 = arith.divf %broadcast_in_dim3A_765, %div3A_767 : vector<1x128xf32>
      %swap3A_769 = arith.constant 0 : index
      %swap3A_770 = arith.constant 0 : index
      %swap3A_771 = vector.load %arg6[%swap3A_769, %swap3A_770] : memref<1x128xf32, #tpu.memory_space<vmem>>, vector<1x128xf32>
      tpu.vector_store %arg6[%swap3A_769, %swap3A_770], %div3A_768 {strides = array<i32>} : memref<1x128xf32, #tpu.memory_space<vmem>>, vector<1x128xf32>,
    } else {
    }
    return
  }
  func.func @transform_0(%arg0: i32) -> (i32, i32, i32) {
    %c0_i32 = arith.constant 0 : i32
    %c0_i32_0 = arith.constant 0 : i32
    %c0_i32_1 = arith.constant 0 : i32
    return %c0_i32, %arg0, %c0_i32_0 : i32, i32, i32
  }
  func.func @transform_1(%arg0: i32) -> (i32, i32, i32) {
    %c0_i32 = arith.constant 0 : i32
    %c0_i32_0 = arith.constant 0 : i32
    %c0_i32_1 = arith.constant 0 : i32
    return %c0_i32, %arg0, %c0_i32_0 : i32, i32, i32
  }
  func.func @transform_2(%arg0: i32) -> (i32, i32) {
    %c0_i32 = arith.constant 0 : i32
    %c0_i32_0 = arith.constant 0 : i32
    return %arg0, %c0_i32 : i32, i32
  }
  func.func @transform_3(%arg0: i32) -> (i32, i32) {
    %c0_i32 = arith.constant 0 : i32
    %c0_i32_0 = arith.constant 0 : i32
    %c0_i32_1 = arith.constant 0 : i32
    return %c0_i32, %c0_i32_0 : i32, i32
  }
  func.func @transform_4(%arg0: i32) -> (i32, i32) {
    %c0_i32 = arith.constant 0 : i32
    %c0_i32_0 = arith.constant 0 : i32
    return %arg0, %c0_i32 : i32, i32
  }
  func.func @transform_5(%arg0: i32) -> (i32, i32) {
    %c0_i32 = arith.constant 0 : i32
    %c0_i32_0 = arith.constant 0 : i32
    %c0_i32_1 = arith.constant 0 : i32
    return %c0_i32, %c0_i32_0 : i32, i32
  }
  func.func @transform_6(%arg0: i32) -> (i32, i32) {
    %c0_i32 = arith.constant 0 : i32
    %c0_i32_0 = arith.constant 0 : i32
    return %arg0, %c0_i32 : i32, i32
  }
}

</mosaic_0001>

<sc_bundles>
// kernel: kernel.11.cloned.1.call-start
scs
__scs_entry_jumppad:
0x0: {  	(pc) =	sbr.rel $0x88, $3  }
0x1: {  	(tag) =	ssettag $0x0;
	lr =	simm.s32 $0x1  }
0x2: {  	[smem:$0x3F98] =	sst lr;
	_ =	strace $0xD0000000  }
0x3: {  	_ = 	snop  }
0x4: {  	_ = 	snop  }
0x5: {  	_ = 	snop  }
0x6: {  	_ = 	snop  }
0x7: {  	_ = 	snop  }
__scs_overlays_trampoline_lowered:
0x8: {  	[smem:$0x3FA7] =	sst s0  }
0x9: {  	[smem:$0x3FA8] =	sst s1  }
0xa: {  	[smem:$0x3FA9] =	sst s2  }
0xb: {  	[smem:$0x3FAA] =	sst s3  }
0xc: {  	[smem:$0x3FAB] =	sst s4  }
0xd: {  	[smem:$0x3FAC] =	sst s5  }
0xe: {  	[smem:$0x3FAD] =	sst s6  }
0xf: {  	[smem:$0x3FAE] =	sst s7  }
0x10: {  	[smem:$0x3FAF] =	sst s8  }
0x11: {  	[smem:$0x3FB0] =	sst s9;
	s0 =	simm.s32 @!p0 $0x0  }
0x12: {  	s1 =	sld [smem:$0x3F96];
	s0 =	simm.s32 @p0 $0x1  }
0x13: {  	[smem:$0x3FB1] =	sst s0;
	s0 =	simm.s32 @!p1 $0x0  }
0x14: {  	s2 =	sld [smem:$0x3F95];
	s0 =	simm.s32 @p1 $0x1  }
0x15: {  	[smem:$0x3FB2] =	sst s0;
	s0 =	simm.s32 @!p2 $0x0  }
0x16: {  	s3 =	sld [smem:$0x3FDB];
	s0 =	simm.s32 @p2 $0x1  }
0x17: {  	s4 =	simm.s32 $0x1BF5;
	[smem:$0x3FB4] =	sst s0  }
0x18: {  	s0 =	sld [smem:$0x3F97];
	_ =	swait.ge [sflag:s4], $0x0  }
0x19: {  	s7 =	sld [smem:$0x3F98]  }
0x1a: {  	s8 =	sadd.s32 $0xFFFFE003, lr  }
0x1b: {  	s9 =	sadd.s32 $0xFFFFFEF7, lr;
	s5 =	simm.s32 $0xFFFFFFFF;
	p2 =	slt.u32 s8, $0xFFFFF086  }
0x1c: {  	p1 =	slt.u32 s9, $0xF7A;
	s5 =	simm.s32 @!p2 $0x0  }
0x1d: {  	s5 =	simm.s32 @p1 $0x1;
	p0 =	seq.s32 s7, s2  }
0x1e: {  	s7 =	smul.u32 @!p0 $0xF7A, s2;
	p2 =	seq.s32 @!p0 s5, $0x0  }
0x1f: {  	s9 =	smul.u32 $0xF7A, s1;
	s8 =	simm.s32 @!p0 $0x1BF5;
	p2 =	por !p2, p0  }
0x20: {  	[sflag:s8] =	ssyncset.s32 @!p0 $0xFFFFF086;
	s6 =	sadd.s32 @!p0 s3, s7;
	s7 =	simm.s32 @!p0 $0x108  }
0x21: {  	s3 =	sadd.s32 s3, s9;
	s6 =	sadd.s32 @!p0 $0x88, s6;
	s7 =	simm.s32 @p2 $0x1082  }
0x22: {  	[simem:s7], [sflag:s8] =	dma.local @!p0 [hbm:s6], $0xF7A  }
0x23: {  	s9 =	sor.u32 $0xD0000000, s2;
	s6 =	simm.s32 $0x108;
	_ =	swait.ge @!p0 [sflag:s8], $0x0  }
0x24: {  	s3 =	sadd.s32 $0x88, s3;
	s6 =	simm.s32 @!p1 $0x1082;
	[sflag:s4] =	ssyncset.s32 $0xFFFFF086  }
0x25: {  	[simem:s6], [sflag:s4] =	dma.local [hbm:s3], $0xF7A  }
0x26: {  	[smem:$0x3F98] =	sst s1;
	(tag) =	ssettag s2;
	_ =	strace s9  }
0x27: {  	s1 =	sld [smem:$0x3FA8]  }
0x28: {  	s2 =	sld [smem:$0x3FA9]  }
0x29: {  	s4 =	sld [smem:$0x3FAB]  }
0x2a: {  	p0 =	seq.s32 s5, $0x0;
	s5 =	sld [smem:$0x3FAC]  }
0x2b: {  	s6 =	sld [smem:$0x3FAD]  }
0x2c: {  	s7 =	sld [smem:$0x3FAE]  }
0x2d: {  	s3 =	simm.s32 $0x108;
	s8 =	sld [smem:$0x3FAF]  }
0x2e: {  	s3 =	simm.s32 @!p0 $0x1082;
	s9 =	sld [smem:$0x3FB0]  }
0x2f: {  	lr =	sadd.s32 s0, s3;
	s0 =	sld [smem:$0x3FA7]  }
0x30: {  	s3 =	sld [smem:$0x3FAA]  }
0x31: {  	[smem:$0x3FB3] =	sst s10  }
0x32: {  	s10 =	sld [smem:$0x3FB1];
	_ =	sdelay $0x3  }
0x33: {  	p0 =	seq.s32 s10, $0x1;
	s10 =	sld [smem:$0x3FB3];
	_ =	sdelay $0x3  }
0x34: {  	[smem:$0x3FB3] =	sst s10  }
0x35: {  	s10 =	sld [smem:$0x3FB2];
	_ =	sdelay $0x3  }
0x36: {  	p1 =	seq.s32 s10, $0x1;
	s10 =	sld [smem:$0x3FB3];
	_ =	sdelay $0x3  }
0x37: {  	[smem:$0x3FB3] =	sst s10  }
0x38: {  	s10 =	sld [smem:$0x3FB4]  }
0x39: {  	_ = 	snop;
	(pc) =	sbr.ind lr, $3  }
0x3a: {  	_ = 	snop  }
0x3b: {  	_ = 	snop  }
0x3c: {  	p2 =	seq.s32 s10, $0x1;
	s10 =	sld [smem:$0x3FB3]  }
0x3d: {  	_ =	shalt  }
0x3e: {  	_ =	shalt  }
0x3f: {  	_ =	shalt  }
0x40: {  	_ =	shalt  }
0x41: {  	_ =	shalt  }
0x42: {  	_ =	shalt  }
0x43: {  	_ =	shalt  }
0x44: {  	_ =	shalt  }
0x45: {  	_ =	shalt  }
0x46: {  	_ =	shalt  }
0x47: {  	_ =	shalt  }
0x48: {  	_ =	shalt  }
0x49: {  	_ =	shalt  }
0x4a: {  	_ =	shalt  }
0x4b: {  	_ =	shalt  }
0x4c: {  	_ =	shalt  }
0x4d: {  	_ =	shalt  }
0x4e: {  	_ =	shalt  }
0x4f: {  	_ =	shalt  }
0x50: {  	_ =	shalt  }
0x51: {  	_ =	shalt  }
0x52: {  	_ =	shalt  }
0x53: {  	_ =	shalt  }
0x54: {  	_ =	shalt  }
0x55: {  	_ =	shalt  }
0x56: {  	_ =	shalt  }
0x57: {  	_ =	shalt  }
0x58: {  	_ =	shalt  }
0x59: {  	_ =	shalt  }
0x5a: {  	_ =	shalt  }
0x5b: {  	_ =	shalt  }
0x5c: {  	_ =	shalt  }
0x5d: {  	_ =	shalt  }
0x5e: {  	_ =	shalt  }
0x5f: {  	_ =	shalt  }
0x60: {  	_ =	shalt  }
0x61: {  	_ =	shalt  }
0x62: {  	_ =	shalt  }
0x63: {  	_ =	shalt  }
0x64: {  	_ =	shalt  }
0x65: {  	_ =	shalt  }
0x66: {  	_ =	shalt  }
0x67: {  	_ =	shalt  }
0x68: {  	_ =	shalt  }
0x69: {  	_ =	shalt  }
0x6a: {  	_ =	shalt  }
0x6b: {  	_ =	shalt  }
0x6c: {  	_ =	shalt  }
0x6d: {  	_ =	shalt  }
0x6e: {  	_ =	shalt  }
0x6f: {  	_ =	shalt  }
0x70: {  	_ =	shalt  }
0x71: {  	_ =	shalt  }
0x72: {  	_ =	shalt  }
0x73: {  	_ =	shalt  }
0x74: {  	_ =	shalt  }
0x75: {  	_ =	shalt  }
0x76: {  	_ =	shalt  }
0x77: {  	_ =	shalt  }
0x78: {  	_ =	shalt  }
0x79: {  	_ =	shalt  }
0x7a: {  	_ =	shalt  }
0x7b: {  	_ =	shalt  }
0x7c: {  	_ =	shalt  }
0x7d: {  	_ =	shalt  }
0x7e: {  	_ =	shalt  }
0x7f: {  	_ =	shalt  }
0x80: {  	_ =	shalt  }
0x81: {  	_ =	shalt  }
0x82: {  	_ =	shalt  }
0x83: {  	_ =	shalt  }
0x84: {  	_ =	shalt  }
0x85: {  	_ =	shalt  }
0x86: {  	_ =	shalt  }
0x87: {  	_ =	shalt  }
.Lfunc_end0:
.L_simem_size_0:
called_computation.1_lowered:
.L_overlay_start_0:
0x88: {  	s2 =	sld [smem:$0x3FD9]  }
0x89: {  	s3 =	sld [smem:$0x3FFE];
	_ =	sdelay $0x1  }
0x8a: {  	s1 =	srdreg.scid  }
0x8b: {  	s0 =	sand.u32 $0x1, s1  }
0x8c: {  	s17 =	sshll.u32 s0, $0xA;
	s2 =	sadd.s32 s3, s2  }
0x8d: {  	s2 =	sadd.s32 s2, s17  }
0x8e: {  	[smem:$0x3FBF] =	sst s2  }
0x8f: {  	_ = 	snop  }
0x90: {  	(tm) =	ssettm $0x1  }
0x91: {  	s18 =	sld [smem:$0x3FFB];
	_ =	sdelay $0x3  }
0x92: {  	_ =	strace s18  }
0x93: {  	s2 =	sld [smem:$0x3FFC];
	_ =	sdelay $0x3  }
0x94: {  	_ =	strace s2  }
0x95: {  	s2 =	sld [smem:$0x3FFD];
	_ =	sdelay $0x3  }
0x96: {  	_ =	strace s2  }
0x97: {  	_ =	strace $0x8FFFFFFF  }
0x98: {  	s19 =	sld [smem:$0x3FDB];
	_ =	sdelay $0x1  }
0x99: {  	s20 =	simm.s32 $_scs_section_size  }
0x9a: {  	s4 =	simm.s32 $_size__tile_overlayer_lowered;
	s5 =	simm.s32 $_tile_overlayer_lowered  }
0x9b: {  	s6 =	simm.s32 $0x1BFF;
	s21 =	sshll.u32 s5, $0x1;
	s3 =	sadd.s32 s20, s19  }
0x9c: {  	s22 =	simm.s32 $0x0;
	s4 =	sshll.u32 s4, $0x1;
	s5 =	sadd.s32 s21, s3  }
0x9d: {  	[timem:s22], [sflag:s6] =	dma.local [hbm:s5], s4  }
0x9e: {  	_ =	swait.ge [sflag:s6], s4  }
0x9f: {  	s4 =	ssub.s32 $0x0, s4;
	[sflag:s6] =	ssyncset.done $0x0  }
0xa0: {  	[sflag:s6] =	ssyncadd.s32 s4;
	_ =	sdelay $0x1  }
0xa1: {  	s23 =	simm.s32 $0x1B8B  }
0xa2: {  	_ =	swait.ge [sflag:s23], $0x1  }
0xa3: {  	[sflag:s23] =	ssyncset.done $0x0  }
0xa4: {  	[sflag:s23] =	ssyncadd.s32 $0xFFFFFFFF  }
0xa5: {  	s4 =	sld [smem:$0x0]  }
0xa6: {  	s5 =	sand.u32 $0xFFFFFFFE, s1  }
0xa7: {  	p0 =	sne.s32 s1, s5  }
0xa8: {  	s5 =	sshll.u32 @p0 s5, $0xE  }
0xa9: {  	s5 =	sadd.s32 @p0 $0x11B8D, s5;
	s6 =	sshll.u32 @p0 s4, $0x11  }
0xaa: {  	s5 =	sor.u32 @p0 s6, s5  }
0xab: {  	[sflag:s5] =	ssyncadd.remote.s32 @p0 $0x1;
	_ =	sdelay $0x1  }
0xac: {  	s5 =	simm.s32 @p0 $0x1B8D  }
0xad: {  	_ =	swait.eq @p0 [sflag:s5], $0x1  }
0xae: {  	[sflag:s5] =	ssyncadd.s32 @p0 $0xFFFFFFFF  }
0xaf: {  	s6 =	sshll.u32 @!p0 s1, $0xE  }
0xb0: {  	s6 =	sor.u32 @!p0 $0x4000, s6;
	s5 =	simm.s32 @!p0 $0x1B8D  }
0xb1: {  	s4 =	sshll.u32 @!p0 s4, $0x11;
	s6 =	sadd.s32 @!p0 $0x11B8D, s6;
	_ =	swait.eq @!p0 [sflag:s5], $0x1  }
0xb2: {  	s4 =	sor.u32 @!p0 s4, s6;
	[sflag:s5] =	ssyncadd.s32 @!p0 $0xFFFFFFFF  }
0xb3: {  	s25 =	simm.s32 $0x1B8E;
	s24 =	sld [smem:$0x3FFE];
	[sflag:s4] =	ssyncadd.remote.s32 @!p0 $0x1  }
0xb4: {  	s26 =	simm.s32 $execute0_lowered;
	[smem:$0x3FD2] =	sst s25  }
0xb5: {  	s5 =	sshll.u32 s26, $0x1;
	_ =	strace $0x80000049;
	[dreg:$0x1] =	wrdreg $0xFFFFFFFF  }
0xb6: {  	s28 =	simm.s32 $_size_execute0_lowered;
	s3 =	sadd.s32 s3, s5;
	[dreg:$0x0] =	wrdreg $0x0  }
0xb7: {  	s5 =	sshll.u32 s28, $0x1;
	[dreg:$0x2] =	wrdreg s3  }
0xb8: {  	[dreg:$0x3] =	wrdreg s5  }
0xb9: {  	[dreg:$0x4] =	wrdreg $0xC0  }
0xba: {  	_ =	task [dreg:s22], $0x5FFFF  }
0xbb: {  	[dreg:$0x1] =	wrdreg $0xFFFFFFFF  }
0xbc: {  	[dreg:$0x0] =	wrdreg $0x60  }
0xbd: {  	[dreg:$0x2] =	wrdreg s24  }
0xbe: {  	[dreg:$0x3] =	wrdreg $0x88000  }
0xbf: {  	[dreg:$0x4] =	wrdreg $0xA  }
0xc0: {  	_ =	task.clear_ibuf [dreg:s22], $0x5FFFF;
	_ =	strace $0x90000049  }
0xc1: {  	s29 =	simm.s32 $0xA;
	_ =	strace $0x8000004B  }
0xc2: {  	_ =	swait.ge [sflag:s29], $0x1  }
0xc3: {  	[sflag:s29] =	ssyncadd.s32 $0xFFFFFFFF  }
0xc4: {  	_ =	strace $0x9000004B  }
0xc5: {  	_ =	sfence  }
0xc6: {  	s30 =	sld [smem:$0x0];
	_ =	sdelay $0x2  }
0xc7: {  	s31 =	sshll.u32 s1, $0xD;
	s1 =	sshrl.u32 s1, $0x2  }
0xc8: {  	s4 =	sand.u32 $0x4000, s31;
	s1 =	sadd.s32 s1, s30  }
0xc9: {  	s0 =	sor.u32 s4, s0;
	s1 =	sshll.u32 s1, $0x11  }
0xca: {  	s0 =	sor.u32 s1, s0  }
0xcb: {  	s0 =	sadd.s32 $0x8F2B, s0  }
0xcc: {  	[sflag:s0] =	ssyncadd.remote.s32 $0x1  }
0xcd: {  	_ =	sfence.sel $0xFFFF  }
0xce: {  	[dreg:$0x0] =	wrdreg $0xFFFFFFFF;
	(pc) =	sbr.abs _section_cstart, $3  }
0xcf: {  	[dreg:$0x1] =	wrdreg $0xFFFFFFFF  }
0xd0: {  	_ =	task.clear_ibuf [dreg:s22], $0x2FFFF;
	_ =	strace $0x9FFFFFFF  }
0xd1: {  	(tm) =	ssettm $0x7FFFFFFF  }
tec
execute0_lowered:
.L_overlay_start_1:
0x0: {  	(tag) =	ssettag $0x1  }
0x1: {  	s0 =	srdreg.scid  }
0x2: {  	s7 =	stileid.u32;
	s3 =	rddreg [dreg:$0x0];
	s0 =	sand.u32 $0x1, s0  }
0x3: {  	s2 =	rddreg [dreg:$0x1];
	s5 =	smul.u32 $0x14000, s7;
	s1 =	sshll.u32 s0, $0x4  }
0x4: {  	s4 =	smul.u32 $0x140000, s0;
	s0 =	ssub.s32 $0x2, s0;
	s1 =	sor.u32 s7, s1  }
0x5: {  	s6 =	sshrl.u32 s0, $0x1;
	s7 =	smul.u32 $0x50000, s7;
	s8 =	sor.u32 $0x2000, s5  }
0x6: {  	s9 =	sadd.s32 $0x4000, s5;
	s21 =	sadd.s32 $0xA000, s5;
	s22 =	sadd.s32 $0xC000, s5  }
0x7: {  	s23 =	sadd.s32 $0xE000, s5;
	s24 =	sadd.s32 $0x10000, s5;
	s1 =	smul.u32 $0x500, s1  }
0x8: {  	s0 =	ssub.s32 s0, s6;
	s10 =	sadd.s32 s4, s5;
	s11 =	sadd.s32 s4, s8  }
0x9: {  	s17 =	sadd.s32 s4, s22;
	s19 =	sadd.s32 s4, s23;
	s20 =	sadd.s32 s4, s24  }
0xa: {  	s22 =	sadd.s32 s22, s2;
	s23 =	sadd.s32 s23, s2;
	s24 =	sadd.s32 s24, s2  }
0xb: {  	s6 =	sshrl.u32 s10, $0x3;
	s10 =	sadd.s32 s4, s9;
	s18 =	sshrl.u32 s17, $0x3  }
0xc: {  	s25 =	sshrl.u32 s20, $0x3;
	s26 =	sshrl.u32 s7, $0x2;
	s17 =	sadd.s32 s8, s2  }
0xd: {  	s7 =	simm.s32 $0x80;
	s8 =	simm.s32 $0x2800;
	s1 =	sadd.s32 s1, s3  }
0xe: {  	s3 =	sadd.s32 $0x84400, s3;
	s12 =	sshrl.u32 s10, $0x3;
	s10 =	sadd.s32 $0x8000, s5  }
0xf: {  	s6 =	sadd.s32 s3, s6;
	s15 =	sadd.s32 s4, s10;
	s20 =	sadd.s32 s10, s2  }
0x10: {  	[dreg:$0x3] =	wrdreg s6;
	s6 =	sshrl.u32 s11, $0x3;
	s11 =	sadd.s32 $0x6000, s5  }
0x11: {  	s5 =	sadd.s32 $0x12000, s5;
	s6 =	sadd.s32 s3, s6;
	s13 =	sadd.s32 s4, s11  }
0x12: {  	[dreg:$0x4] =	wrdreg s6;
	s6 =	sadd.s32 s3, s12;
	s14 =	sshrl.u32 s13, $0x3  }
0x13: {  	s12 =	sadd.s32 s4, s21;
	s4 =	sadd.s32 s4, s5;
	s21 =	sadd.s32 s21, s2  }
0x14: {  	[dreg:$0x5] =	wrdreg s6;
	s6 =	sadd.s32 s3, s14;
	s16 =	sshrl.u32 s12, $0x3  }
0x15: {  	s4 =	sshrl.u32 s4, $0x3;
	s12 =	simm.s32 $0x0;
	s14 =	sadd.s32 s26, s2  }
0x16: {  	[dreg:$0x6] =	wrdreg s6;
	s6 =	sshrl.u32 s15, $0x3;
	s13 =	sadd.s32 s3, s4  }
0x17: {  	[smem:$0x7FF] =	sst s12;
	s15 =	sadd.s32 $0x2400, s1;
	s26 =	sadd.s32 $0x2000, s14  }
0x18: {  	s28 =	sadd.s32 $0x4000, s14;
	s29 =	sadd.s32 $0x6000, s14;
	s30 =	sadd.s32 $0x8000, s14  }
0x19: {  	s31 =	sadd.s32 $0xA000, s14;
	s1 =	sadd.s32 $0xC000, s14;
	s6 =	sadd.s32 s3, s6  }
0x1a: {  	s4 =	sadd.s32 $0x12000, s14;
	[dreg:$0x7] =	wrdreg s6;
	s6 =	sadd.s32 s3, s16  }
0x1b: {  	s16 =	smax.u32 s0, $0x1;
	[dreg:$0x8] =	wrdreg s6;
	s6 =	sadd.s32 s3, s18  }
0x1c: {  	s0 =	sadd.s32 $0xE000, s14;
	[dreg:$0x9] =	wrdreg s6;
	s6 =	sshrl.u32 s19, $0x3  }
0x1d: {  	s18 =	sadd.s32 s9, s2;
	s9 =	simm.s32 $0x0;
	s6 =	sadd.s32 s3, s6  }
0x1e: {  	s19 =	sadd.s32 s11, s2;
	[dreg:$0xa] =	wrdreg s6;
	s6 =	sadd.s32 s3, s25  }
0x1f: {  	s25 =	sadd.s32 s5, s2;
	s3 =	sadd.s32 $0x10000, s14;
	[dreg:$0xb] =	wrdreg s6  }
0x20: {  	v0 =	vimm.f32 $1.000000000e+00;
	v1 =	vimm.f32 $0.0e+00;
	s5 =	simm.s32 $0x6800;
	s6 =	simm.s32 $0x1;
	_ =	strace $0x8000004A  }
.LBB2_1:
0x21: {  	s10 =	simm.s32 $0x0;
	s11 =	simm.s32 $0x200  }
.LBB2_2:
0x22: {  	p0 =	sne.s32 s11, $0xFE00;
	[tilespmem:s10+$0x2870] =	vst v0  }
0x23: {  	[tilespmem:s10+$0x2800] =	vst v0  }
0x24: {  	[tilespmem:s10+$0x2810] =	vst v0  }
.Ltmp0:
0x25: {  	[tilespmem:s10+$0x2820] =	vst v0;
	(pc) =	sbr.rel @p0 .LBB2_2-.Ltmp0, $4  }
0x26: {  	[tilespmem:s10+$0x2830] =	vst v0  }
0x27: {  	[tilespmem:s10+$0x2840] =	vst v0  }
0x28: {  	[tilespmem:s10+$0x2850] =	vst v0  }
0x29: {  	[tilespmem:s10+$0x2860] =	vst v0;
	s10 =	sshra.s32 s11, $0x2;
	s11 =	sadd.s32 $0x200, s11  }
0x2a: {  	[tilespmem:s10+$0x2870] =	vst v0  }
0x2b: {  	[tilespmem:s10+$0x2800] =	vst v0  }
0x2c: {  	[tilespmem:s10+$0x2810] =	vst v0  }
0x2d: {  	[tilespmem:s10+$0x2820] =	vst v0  }
0x2e: {  	[tilespmem:s10+$0x2830] =	vst v0  }
0x2f: {  	[tilespmem:s10+$0x2840] =	vst v0  }
0x30: {  	[tilespmem:s10+$0x2850] =	vst v0  }
0x31: {  	[tilespmem:s10+$0x2860] =	vst v0;
	s10 =	simm.s32 $0x0;
	s11 =	simm.s32 $0x200  }
.LBB2_4:
0x32: {  	p0 =	sne.s32 s11, $0x7E00;
	[tilespmem:s10+$0x6870] =	vst v1  }
0x33: {  	[tilespmem:s10+$0x6800] =	vst v1  }
0x34: {  	[tilespmem:s10+$0x6810] =	vst v1  }
.Ltmp1:
0x35: {  	[tilespmem:s10+$0x6820] =	vst v1;
	(pc) =	sbr.rel @p0 .LBB2_4-.Ltmp1, $4  }
0x36: {  	[tilespmem:s10+$0x6830] =	vst v1  }
0x37: {  	[tilespmem:s10+$0x6840] =	vst v1  }
0x38: {  	[tilespmem:s10+$0x6850] =	vst v1  }
0x39: {  	[tilespmem:s10+$0x6860] =	vst v1;
	s10 =	sshra.s32 s11, $0x2;
	s11 =	sadd.s32 $0x200, s11  }
0x3a: {  	[tilespmem:s10+$0x6870] =	vst v1  }
0x3b: {  	[tilespmem:s10+$0x6800] =	vst v1  }
0x3c: {  	[tilespmem:s10+$0x6810] =	vst v1  }
0x3d: {  	[tilespmem:s10+$0x6820] =	vst v1  }
0x3e: {  	[tilespmem:s10+$0x6830] =	vst v1  }
0x3f: {  	[tilespmem:s10+$0x6840] =	vst v1  }
0x40: {  	[tilespmem:s10+$0x6850] =	vst v1  }
0x41: {  	[tilespmem:s10+$0x6860] =	vst v1  }
0x42: {  	[spmem:s14] =	stream.linear.scatter [tilespmem:s5], [sflag:$0x1], $0x2000, $0x38;
	[tilespmem:$0x1C800] =	vst v63  }
0x43: {  	_ =	swait.ge [sflag:s6], $0x2000  }
0x44: {  	[sflag:s6] =	ssyncset.done $0x0  }
0x45: {  	[sflag:s6] =	ssyncadd.s32 $0xFFFFE000  }
0x46: {  	[spmem:s26] =	stream.linear.scatter [tilespmem:s5], [sflag:$0x1], $0x2000, $0x38;
	[tilespmem:$0x1C800] =	vst v63  }
0x47: {  	_ =	swait.ge [sflag:s6], $0x2000  }
0x48: {  	[sflag:s6] =	ssyncset.done $0x0  }
0x49: {  	[sflag:s6] =	ssyncadd.s32 $0xFFFFE000  }
0x4a: {  	[spmem:s28] =	stream.linear.scatter [tilespmem:s5], [sflag:$0x1], $0x2000, $0x38;
	[tilespmem:$0x1C800] =	vst v63  }
0x4b: {  	_ =	swait.ge [sflag:s6], $0x2000  }
0x4c: {  	[sflag:s6] =	ssyncset.done $0x0  }
0x4d: {  	[sflag:s6] =	ssyncadd.s32 $0xFFFFE000  }
0x4e: {  	[spmem:s29] =	stream.linear.scatter [tilespmem:s5], [sflag:$0x1], $0x2000, $0x38;
	[tilespmem:$0x1C800] =	vst v63  }
0x4f: {  	_ =	swait.ge [sflag:s6], $0x2000  }
0x50: {  	[sflag:s6] =	ssyncset.done $0x0  }
0x51: {  	[sflag:s6] =	ssyncadd.s32 $0xFFFFE000  }
0x52: {  	[spmem:s30] =	stream.linear.scatter [tilespmem:s5], [sflag:$0x1], $0x2000, $0x38;
	[tilespmem:$0x1C800] =	vst v63  }
0x53: {  	_ =	swait.ge [sflag:s6], $0x2000  }
0x54: {  	[sflag:s6] =	ssyncset.done $0x0  }
0x55: {  	[sflag:s6] =	ssyncadd.s32 $0xFFFFE000  }
0x56: {  	[spmem:s31] =	stream.linear.scatter [tilespmem:s5], [sflag:$0x1], $0x2000, $0x38;
	[tilespmem:$0x1C800] =	vst v63  }
0x57: {  	_ =	swait.ge [sflag:s6], $0x2000  }
0x58: {  	[sflag:s6] =	ssyncset.done $0x0  }
0x59: {  	[sflag:s6] =	ssyncadd.s32 $0xFFFFE000  }
0x5a: {  	[spmem:s1] =	stream.linear.scatter [tilespmem:s5], [sflag:$0x1], $0x2000, $0x38;
	[tilespmem:$0x1C800] =	vst v63  }
0x5b: {  	_ =	swait.ge [sflag:s6], $0x2000  }
0x5c: {  	[sflag:s6] =	ssyncset.done $0x0  }
0x5d: {  	[sflag:s6] =	ssyncadd.s32 $0xFFFFE000  }
0x5e: {  	[spmem:s0] =	stream.linear.scatter [tilespmem:s5], [sflag:$0x1], $0x2000, $0x38;
	[tilespmem:$0x1C800] =	vst v63  }
0x5f: {  	_ =	swait.ge [sflag:s6], $0x2000  }
0x60: {  	[sflag:s6] =	ssyncset.done $0x0  }
0x61: {  	[sflag:s6] =	ssyncadd.s32 $0xFFFFE000  }
0x62: {  	[spmem:s3] =	stream.linear.scatter [tilespmem:s5], [sflag:$0x1], $0x2000, $0x38;
	[tilespmem:$0x1C800] =	vst v63  }
0x63: {  	_ =	swait.ge [sflag:s6], $0x2000  }
0x64: {  	[sflag:s6] =	ssyncset.done $0x0  }
0x65: {  	[sflag:s6] =	ssyncadd.s32 $0xFFFFE000  }
0x66: {  	[spmem:s4] =	stream.linear.scatter [tilespmem:s5], [sflag:$0x1], $0x2000, $0x38;
	[tilespmem:$0x1C800] =	vst v63  }
0x67: {  	_ =	swait.ge [sflag:s6], $0x2000  }
0x68: {  	[sflag:s6] =	ssyncset.done $0x0  }
0x69: {  	s11 =	simm.s32 $0x0;
	[sflag:s6] =	ssyncadd.s32 $0xFFFFE000  }
0x6a: {  	[tilespmem:s11], [sflag:$0x1] =	stream.linear.gather [hbm4b:s15+s11], $0x2780, $0x38;
	[tilespmem:$0x1C800] =	vst v63  }
0x6b: {  	_ =	swait.ge [sflag:s6], $0x2780  }
0x6c: {  	[sflag:s6] =	ssyncset.done $0x0  }
0x6d: {  	[sflag:s6] =	ssyncadd.s32 $0xFFFFD880  }
0x6e: {  	s11 =	simm.s32 $0x0;
	[bflag:$0x0] =	sbarrier.arrive $0xFFFF  }
0x6f: {  	[spmem:s2] =	stream.indirect.scatter.add.f32 [tilespmem:s8], [sflag:$0x1], $0x80, s11, s7, $0xb8;
	[tilespmem:$0x1C800] =	vst v63  }
0x70: {  	_ =	swait.ge [sflag:s6], $0x4000  }
0x71: {  	s10 =	simm.s32 $0x200;
	[sflag:s6] =	ssyncset.done $0x0  }
.LBB2_6:
0x72: {  	s11 =	sshra.s32 s10, $0x2;
	[sflag:s6] =	ssyncadd.s32 $0xFFFFC000;
	p0 =	sne.s32 s10, $0x9C00  }
0x73: {  	[spmem:s2] =	stream.indirect.scatter.add.f32 [tilespmem:s8], [sflag:$0x1], $0x80, s11, s7, $0xb8;
	[tilespmem:$0x1C800] =	vst v63  }
.Ltmp2:
0x74: {  	_ = 	snop;
	(pc) =	sbr.rel @p0 .LBB2_6-.Ltmp2, $4  }
0x75: {  	_ = 	snop  }
0x76: {  	s10 =	sadd.s32 $0x200, s10  }
0x77: {  	_ =	swait.ge [sflag:s6], $0x4000  }
0x78: {  	[sflag:s6] =	ssyncset.done $0x0  }
0x79: {  	[sflag:s6] =	ssyncadd.s32 $0xFFFFC000  }
0x7a: {  	[bflag:$0x0] =	sbarrier.arrive $0xFFFF  }
0x7b: {  	[tilespmem:s5], [sflag:$0x1] =	stream.linear.gather [spmem:s14], $0x2000, $0x38;
	[tilespmem:$0x1C800] =	vst v63  }
0x7c: {  	_ =	swait.ge [sflag:s6], $0x2000  }
0x7d: {  	[sflag:s6] =	ssyncset.done $0x0  }
0x7e: {  	s10 =	rddreg [dreg:$0x3];
	[sflag:s6] =	ssyncadd.s32 $0xFFFFE000  }
0x7f: {  	[hbm4b:s10+s12] =	stream.linear.scatter [tilespmem:s5], [sflag:$0x1], $0x2000, $0x38;
	[tilespmem:$0x1C800] =	vst v63  }
0x80: {  	_ =	swait.ge [sflag:s6], $0x2000  }
0x81: {  	[sflag:s6] =	ssyncset.done $0x0  }
0x82: {  	[sflag:s6] =	ssyncadd.s32 $0xFFFFE000  }
0x83: {  	[tilespmem:s5], [sflag:$0x1] =	stream.linear.gather [spmem:s17], $0x2000, $0x38;
	[tilespmem:$0x1C800] =	vst v63  }
0x84: {  	_ =	swait.ge [sflag:s6], $0x2000  }
0x85: {  	[sflag:s6] =	ssyncset.done $0x0  }
0x86: {  	s11 =	rddreg [dreg:$0x4];
	[sflag:s6] =	ssyncadd.s32 $0xFFFFE000  }
0x87: {  	[hbm4b:s11+s12] =	stream.linear.scatter [tilespmem:s5], [sflag:$0x1], $0x2000, $0x38;
	[tilespmem:$0x1C800] =	vst v63  }
0x88: {  	_ =	swait.ge [sflag:s6], $0x2000  }
0x89: {  	[sflag:s6] =	ssyncset.done $0x0  }
0x8a: {  	[sflag:s6] =	ssyncadd.s32 $0xFFFFE000  }
0x8b: {  	[tilespmem:s5], [sflag:$0x1] =	stream.linear.gather [spmem:s18], $0x2000, $0x38;
	[tilespmem:$0x1C800] =	vst v63  }
0x8c: {  	_ =	swait.ge [sflag:s6], $0x2000  }
0x8d: {  	[sflag:s6] =	ssyncset.done $0x0  }
0x8e: {  	s11 =	rddreg [dreg:$0x5];
	[sflag:s6] =	ssyncadd.s32 $0xFFFFE000  }
0x8f: {  	[hbm4b:s11+s12] =	stream.linear.scatter [tilespmem:s5], [sflag:$0x1], $0x2000, $0x38;
	[tilespmem:$0x1C800] =	vst v63  }
0x90: {  	_ =	swait.ge [sflag:s6], $0x2000  }
0x91: {  	[sflag:s6] =	ssyncset.done $0x0  }
0x92: {  	[sflag:s6] =	ssyncadd.s32 $0xFFFFE000  }
0x93: {  	[tilespmem:s5], [sflag:$0x1] =	stream.linear.gather [spmem:s19], $0x2000, $0x38;
	[tilespmem:$0x1C800] =	vst v63  }
0x94: {  	_ =	swait.ge [sflag:s6], $0x2000  }
0x95: {  	[sflag:s6] =	ssyncset.done $0x0  }
0x96: {  	s11 =	rddreg [dreg:$0x6];
	[sflag:s6] =	ssyncadd.s32 $0xFFFFE000  }
0x97: {  	[hbm4b:s11+s12] =	stream.linear.scatter [tilespmem:s5], [sflag:$0x1], $0x2000, $0x38;
	[tilespmem:$0x1C800] =	vst v63  }
0x98: {  	_ =	swait.ge [sflag:s6], $0x2000  }
0x99: {  	[sflag:s6] =	ssyncset.done $0x0  }
0x9a: {  	[sflag:s6] =	ssyncadd.s32 $0xFFFFE000  }
0x9b: {  	[tilespmem:s5], [sflag:$0x1] =	stream.linear.gather [spmem:s20], $0x2000, $0x38;
	[tilespmem:$0x1C800] =	vst v63  }
0x9c: {  	_ =	swait.ge [sflag:s6], $0x2000  }
0x9d: {  	[sflag:s6] =	ssyncset.done $0x0  }
0x9e: {  	s11 =	rddreg [dreg:$0x7];
	[sflag:s6] =	ssyncadd.s32 $0xFFFFE000  }
0x9f: {  	[hbm4b:s11+s12] =	stream.linear.scatter [tilespmem:s5], [sflag:$0x1], $0x2000, $0x38;
	[tilespmem:$0x1C800] =	vst v63  }
0xa0: {  	_ =	swait.ge [sflag:s6], $0x2000  }
0xa1: {  	[sflag:s6] =	ssyncset.done $0x0  }
0xa2: {  	[sflag:s6] =	ssyncadd.s32 $0xFFFFE000  }
0xa3: {  	[tilespmem:s5], [sflag:$0x1] =	stream.linear.gather [spmem:s21], $0x2000, $0x38;
	[tilespmem:$0x1C800] =	vst v63  }
0xa4: {  	_ =	swait.ge [sflag:s6], $0x2000  }
0xa5: {  	[sflag:s6] =	ssyncset.done $0x0  }
0xa6: {  	s11 =	rddreg [dreg:$0x8];
	[sflag:s6] =	ssyncadd.s32 $0xFFFFE000  }
0xa7: {  	[hbm4b:s11+s12] =	stream.linear.scatter [tilespmem:s5], [sflag:$0x1], $0x2000, $0x38;
	[tilespmem:$0x1C800] =	vst v63  }
0xa8: {  	_ =	swait.ge [sflag:s6], $0x2000  }
0xa9: {  	[sflag:s6] =	ssyncset.done $0x0  }
0xaa: {  	[sflag:s6] =	ssyncadd.s32 $0xFFFFE000  }
0xab: {  	[tilespmem:s5], [sflag:$0x1] =	stream.linear.gather [spmem:s22], $0x2000, $0x38;
	[tilespmem:$0x1C800] =	vst v63  }
0xac: {  	_ =	swait.ge [sflag:s6], $0x2000  }
0xad: {  	[sflag:s6] =	ssyncset.done $0x0  }
0xae: {  	s11 =	rddreg [dreg:$0x9];
	[sflag:s6] =	ssyncadd.s32 $0xFFFFE000  }
0xaf: {  	[hbm4b:s11+s12] =	stream.linear.scatter [tilespmem:s5], [sflag:$0x1], $0x2000, $0x38;
	[tilespmem:$0x1C800] =	vst v63  }
0xb0: {  	_ =	swait.ge [sflag:s6], $0x2000  }
0xb1: {  	[sflag:s6] =	ssyncset.done $0x0  }
0xb2: {  	[sflag:s6] =	ssyncadd.s32 $0xFFFFE000  }
0xb3: {  	[tilespmem:s5], [sflag:$0x1] =	stream.linear.gather [spmem:s23], $0x2000, $0x38;
	[tilespmem:$0x1C800] =	vst v63  }
0xb4: {  	_ =	swait.ge [sflag:s6], $0x2000  }
0xb5: {  	[sflag:s6] =	ssyncset.done $0x0  }
0xb6: {  	s11 =	rddreg [dreg:$0xa];
	[sflag:s6] =	ssyncadd.s32 $0xFFFFE000  }
0xb7: {  	[hbm4b:s11+s12] =	stream.linear.scatter [tilespmem:s5], [sflag:$0x1], $0x2000, $0x38;
	[tilespmem:$0x1C800] =	vst v63  }
0xb8: {  	_ =	swait.ge [sflag:s6], $0x2000  }
0xb9: {  	[sflag:s6] =	ssyncset.done $0x0  }
0xba: {  	[sflag:s6] =	ssyncadd.s32 $0xFFFFE000  }
0xbb: {  	[tilespmem:s5], [sflag:$0x1] =	stream.linear.gather [spmem:s24], $0x2000, $0x38;
	[tilespmem:$0x1C800] =	vst v63  }
0xbc: {  	_ =	swait.ge [sflag:s6], $0x2000  }
0xbd: {  	[sflag:s6] =	ssyncset.done $0x0  }
0xbe: {  	s11 =	rddreg [dreg:$0xb];
	[sflag:s6] =	ssyncadd.s32 $0xFFFFE000  }
0xbf: {  	[hbm4b:s11+s12] =	stream.linear.scatter [tilespmem:s5], [sflag:$0x1], $0x2000, $0x38;
	[tilespmem:$0x1C800] =	vst v63  }
0xc0: {  	_ =	swait.ge [sflag:s6], $0x2000  }
0xc1: {  	[sflag:s6] =	ssyncset.done $0x0  }
0xc2: {  	[sflag:s6] =	ssyncadd.s32 $0xFFFFE000  }
0xc3: {  	[tilespmem:s5], [sflag:$0x1] =	stream.linear.gather [spmem:s25], $0x2000, $0x38;
	[tilespmem:$0x1C800] =	vst v63  }
0xc4: {  	s9 =	sadd.s32 $0x1, s9;
	_ =	swait.ge [sflag:s6], $0x2000  }
0xc5: {  	p0 =	sne.s32 s9, s16;
	[sflag:s6] =	ssyncset.done $0x0  }
.Ltmp3:
0xc6: {  	[sflag:s6] =	ssyncadd.s32 $0xFFFFE000;
	(pc) =	sbr.rel @p0 .LBB2_1-.Ltmp3, $4  }
0xc7: {  	[hbm4b:s13+s12] =	stream.linear.scatter [tilespmem:s5], [sflag:$0x1], $0x2000, $0x38;
	[tilespmem:$0x1C800] =	vst v63  }
0xc8: {  	_ =	swait.ge [sflag:s6], $0x2000  }
0xc9: {  	[sflag:s6] =	ssyncset.done $0x0  }
0xca: {  	[sflag:s6] =	ssyncadd.s32 $0xFFFFE000  }
0xcb: {  	_ =	sfence.sel $0x180000  }
0xcc: {  	[bflag:$0x0] =	sbarrier.arrive $0xFFFF  }
0xcd: {  	_ =	strace $0x9000004A  }
0xce: {  	s0 =	stileid.u32;
	[bflag:$0x2] =	sbarrier.arrive $0xFFFF  }
0xcf: {  	p0 =	sne.s32 s0, $0x0;
	s0 =	rddreg [dreg:$0x2]  }
0xd0: {  	s0 =	sadd.s32 @!p0 $0x100000, s0  }
0xd1: {  	[sflag:s0] =	ssyncadd.tile.s32 @!p0 $0x1;
	_ =	shalt  }
.Lfunc_end2:
_tile_overlayer_lowered:
.L_overlay_start_2:
0xd2: {  	(tag) =	ssettag $0x2  }
0xd3: {  	s0 =	rddreg [dreg:$0x0];
	s2 =	stileid.u32  }
0xd4: {  	s1 =	rddreg [dreg:$0x1];
	p0 =	sne.s32 s2, $0x0  }
0xd5: {  	s3 =	rddreg [dreg:$0x2];
	[bflag:$0x3] =	sbarrier.arrive $0xFFFF;
	s2 =	simm.s32 @!p0 $0x1C01  }
0xd6: {  	[timem:s3], [sflag:s2] =	dma.local @!p0 [hbm:s0], s1  }
0xd7: {  	s0 =	simm.s32 @!p0 $0x1  }
0xd8: {  	_ =	swait.ge @!p0 [sflag:s0], s1  }
0xd9: {  	s1 =	ssub.s32 @!p0 $0x0, s1;
	[sflag:s0] =	ssyncset.done @!p0 $0x0  }
0xda: {  	[sflag:s0] =	ssyncadd.s32 @!p0 s1  }
0xdb: {  	[bflag:$0x3] =	sbarrier.arrive $0xFFFF  }
0xdc: {  	_ =	shalt  }

// kernel: kernel.14.cloned.1.call-start
scs
__scs_entry_jumppad:
0x0: {  	(pc) =	sbr.rel $0x88, $3  }
0x1: {  	(tag) =	ssettag $0x0;
	lr =	simm.s32 $0x1  }
0x2: {  	[smem:$0x3F98] =	sst lr;
	_ =	strace $0xD0000000  }
0x3: {  	_ = 	snop  }
0x4: {  	_ = 	snop  }
0x5: {  	_ = 	snop  }
0x6: {  	_ = 	snop  }
0x7: {  	_ = 	snop  }
__scs_overlays_trampoline_lowered:
0x8: {  	[smem:$0x3FA7] =	sst s0  }
0x9: {  	[smem:$0x3FA8] =	sst s1  }
0xa: {  	[smem:$0x3FA9] =	sst s2  }
0xb: {  	[smem:$0x3FAA] =	sst s3  }
0xc: {  	[smem:$0x3FAB] =	sst s4  }
0xd: {  	[smem:$0x3FAC] =	sst s5  }
0xe: {  	[smem:$0x3FAD] =	sst s6  }
0xf: {  	[smem:$0x3FAE] =	sst s7  }
0x10: {  	[smem:$0x3FAF] =	sst s8  }
0x11: {  	[smem:$0x3FB0] =	sst s9;
	s0 =	simm.s32 @!p0 $0x0  }
0x12: {  	s1 =	sld [smem:$0x3F96];
	s0 =	simm.s32 @p0 $0x1  }
0x13: {  	[smem:$0x3FB1] =	sst s0;
	s0 =	simm.s32 @!p1 $0x0  }
0x14: {  	s2 =	sld [smem:$0x3F95];
	s0 =	simm.s32 @p1 $0x1  }
0x15: {  	[smem:$0x3FB2] =	sst s0;
	s0 =	simm.s32 @!p2 $0x0  }
0x16: {  	s3 =	sld [smem:$0x3FDB];
	s0 =	simm.s32 @p2 $0x1  }
0x17: {  	s4 =	simm.s32 $0x1BF5;
	[smem:$0x3FB4] =	sst s0  }
0x18: {  	s0 =	sld [smem:$0x3F97];
	_ =	swait.ge [sflag:s4], $0x0  }
0x19: {  	s7 =	sld [smem:$0x3F98]  }
0x1a: {  	s8 =	sadd.s32 $0xFFFFE003, lr  }
0x1b: {  	s9 =	sadd.s32 $0xFFFFFEF7, lr;
	s5 =	simm.s32 $0xFFFFFFFF;
	p2 =	slt.u32 s8, $0xFFFFF086  }
0x1c: {  	p1 =	slt.u32 s9, $0xF7A;
	s5 =	simm.s32 @!p2 $0x0  }
0x1d: {  	s5 =	simm.s32 @p1 $0x1;
	p0 =	seq.s32 s7, s2  }
0x1e: {  	s7 =	smul.u32 @!p0 $0xF7A, s2;
	p2 =	seq.s32 @!p0 s5, $0x0  }
0x1f: {  	s9 =	smul.u32 $0xF7A, s1;
	s8 =	simm.s32 @!p0 $0x1BF5;
	p2 =	por !p2, p0  }
0x20: {  	[sflag:s8] =	ssyncset.s32 @!p0 $0xFFFFF086;
	s6 =	sadd.s32 @!p0 s3, s7;
	s7 =	simm.s32 @!p0 $0x108  }
0x21: {  	s3 =	sadd.s32 s3, s9;
	s6 =	sadd.s32 @!p0 $0x88, s6;
	s7 =	simm.s32 @p2 $0x1082  }
0x22: {  	[simem:s7], [sflag:s8] =	dma.local @!p0 [hbm:s6], $0xF7A  }
0x23: {  	s9 =	sor.u32 $0xD0000000, s2;
	s6 =	simm.s32 $0x108;
	_ =	swait.ge @!p0 [sflag:s8], $0x0  }
0x24: {  	s3 =	sadd.s32 $0x88, s3;
	s6 =	simm.s32 @!p1 $0x1082;
	[sflag:s4] =	ssyncset.s32 $0xFFFFF086  }
0x25: {  	[simem:s6], [sflag:s4] =	dma.local [hbm:s3], $0xF7A  }
0x26: {  	[smem:$0x3F98] =	sst s1;
	(tag) =	ssettag s2;
	_ =	strace s9  }
0x27: {  	s1 =	sld [smem:$0x3FA8]  }
0x28: {  	s2 =	sld [smem:$0x3FA9]  }
0x29: {  	s4 =	sld [smem:$0x3FAB]  }
0x2a: {  	p0 =	seq.s32 s5, $0x0;
	s5 =	sld [smem:$0x3FAC]  }
0x2b: {  	s6 =	sld [smem:$0x3FAD]  }
0x2c: {  	s7 =	sld [smem:$0x3FAE]  }
0x2d: {  	s3 =	simm.s32 $0x108;
	s8 =	sld [smem:$0x3FAF]  }
0x2e: {  	s3 =	simm.s32 @!p0 $0x1082;
	s9 =	sld [smem:$0x3FB0]  }
0x2f: {  	lr =	sadd.s32 s0, s3;
	s0 =	sld [smem:$0x3FA7]  }
0x30: {  	s3 =	sld [smem:$0x3FAA]  }
0x31: {  	[smem:$0x3FB3] =	sst s10  }
0x32: {  	s10 =	sld [smem:$0x3FB1];
	_ =	sdelay $0x3  }
0x33: {  	p0 =	seq.s32 s10, $0x1;
	s10 =	sld [smem:$0x3FB3];
	_ =	sdelay $0x3  }
0x34: {  	[smem:$0x3FB3] =	sst s10  }
0x35: {  	s10 =	sld [smem:$0x3FB2];
	_ =	sdelay $0x3  }
0x36: {  	p1 =	seq.s32 s10, $0x1;
	s10 =	sld [smem:$0x3FB3];
	_ =	sdelay $0x3  }
0x37: {  	[smem:$0x3FB3] =	sst s10  }
0x38: {  	s10 =	sld [smem:$0x3FB4]  }
0x39: {  	_ = 	snop;
	(pc) =	sbr.ind lr, $3  }
0x3a: {  	_ = 	snop  }
0x3b: {  	_ = 	snop  }
0x3c: {  	p2 =	seq.s32 s10, $0x1;
	s10 =	sld [smem:$0x3FB3]  }
0x3d: {  	_ =	shalt  }
0x3e: {  	_ =	shalt  }
0x3f: {  	_ =	shalt  }
0x40: {  	_ =	shalt  }
0x41: {  	_ =	shalt  }
0x42: {  	_ =	shalt  }
0x43: {  	_ =	shalt  }
0x44: {  	_ =	shalt  }
0x45: {  	_ =	shalt  }
0x46: {  	_ =	shalt  }
0x47: {  	_ =	shalt  }
0x48: {  	_ =	shalt  }
0x49: {  	_ =	shalt  }
0x4a: {  	_ =	shalt  }
0x4b: {  	_ =	shalt  }
0x4c: {  	_ =	shalt  }
0x4d: {  	_ =	shalt  }
0x4e: {  	_ =	shalt  }
0x4f: {  	_ =	shalt  }
0x50: {  	_ =	shalt  }
0x51: {  	_ =	shalt  }
0x52: {  	_ =	shalt  }
0x53: {  	_ =	shalt  }
0x54: {  	_ =	shalt  }
0x55: {  	_ =	shalt  }
0x56: {  	_ =	shalt  }
0x57: {  	_ =	shalt  }
0x58: {  	_ =	shalt  }
0x59: {  	_ =	shalt  }
0x5a: {  	_ =	shalt  }
0x5b: {  	_ =	shalt  }
0x5c: {  	_ =	shalt  }
0x5d: {  	_ =	shalt  }
0x5e: {  	_ =	shalt  }
0x5f: {  	_ =	shalt  }
0x60: {  	_ =	shalt  }
0x61: {  	_ =	shalt  }
0x62: {  	_ =	shalt  }
0x63: {  	_ =	shalt  }
0x64: {  	_ =	shalt  }
0x65: {  	_ =	shalt  }
0x66: {  	_ =	shalt  }
0x67: {  	_ =	shalt  }
0x68: {  	_ =	shalt  }
0x69: {  	_ =	shalt  }
0x6a: {  	_ =	shalt  }
0x6b: {  	_ =	shalt  }
0x6c: {  	_ =	shalt  }
0x6d: {  	_ =	shalt  }
0x6e: {  	_ =	shalt  }
0x6f: {  	_ =	shalt  }
0x70: {  	_ =	shalt  }
0x71: {  	_ =	shalt  }
0x72: {  	_ =	shalt  }
0x73: {  	_ =	shalt  }
0x74: {  	_ =	shalt  }
0x75: {  	_ =	shalt  }
0x76: {  	_ =	shalt  }
0x77: {  	_ =	shalt  }
0x78: {  	_ =	shalt  }
0x79: {  	_ =	shalt  }
0x7a: {  	_ =	shalt  }
0x7b: {  	_ =	shalt  }
0x7c: {  	_ =	shalt  }
0x7d: {  	_ =	shalt  }
0x7e: {  	_ =	shalt  }
0x7f: {  	_ =	shalt  }
0x80: {  	_ =	shalt  }
0x81: {  	_ =	shalt  }
0x82: {  	_ =	shalt  }
0x83: {  	_ =	shalt  }
0x84: {  	_ =	shalt  }
0x85: {  	_ =	shalt  }
0x86: {  	_ =	shalt  }
0x87: {  	_ =	shalt  }
.Lfunc_end0:
.L_simem_size_0:
called_computation.2_lowered:
.L_overlay_start_0:
0x88: {  	s2 =	sld [smem:$0x3FD9]  }
0x89: {  	s3 =	sld [smem:$0x3FFE];
	_ =	sdelay $0x1  }
0x8a: {  	s1 =	srdreg.scid  }
0x8b: {  	s0 =	sand.u32 $0x1, s1  }
0x8c: {  	s14 =	sshll.u32 s0, $0xA;
	s2 =	sadd.s32 s3, s2  }
0x8d: {  	s2 =	sadd.s32 s2, s14  }
0x8e: {  	[smem:$0x3FBF] =	sst s2  }
0x8f: {  	_ = 	snop  }
0x90: {  	s2 =	sld [smem:$0x3FD0];
	_ =	sdelay $0x2  }
0x91: {  	s15 =	simm.s32 $0xB;
	s4 =	simm.s32 $0x10  }
0x92: {  	[smem:s4], [sflag:s15] =	dma.local [hbm:s2], $0x1  }
0x93: {  	_ =	swait.eq [sflag:s15], $0x1  }
0x94: {  	[sflag:s15] =	ssyncset.done $0x0  }
0x95: {  	[sflag:s15] =	ssyncadd.s32 $0xFFFFFFFF  }
0x96: {  	s16 =	sld [smem:$0x11];
	(tm) =	ssettm $0x1  }
0x97: {  	s17 =	sld [smem:$0x3FFB];
	_ =	sdelay $0x3  }
0x98: {  	_ =	strace s17  }
0x99: {  	s3 =	sld [smem:$0x3FFC];
	_ =	sdelay $0x3  }
0x9a: {  	_ =	strace s3  }
0x9b: {  	s3 =	sld [smem:$0x3FFD];
	_ =	sdelay $0x3  }
0x9c: {  	_ =	strace s3  }
0x9d: {  	_ =	strace $0x8FFFFFFF  }
0x9e: {  	s18 =	sld [smem:$0x3FDB];
	_ =	sdelay $0x1  }
0x9f: {  	s19 =	simm.s32 $_scs_section_size  }
0xa0: {  	s5 =	simm.s32 $_size__tile_overlayer_lowered;
	s6 =	simm.s32 $_tile_overlayer_lowered  }
0xa1: {  	s22 =	simm.s32 $0x1BFF;
	s21 =	sshll.u32 s6, $0x1;
	s3 =	sadd.s32 s19, s18  }
0xa2: {  	s7 =	simm.s32 $0x0;
	s20 =	sshll.u32 s5, $0x1;
	s5 =	sadd.s32 s21, s3  }
0xa3: {  	[timem:s7], [sflag:s22] =	dma.local [hbm:s5], s20  }
0xa4: {  	_ =	swait.ge [sflag:s22], s20  }
0xa5: {  	s4 =	ssub.s32 $0x0, s20;
	[sflag:s22] =	ssyncset.done $0x0  }
0xa6: {  	[sflag:s22] =	ssyncadd.s32 s4;
	_ =	sdelay $0x1  }
0xa7: {  	s23 =	simm.s32 $0x1B8B  }
0xa8: {  	_ =	swait.ge [sflag:s23], $0x1  }
0xa9: {  	[sflag:s23] =	ssyncset.done $0x0  }
0xaa: {  	s25 =	simm.s32 $0x1B8E;
	s24 =	sld [smem:$0x3FFE];
	[sflag:s23] =	ssyncadd.s32 $0xFFFFFFFF  }
0xab: {  	s26 =	simm.s32 $execute0_lowered;
	[smem:$0x3FD2] =	sst s25  }
0xac: {  	s5 =	sshll.u32 s26, $0x1;
	_ =	strace $0x8000004C;
	[dreg:$0x1] =	wrdreg $0xFFFFFFFF  }
0xad: {  	s28 =	simm.s32 $_size_execute0_lowered;
	s3 =	sadd.s32 s3, s5;
	[dreg:$0x0] =	wrdreg $0x0  }
0xae: {  	s5 =	sshll.u32 s28, $0x1;
	[dreg:$0x2] =	wrdreg s3  }
0xaf: {  	[dreg:$0x3] =	wrdreg s5  }
0xb0: {  	[dreg:$0x4] =	wrdreg $0xC0  }
0xb1: {  	_ =	task [dreg:s7], $0x5FFFF  }
0xb2: {  	[dreg:$0x1] =	wrdreg $0xFFFFFFFF  }
0xb3: {  	[dreg:$0x0] =	wrdreg $0x60  }
0xb4: {  	[dreg:$0x2] =	wrdreg s24  }
0xb5: {  	[dreg:$0x3] =	wrdreg s16  }
0xb6: {  	[dreg:$0x4] =	wrdreg $0xB0000  }
0xb7: {  	[dreg:$0x5] =	wrdreg $0x9  }
0xb8: {  	_ =	task.clear_ibuf [dreg:s7], $0x6FFFF;
	_ =	strace $0x9000004C  }
0xb9: {  	s29 =	simm.s32 $0x9;
	_ =	strace $0x8000004E  }
0xba: {  	_ =	swait.ge [sflag:s29], $0x1  }
0xbb: {  	[sflag:s29] =	ssyncadd.s32 $0xFFFFFFFF  }
0xbc: {  	_ =	strace $0x9000004E  }
0xbd: {  	_ =	sfence  }
0xbe: {  	s30 =	sld [smem:$0x0];
	_ =	sdelay $0x2  }
0xbf: {  	s31 =	sshll.u32 s1, $0xD;
	s1 =	sshrl.u32 s1, $0x2  }
0xc0: {  	s3 =	sand.u32 $0x4000, s31;
	s1 =	sadd.s32 s1, s30  }
0xc1: {  	s0 =	sor.u32 s3, s0;
	s1 =	sshll.u32 s1, $0x11  }
0xc2: {  	s0 =	sor.u32 s1, s0  }
0xc3: {  	s0 =	sadd.s32 $0x8F2B, s0  }
0xc4: {  	[sflag:s0] =	ssyncadd.remote.s32 $0x1  }
0xc5: {  	_ =	sfence.sel $0xFFFF  }
0xc6: {  	[dreg:$0x0] =	wrdreg $0xFFFFFFFF;
	(pc) =	sbr.abs _section_cstart, $3  }
0xc7: {  	[dreg:$0x1] =	wrdreg $0xFFFFFFFF  }
0xc8: {  	_ =	task.clear_ibuf [dreg:s7], $0x2FFFF;
	_ =	strace $0x9FFFFFFF  }
0xc9: {  	(tm) =	ssettm $0x7FFFFFFF  }
tec
execute0_lowered:
.L_overlay_start_1:
0x0: {  	(tag) =	ssettag $0x1  }
0x1: {  	s0 =	rddreg [dreg:$0x0];
	s1 =	srdreg.scid  }
0x2: {  	s2 =	rddreg [dreg:$0x1];
	s15 =	stileid.u32  }
0x3: {  	s3 =	sand.u32 $0x1, s1;
	s1 =	simm.s32 $0x0;
	s6 =	smul.u32 $0x14000, s15  }
0x4: {  	s7 =	sadd.s32 $0x34400, s0;
	s4 =	sshll.u32 s3, $0x4;
	s5 =	smul.u32 $0x140000, s3  }
0x5: {  	[smem:$0x7FF] =	sst s1;
	s3 =	ssub.s32 $0x2, s3;
	s4 =	sor.u32 s15, s4  }
0x6: {  	s8 =	sshrl.u32 s3, $0x1;
	s10 =	sadd.s32 $0x4000, s6;
	s12 =	sadd.s32 $0x6000, s6  }
0x7: {  	s13 =	sadd.s32 $0x8000, s6;
	s14 =	sadd.s32 $0xA000, s6;
	s15 =	smul.u32 $0x50000, s15  }
0x8: {  	s17 =	sadd.s32 $0xC000, s6;
	s4 =	smul.u32 $0x500, s4;
	s9 =	sadd.s32 s5, s6  }
0x9: {  	s3 =	ssub.s32 s3, s8;
	s11 =	sadd.s32 s5, s10;
	s21 =	sadd.s32 s5, s12  }
0xa: {  	s23 =	sadd.s32 s5, s13;
	s24 =	sadd.s32 s5, s14;
	s26 =	sadd.s32 s5, s17  }
0xb: {  	s18 =	sshrl.u32 s9, $0x3;
	s9 =	sor.u32 $0x2000, s6;
	s20 =	sshrl.u32 s11, $0x3  }
0xc: {  	s22 =	sshrl.u32 s21, $0x3;
	s25 =	sshrl.u32 s24, $0x3;
	s11 =	sshrl.u32 s26, $0x3  }
0xd: {  	s26 =	sadd.s32 $0x10000, s6;
	s8 =	sadd.s32 s7, s18;
	s19 =	sadd.s32 s5, s9  }
0xe: {  	s18 =	sadd.s32 s5, s26;
	[dreg:$0x4] =	wrdreg s8;
	s8 =	sshrl.u32 s19, $0x3  }
0xf: {  	s2 =	sadd.s32 s2, s4;
	s21 =	sadd.s32 s4, s0;
	s8 =	sadd.s32 s7, s8  }
0x10: {  	s19 =	sshrl.u32 s18, $0x3;
	[dreg:$0x5] =	wrdreg s8;
	s8 =	sadd.s32 s7, s20  }
0x11: {  	s20 =	sshrl.u32 s15, $0x2;
	[dreg:$0x6] =	wrdreg s8;
	s8 =	sadd.s32 s7, s22  }
0x12: {  	s15 =	sadd.s32 $0xC400, s0;
	[dreg:$0x7] =	wrdreg s8;
	s8 =	sshrl.u32 s23, $0x3  }
0x13: {  	s22 =	sadd.s32 $0x2400, s21;
	s23 =	smax.u32 s3, $0x1;
	s8 =	sadd.s32 s7, s8  }
0x14: {  	[dreg:$0x8] =	wrdreg s8;
	s8 =	sadd.s32 s7, s25;
	s25 =	sadd.s32 $0xE000, s6  }
0x15: {  	s6 =	sadd.s32 $0x12000, s6;
	[dreg:$0x9] =	wrdreg s8;
	s8 =	sadd.s32 s7, s11  }
0x16: {  	s16 =	sadd.s32 s5, s25;
	s5 =	sadd.s32 s5, s6;
	s11 =	rddreg [dreg:$0x2]  }
0x17: {  	[dreg:$0xa] =	wrdreg s8;
	s8 =	sshrl.u32 s16, $0x3;
	s5 =	sshrl.u32 s5, $0x3  }
0x18: {  	s16 =	sadd.s32 s20, s11;
	s24 =	sadd.s32 s9, s11;
	s20 =	sadd.s32 s10, s11  }
0x19: {  	s21 =	sadd.s32 s12, s11;
	s25 =	sadd.s32 s25, s11;
	s26 =	sadd.s32 s26, s11  }
0x1a: {  	s28 =	sadd.s32 s6, s11;
	s6 =	simm.s32 $0x9000;
	s9 =	simm.s32 $0x5000  }
0x1b: {  	s12 =	simm.s32 $0x1;
	s8 =	sadd.s32 s7, s8;
	s5 =	sadd.s32 s7, s5  }
0x1c: {  	s29 =	sadd.s32 $0x2000, s16;
	s30 =	sadd.s32 $0x4000, s16;
	[dreg:$0xb] =	wrdreg s8  }
0x1d: {  	s31 =	sadd.s32 $0x6000, s16;
	s8 =	sadd.s32 s7, s19;
	[dreg:$0xd] =	wrdreg s5  }
0x1e: {  	s10 =	sadd.s32 $0x8000, s16;
	s0 =	sadd.s32 $0xA000, s16;
	[dreg:$0xc] =	wrdreg s8  }
0x1f: {  	s3 =	sadd.s32 $0xE000, s16;
	_ =	strace $0x8000004D;
	[dreg:$0xe] =	wrdreg s2  }
0x20: {  	s4 =	sadd.s32 $0x10000, s16;
	s5 =	sadd.s32 $0x12000, s16;
	[dreg:$0xf] =	wrdreg s22  }
0x21: {  	s7 =	simm.s32 $0x2;
	s8 =	simm.s32 $0x80;
	[dreg:$0x10] =	wrdreg s23  }
0x22: {  	[dreg:$0x11] =	wrdreg s24;
	s22 =	sadd.s32 s13, s11;
	s23 =	sadd.s32 s14, s11  }
0x23: {  	v0 =	vimm.f32 $0.0e+00;
	s24 =	sadd.s32 s17, s11;
	s2 =	sadd.s32 $0xC000, s16;
	s13 =	simm.s32 $0x0  }
.LBB2_1:
0x24: {  	s14 =	simm.s32 $0x0;
	s17 =	simm.s32 $0x200  }
.LBB2_2:
0x25: {  	p0 =	sne.s32 s17, $0x7E00;
	[tilespmem:s14+$0x9070] =	vst v0  }
0x26: {  	[tilespmem:s14+$0x9000] =	vst v0  }
0x27: {  	[tilespmem:s14+$0x9010] =	vst v0  }
.Ltmp0:
0x28: {  	[tilespmem:s14+$0x9020] =	vst v0;
	(pc) =	sbr.rel @p0 .LBB2_2-.Ltmp0, $4  }
0x29: {  	[tilespmem:s14+$0x9030] =	vst v0  }
0x2a: {  	[tilespmem:s14+$0x9040] =	vst v0  }
0x2b: {  	[tilespmem:s14+$0x9050] =	vst v0  }
0x2c: {  	[tilespmem:s14+$0x9060] =	vst v0;
	s14 =	sshra.s32 s17, $0x2;
	s17 =	sadd.s32 $0x200, s17  }
0x2d: {  	[tilespmem:s14+$0x9070] =	vst v0  }
0x2e: {  	[tilespmem:s14+$0x9000] =	vst v0  }
0x2f: {  	[tilespmem:s14+$0x9010] =	vst v0  }
0x30: {  	[tilespmem:s14+$0x9020] =	vst v0  }
0x31: {  	[tilespmem:s14+$0x9030] =	vst v0  }
0x32: {  	[tilespmem:s14+$0x9040] =	vst v0  }
0x33: {  	[tilespmem:s14+$0x9050] =	vst v0  }
0x34: {  	[tilespmem:s14+$0x9060] =	vst v0  }
0x35: {  	[spmem:s16] =	stream.linear.scatter [tilespmem:s6], [sflag:$0x2], $0x2000, $0x38;
	[tilespmem:$0x1F000] =	vst v63  }
0x36: {  	_ =	swait.ge [sflag:s7], $0x2000  }
0x37: {  	[sflag:s7] =	ssyncset.done $0x0  }
0x38: {  	[sflag:s7] =	ssyncadd.s32 $0xFFFFE000  }
0x39: {  	[spmem:s29] =	stream.linear.scatter [tilespmem:s6], [sflag:$0x2], $0x2000, $0x38;
	[tilespmem:$0x1F000] =	vst v63  }
0x3a: {  	_ =	swait.ge [sflag:s7], $0x2000  }
0x3b: {  	[sflag:s7] =	ssyncset.done $0x0  }
0x3c: {  	[sflag:s7] =	ssyncadd.s32 $0xFFFFE000  }
0x3d: {  	[spmem:s30] =	stream.linear.scatter [tilespmem:s6], [sflag:$0x2], $0x2000, $0x38;
	[tilespmem:$0x1F000] =	vst v63  }
0x3e: {  	_ =	swait.ge [sflag:s7], $0x2000  }
0x3f: {  	[sflag:s7] =	ssyncset.done $0x0  }
0x40: {  	[sflag:s7] =	ssyncadd.s32 $0xFFFFE000  }
0x41: {  	[spmem:s31] =	stream.linear.scatter [tilespmem:s6], [sflag:$0x2], $0x2000, $0x38;
	[tilespmem:$0x1F000] =	vst v63  }
0x42: {  	_ =	swait.ge [sflag:s7], $0x2000  }
0x43: {  	[sflag:s7] =	ssyncset.done $0x0  }
0x44: {  	[sflag:s7] =	ssyncadd.s32 $0xFFFFE000  }
0x45: {  	[spmem:s10] =	stream.linear.scatter [tilespmem:s6], [sflag:$0x2], $0x2000, $0x38;
	[tilespmem:$0x1F000] =	vst v63  }
0x46: {  	_ =	swait.ge [sflag:s7], $0x2000  }
0x47: {  	[sflag:s7] =	ssyncset.done $0x0  }
0x48: {  	[sflag:s7] =	ssyncadd.s32 $0xFFFFE000  }
0x49: {  	[spmem:s0] =	stream.linear.scatter [tilespmem:s6], [sflag:$0x2], $0x2000, $0x38;
	[tilespmem:$0x1F000] =	vst v63  }
0x4a: {  	_ =	swait.ge [sflag:s7], $0x2000  }
0x4b: {  	[sflag:s7] =	ssyncset.done $0x0  }
0x4c: {  	[sflag:s7] =	ssyncadd.s32 $0xFFFFE000  }
0x4d: {  	[spmem:s2] =	stream.linear.scatter [tilespmem:s6], [sflag:$0x2], $0x2000, $0x38;
	[tilespmem:$0x1F000] =	vst v63  }
0x4e: {  	_ =	swait.ge [sflag:s7], $0x2000  }
0x4f: {  	[sflag:s7] =	ssyncset.done $0x0  }
0x50: {  	[sflag:s7] =	ssyncadd.s32 $0xFFFFE000  }
0x51: {  	[spmem:s3] =	stream.linear.scatter [tilespmem:s6], [sflag:$0x2], $0x2000, $0x38;
	[tilespmem:$0x1F000] =	vst v63  }
0x52: {  	_ =	swait.ge [sflag:s7], $0x2000  }
0x53: {  	[sflag:s7] =	ssyncset.done $0x0  }
0x54: {  	[sflag:s7] =	ssyncadd.s32 $0xFFFFE000  }
0x55: {  	[spmem:s4] =	stream.linear.scatter [tilespmem:s6], [sflag:$0x2], $0x2000, $0x38;
	[tilespmem:$0x1F000] =	vst v63  }
0x56: {  	_ =	swait.ge [sflag:s7], $0x2000  }
0x57: {  	[sflag:s7] =	ssyncset.done $0x0  }
0x58: {  	[sflag:s7] =	ssyncadd.s32 $0xFFFFE000  }
0x59: {  	[spmem:s5] =	stream.linear.scatter [tilespmem:s6], [sflag:$0x2], $0x2000, $0x38;
	[tilespmem:$0x1F000] =	vst v63  }
0x5a: {  	_ =	swait.ge [sflag:s7], $0x2000  }
0x5b: {  	[sflag:s7] =	ssyncset.done $0x0  }
0x5c: {  	s14 =	simm.s32 $0x0;
	s17 =	rddreg [dreg:$0xe];
	[sflag:s7] =	ssyncadd.s32 $0xFFFFE000  }
0x5d: {  	[tilespmem:s14], [sflag:$0x2] =	stream.linear.gather [hbm4b:s17+s14], $0x2780, $0x38;
	[tilespmem:$0x1F000] =	vst v63  }
0x5e: {  	_ =	swait.ge [sflag:s7], $0x2780  }
0x5f: {  	[sflag:s7] =	ssyncset.done $0x0  }
0x60: {  	s18 =	simm.s32 $0x2800;
	s19 =	rddreg [dreg:$0xf];
	[sflag:s7] =	ssyncadd.s32 $0xFFFFD880  }
0x61: {  	[tilespmem:s18], [sflag:$0x2] =	stream.linear.gather [hbm4b:s19+s14], $0x2780, $0x38;
	[tilespmem:$0x1F000] =	vst v63  }
0x62: {  	_ =	swait.ge [sflag:s7], $0x2780  }
0x63: {  	[sflag:s7] =	ssyncset.done $0x0  }
0x64: {  	[sflag:s7] =	ssyncadd.s32 $0xFFFFD880  }
0x65: {  	s18 =	simm.s32 $0x0;
	[bflag:$0x0] =	sbarrier.arrive $0xFFFF  }
0x66: {  	[tilespmem:s9], [sflag:$0x1] =	stream.indirect.gather [hbm4b:s15+s8], $0x80, s18, s8, $0xb8;
	[tilespmem:$0x1F000] =	vst v63  }
0x67: {  	_ =	swait.ge [sflag:s12], $0x4000  }
0x68: {  	[sflag:s12] =	ssyncset.done $0x0  }
0x69: {  	s19 =	simm.s32 $0x2800;
	[sflag:s12] =	ssyncadd.s32 $0xFFFFC000  }
0x6a: {  	[spmem:s11] =	stream.indirect.scatter.add.f32 [tilespmem:s9], [sflag:$0x2], $0x80, s19, s8, $0xb8;
	[tilespmem:$0x1F000] =	vst v63  }
0x6b: {  	_ =	swait.ge [sflag:s7], $0x4000  }
0x6c: {  	s17 =	simm.s32 $0x400;
	s14 =	simm.s32 $0x200;
	[sflag:s7] =	ssyncset.done $0x0  }
.LBB2_4:
0x6d: {  	s18 =	sshra.s32 s14, $0x2  }
0x6e: {  	[sflag:s7] =	ssyncadd.s32 $0xFFFFC000;
	s14 =	smov.u32 s17;
	s19 =	sadd.s32 $0x200, s17  }
0x6f: {  	[tilespmem:s9], [sflag:$0x1] =	stream.indirect.gather [hbm4b:s15+s8], $0x80, s18, s8, $0xb8;
	[tilespmem:$0x1F000] =	vst v63  }
0x70: {  	p0 =	sne.s32 s17, $0x9C00;
	_ =	swait.ge [sflag:s12], $0x4000  }
.Ltmp1:
0x71: {  	[sflag:s12] =	ssyncset.done $0x0;
	(pc) =	sbr.rel @p0 .LBB2_4-.Ltmp1, $4  }
0x72: {  	s17 =	sadd.s32 $0x2800, s18;
	[sflag:s12] =	ssyncadd.s32 $0xFFFFC000  }
0x73: {  	[spmem:s11] =	stream.indirect.scatter.add.f32 [tilespmem:s9], [sflag:$0x2], $0x80, s17, s8, $0xb8;
	[tilespmem:$0x1F000] =	vst v63  }
0x74: {  	_ =	swait.ge [sflag:s7], $0x4000  }
0x75: {  	s17 =	smov.u32 s19;
	[sflag:s7] =	ssyncset.done $0x0  }
0x76: {  	s14 =	sshra.s32 s14, $0x2;
	[sflag:s7] =	ssyncadd.s32 $0xFFFFC000  }
0x77: {  	[tilespmem:s9], [sflag:$0x1] =	stream.indirect.gather [hbm4b:s15+s8], $0x80, s14, s8, $0xb8;
	[tilespmem:$0x1F000] =	vst v63  }
0x78: {  	_ =	swait.ge [sflag:s12], $0x4000  }
0x79: {  	[sflag:s12] =	ssyncset.done $0x0  }
0x7a: {  	s14 =	sadd.s32 $0x2800, s14;
	[sflag:s12] =	ssyncadd.s32 $0xFFFFC000  }
0x7b: {  	[spmem:s11] =	stream.indirect.scatter.add.f32 [tilespmem:s9], [sflag:$0x2], $0x80, s14, s8, $0xb8;
	[tilespmem:$0x1F000] =	vst v63  }
0x7c: {  	_ =	swait.ge [sflag:s7], $0x4000  }
0x7d: {  	[sflag:s7] =	ssyncset.done $0x0  }
0x7e: {  	[sflag:s7] =	ssyncadd.s32 $0xFFFFC000  }
0x7f: {  	[bflag:$0x0] =	sbarrier.arrive $0xFFFF  }
0x80: {  	[tilespmem:s6], [sflag:$0x2] =	stream.linear.gather [spmem:s16], $0x2000, $0x38;
	[tilespmem:$0x1F000] =	vst v63  }
0x81: {  	_ =	swait.ge [sflag:s7], $0x2000  }
0x82: {  	[sflag:s7] =	ssyncset.done $0x0  }
0x83: {  	s17 =	rddreg [dreg:$0x4];
	[sflag:s7] =	ssyncadd.s32 $0xFFFFE000  }
0x84: {  	[hbm4b:s17+s1] =	stream.linear.scatter [tilespmem:s6], [sflag:$0x2], $0x2000, $0x38;
	[tilespmem:$0x1F000] =	vst v63  }
0x85: {  	_ =	swait.ge [sflag:s7], $0x2000  }
0x86: {  	[sflag:s7] =	ssyncset.done $0x0  }
0x87: {  	s18 =	rddreg [dreg:$0x11];
	[sflag:s7] =	ssyncadd.s32 $0xFFFFE000  }
0x88: {  	[tilespmem:s6], [sflag:$0x2] =	stream.linear.gather [spmem:s18], $0x2000, $0x38;
	[tilespmem:$0x1F000] =	vst v63  }
0x89: {  	_ =	swait.ge [sflag:s7], $0x2000  }
0x8a: {  	[sflag:s7] =	ssyncset.done $0x0  }
0x8b: {  	s19 =	rddreg [dreg:$0x5];
	[sflag:s7] =	ssyncadd.s32 $0xFFFFE000  }
0x8c: {  	[hbm4b:s19+s1] =	stream.linear.scatter [tilespmem:s6], [sflag:$0x2], $0x2000, $0x38;
	[tilespmem:$0x1F000] =	vst v63  }
0x8d: {  	_ =	swait.ge [sflag:s7], $0x2000  }
0x8e: {  	[sflag:s7] =	ssyncset.done $0x0  }
0x8f: {  	[sflag:s7] =	ssyncadd.s32 $0xFFFFE000  }
0x90: {  	[tilespmem:s6], [sflag:$0x2] =	stream.linear.gather [spmem:s20], $0x2000, $0x38;
	[tilespmem:$0x1F000] =	vst v63  }
0x91: {  	_ =	swait.ge [sflag:s7], $0x2000  }
0x92: {  	[sflag:s7] =	ssyncset.done $0x0  }
0x93: {  	s17 =	rddreg [dreg:$0x6];
	[sflag:s7] =	ssyncadd.s32 $0xFFFFE000  }
0x94: {  	[hbm4b:s17+s1] =	stream.linear.scatter [tilespmem:s6], [sflag:$0x2], $0x2000, $0x38;
	[tilespmem:$0x1F000] =	vst v63  }
0x95: {  	_ =	swait.ge [sflag:s7], $0x2000  }
0x96: {  	[sflag:s7] =	ssyncset.done $0x0  }
0x97: {  	[sflag:s7] =	ssyncadd.s32 $0xFFFFE000  }
0x98: {  	[tilespmem:s6], [sflag:$0x2] =	stream.linear.gather [spmem:s21], $0x2000, $0x38;
	[tilespmem:$0x1F000] =	vst v63  }
0x99: {  	_ =	swait.ge [sflag:s7], $0x2000  }
0x9a: {  	[sflag:s7] =	ssyncset.done $0x0  }
0x9b: {  	s18 =	rddreg [dreg:$0x7];
	[sflag:s7] =	ssyncadd.s32 $0xFFFFE000  }
0x9c: {  	[hbm4b:s18+s1] =	stream.linear.scatter [tilespmem:s6], [sflag:$0x2], $0x2000, $0x38;
	[tilespmem:$0x1F000] =	vst v63  }
0x9d: {  	_ =	swait.ge [sflag:s7], $0x2000  }
0x9e: {  	[sflag:s7] =	ssyncset.done $0x0  }
0x9f: {  	[sflag:s7] =	ssyncadd.s32 $0xFFFFE000  }
0xa0: {  	[tilespmem:s6], [sflag:$0x2] =	stream.linear.gather [spmem:s22], $0x2000, $0x38;
	[tilespmem:$0x1F000] =	vst v63  }
0xa1: {  	_ =	swait.ge [sflag:s7], $0x2000  }
0xa2: {  	[sflag:s7] =	ssyncset.done $0x0  }
0xa3: {  	s19 =	rddreg [dreg:$0x8];
	[sflag:s7] =	ssyncadd.s32 $0xFFFFE000  }
0xa4: {  	[hbm4b:s19+s1] =	stream.linear.scatter [tilespmem:s6], [sflag:$0x2], $0x2000, $0x38;
	[tilespmem:$0x1F000] =	vst v63  }
0xa5: {  	_ =	swait.ge [sflag:s7], $0x2000  }
0xa6: {  	[sflag:s7] =	ssyncset.done $0x0  }
0xa7: {  	[sflag:s7] =	ssyncadd.s32 $0xFFFFE000  }
0xa8: {  	[tilespmem:s6], [sflag:$0x2] =	stream.linear.gather [spmem:s23], $0x2000, $0x38;
	[tilespmem:$0x1F000] =	vst v63  }
0xa9: {  	_ =	swait.ge [sflag:s7], $0x2000  }
0xaa: {  	[sflag:s7] =	ssyncset.done $0x0  }
0xab: {  	s17 =	rddreg [dreg:$0x9];
	[sflag:s7] =	ssyncadd.s32 $0xFFFFE000  }
0xac: {  	[hbm4b:s17+s1] =	stream.linear.scatter [tilespmem:s6], [sflag:$0x2], $0x2000, $0x38;
	[tilespmem:$0x1F000] =	vst v63  }
0xad: {  	_ =	swait.ge [sflag:s7], $0x2000  }
0xae: {  	[sflag:s7] =	ssyncset.done $0x0  }
0xaf: {  	[sflag:s7] =	ssyncadd.s32 $0xFFFFE000  }
0xb0: {  	[tilespmem:s6], [sflag:$0x2] =	stream.linear.gather [spmem:s24], $0x2000, $0x38;
	[tilespmem:$0x1F000] =	vst v63  }
0xb1: {  	_ =	swait.ge [sflag:s7], $0x2000  }
0xb2: {  	[sflag:s7] =	ssyncset.done $0x0  }
0xb3: {  	s18 =	rddreg [dreg:$0xa];
	[sflag:s7] =	ssyncadd.s32 $0xFFFFE000  }
0xb4: {  	[hbm4b:s18+s1] =	stream.linear.scatter [tilespmem:s6], [sflag:$0x2], $0x2000, $0x38;
	[tilespmem:$0x1F000] =	vst v63  }
0xb5: {  	_ =	swait.ge [sflag:s7], $0x2000  }
0xb6: {  	[sflag:s7] =	ssyncset.done $0x0  }
0xb7: {  	[sflag:s7] =	ssyncadd.s32 $0xFFFFE000  }
0xb8: {  	[tilespmem:s6], [sflag:$0x2] =	stream.linear.gather [spmem:s25], $0x2000, $0x38;
	[tilespmem:$0x1F000] =	vst v63  }
0xb9: {  	_ =	swait.ge [sflag:s7], $0x2000  }
0xba: {  	[sflag:s7] =	ssyncset.done $0x0  }
0xbb: {  	s19 =	rddreg [dreg:$0xb];
	[sflag:s7] =	ssyncadd.s32 $0xFFFFE000  }
0xbc: {  	[hbm4b:s19+s1] =	stream.linear.scatter [tilespmem:s6], [sflag:$0x2], $0x2000, $0x38;
	[tilespmem:$0x1F000] =	vst v63  }
0xbd: {  	_ =	swait.ge [sflag:s7], $0x2000  }
0xbe: {  	[sflag:s7] =	ssyncset.done $0x0  }
0xbf: {  	[sflag:s7] =	ssyncadd.s32 $0xFFFFE000  }
0xc0: {  	[tilespmem:s6], [sflag:$0x2] =	stream.linear.gather [spmem:s26], $0x2000, $0x38;
	[tilespmem:$0x1F000] =	vst v63  }
0xc1: {  	_ =	swait.ge [sflag:s7], $0x2000  }
0xc2: {  	[sflag:s7] =	ssyncset.done $0x0  }
0xc3: {  	s17 =	rddreg [dreg:$0xc];
	[sflag:s7] =	ssyncadd.s32 $0xFFFFE000  }
0xc4: {  	[hbm4b:s17+s1] =	stream.linear.scatter [tilespmem:s6], [sflag:$0x2], $0x2000, $0x38;
	[tilespmem:$0x1F000] =	vst v63  }
0xc5: {  	_ =	swait.ge [sflag:s7], $0x2000  }
0xc6: {  	[sflag:s7] =	ssyncset.done $0x0  }
0xc7: {  	[sflag:s7] =	ssyncadd.s32 $0xFFFFE000  }
0xc8: {  	[tilespmem:s6], [sflag:$0x2] =	stream.linear.gather [spmem:s28], $0x2000, $0x38;
	[tilespmem:$0x1F000] =	vst v63  }
0xc9: {  	_ =	swait.ge [sflag:s7], $0x2000  }
0xca: {  	[sflag:s7] =	ssyncset.done $0x0  }
0xcb: {  	s18 =	rddreg [dreg:$0xd];
	[sflag:s7] =	ssyncadd.s32 $0xFFFFE000  }
0xcc: {  	[hbm4b:s18+s1] =	stream.linear.scatter [tilespmem:s6], [sflag:$0x2], $0x2000, $0x38;
	[tilespmem:$0x1F000] =	vst v63  }
0xcd: {  	_ =	swait.ge [sflag:s7], $0x2000  }
0xce: {  	s13 =	sadd.s32 $0x1, s13;
	s19 =	rddreg [dreg:$0x10]  }
0xcf: {  	p0 =	sne.s32 s13, s19  }
.Ltmp2:
0xd0: {  	_ = 	snop;
	(pc) =	sbr.rel @p0 .LBB2_1-.Ltmp2, $3  }
0xd1: {  	_ =	sdelay $0x1  }
0xd2: {  	[sflag:s7] =	ssyncset.done $0x0  }
0xd3: {  	[sflag:s7] =	ssyncadd.s32 $0xFFFFE000  }
0xd4: {  	_ =	sfence.sel $0x180000  }
0xd5: {  	[bflag:$0x0] =	sbarrier.arrive $0xFFFF  }
0xd6: {  	_ =	strace $0x9000004D  }
0xd7: {  	s0 =	stileid.u32;
	[bflag:$0x2] =	sbarrier.arrive $0xFFFF  }
0xd8: {  	p0 =	sne.s32 s0, $0x0;
	s0 =	rddreg [dreg:$0x3]  }
0xd9: {  	s0 =	sadd.s32 @!p0 $0x100000, s0  }
0xda: {  	[sflag:s0] =	ssyncadd.tile.s32 @!p0 $0x1;
	_ =	shalt  }
.Lfunc_end2:
_tile_overlayer_lowered:
.L_overlay_start_2:
0xdb: {  	(tag) =	ssettag $0x2  }
0xdc: {  	s0 =	rddreg [dreg:$0x0];
	s2 =	stileid.u32  }
0xdd: {  	s1 =	rddreg [dreg:$0x1];
	p0 =	sne.s32 s2, $0x0  }
0xde: {  	s3 =	rddreg [dreg:$0x2];
	[bflag:$0x3] =	sbarrier.arrive $0xFFFF;
	s2 =	simm.s32 @!p0 $0x1C02  }
0xdf: {  	[timem:s3], [sflag:s2] =	dma.local @!p0 [hbm:s0], s1  }
0xe0: {  	s0 =	simm.s32 @!p0 $0x2  }
0xe1: {  	_ =	swait.ge @!p0 [sflag:s0], s1  }
0xe2: {  	s1 =	ssub.s32 @!p0 $0x0, s1;
	[sflag:s0] =	ssyncset.done @!p0 $0x0  }
0xe3: {  	[sflag:s0] =	ssyncadd.s32 @!p0 s1  }
0xe4: {  	[bflag:$0x3] =	sbarrier.arrive $0xFFFF  }
0xe5: {  	_ =	shalt  }

// kernel: kernel.8.cloned.1.call-start
scs
__scs_entry_jumppad:
0x0: {  	(pc) =	sbr.rel $0x88, $3  }
0x1: {  	(tag) =	ssettag $0x0;
	lr =	simm.s32 $0x1  }
0x2: {  	[smem:$0x3F98] =	sst lr;
	_ =	strace $0xD0000000  }
0x3: {  	_ = 	snop  }
0x4: {  	_ = 	snop  }
0x5: {  	_ = 	snop  }
0x6: {  	_ = 	snop  }
0x7: {  	_ = 	snop  }
__scs_overlays_trampoline_lowered:
0x8: {  	[smem:$0x3FA7] =	sst s0  }
0x9: {  	[smem:$0x3FA8] =	sst s1  }
0xa: {  	[smem:$0x3FA9] =	sst s2  }
0xb: {  	[smem:$0x3FAA] =	sst s3  }
0xc: {  	[smem:$0x3FAB] =	sst s4  }
0xd: {  	[smem:$0x3FAC] =	sst s5  }
0xe: {  	[smem:$0x3FAD] =	sst s6  }
0xf: {  	[smem:$0x3FAE] =	sst s7  }
0x10: {  	[smem:$0x3FAF] =	sst s8  }
0x11: {  	[smem:$0x3FB0] =	sst s9;
	s0 =	simm.s32 @!p0 $0x0  }
0x12: {  	s1 =	sld [smem:$0x3F96];
	s0 =	simm.s32 @p0 $0x1  }
0x13: {  	[smem:$0x3FB1] =	sst s0;
	s0 =	simm.s32 @!p1 $0x0  }
0x14: {  	s2 =	sld [smem:$0x3F95];
	s0 =	simm.s32 @p1 $0x1  }
0x15: {  	[smem:$0x3FB2] =	sst s0;
	s0 =	simm.s32 @!p2 $0x0  }
0x16: {  	s3 =	sld [smem:$0x3FDB];
	s0 =	simm.s32 @p2 $0x1  }
0x17: {  	s4 =	simm.s32 $0x1BF5;
	[smem:$0x3FB4] =	sst s0  }
0x18: {  	s0 =	sld [smem:$0x3F97];
	_ =	swait.ge [sflag:s4], $0x0  }
0x19: {  	s7 =	sld [smem:$0x3F98]  }
0x1a: {  	s8 =	sadd.s32 $0xFFFFE003, lr  }
0x1b: {  	s9 =	sadd.s32 $0xFFFFFEF7, lr;
	s5 =	simm.s32 $0xFFFFFFFF;
	p2 =	slt.u32 s8, $0xFFFFF086  }
0x1c: {  	p1 =	slt.u32 s9, $0xF7A;
	s5 =	simm.s32 @!p2 $0x0  }
0x1d: {  	s5 =	simm.s32 @p1 $0x1;
	p0 =	seq.s32 s7, s2  }
0x1e: {  	s7 =	smul.u32 @!p0 $0xF7A, s2;
	p2 =	seq.s32 @!p0 s5, $0x0  }
0x1f: {  	s9 =	smul.u32 $0xF7A, s1;
	s8 =	simm.s32 @!p0 $0x1BF5;
	p2 =	por !p2, p0  }
0x20: {  	[sflag:s8] =	ssyncset.s32 @!p0 $0xFFFFF086;
	s6 =	sadd.s32 @!p0 s3, s7;
	s7 =	simm.s32 @!p0 $0x108  }
0x21: {  	s3 =	sadd.s32 s3, s9;
	s6 =	sadd.s32 @!p0 $0x88, s6;
	s7 =	simm.s32 @p2 $0x1082  }
0x22: {  	[simem:s7], [sflag:s8] =	dma.local @!p0 [hbm:s6], $0xF7A  }
0x23: {  	s9 =	sor.u32 $0xD0000000, s2;
	s6 =	simm.s32 $0x108;
	_ =	swait.ge @!p0 [sflag:s8], $0x0  }
0x24: {  	s3 =	sadd.s32 $0x88, s3;
	s6 =	simm.s32 @!p1 $0x1082;
	[sflag:s4] =	ssyncset.s32 $0xFFFFF086  }
0x25: {  	[simem:s6], [sflag:s4] =	dma.local [hbm:s3], $0xF7A  }
0x26: {  	[smem:$0x3F98] =	sst s1;
	(tag) =	ssettag s2;
	_ =	strace s9  }
0x27: {  	s1 =	sld [smem:$0x3FA8]  }
0x28: {  	s2 =	sld [smem:$0x3FA9]  }
0x29: {  	s4 =	sld [smem:$0x3FAB]  }
0x2a: {  	p0 =	seq.s32 s5, $0x0;
	s5 =	sld [smem:$0x3FAC]  }
0x2b: {  	s6 =	sld [smem:$0x3FAD]  }
0x2c: {  	s7 =	sld [smem:$0x3FAE]  }
0x2d: {  	s3 =	simm.s32 $0x108;
	s8 =	sld [smem:$0x3FAF]  }
0x2e: {  	s3 =	simm.s32 @!p0 $0x1082;
	s9 =	sld [smem:$0x3FB0]  }
0x2f: {  	lr =	sadd.s32 s0, s3;
	s0 =	sld [smem:$0x3FA7]  }
0x30: {  	s3 =	sld [smem:$0x3FAA]  }
0x31: {  	[smem:$0x3FB3] =	sst s10  }
0x32: {  	s10 =	sld [smem:$0x3FB1];
	_ =	sdelay $0x3  }
0x33: {  	p0 =	seq.s32 s10, $0x1;
	s10 =	sld [smem:$0x3FB3];
	_ =	sdelay $0x3  }
0x34: {  	[smem:$0x3FB3] =	sst s10  }
0x35: {  	s10 =	sld [smem:$0x3FB2];
	_ =	sdelay $0x3  }
0x36: {  	p1 =	seq.s32 s10, $0x1;
	s10 =	sld [smem:$0x3FB3];
	_ =	sdelay $0x3  }
0x37: {  	[smem:$0x3FB3] =	sst s10  }
0x38: {  	s10 =	sld [smem:$0x3FB4]  }
0x39: {  	_ = 	snop;
	(pc) =	sbr.ind lr, $3  }
0x3a: {  	_ = 	snop  }
0x3b: {  	_ = 	snop  }
0x3c: {  	p2 =	seq.s32 s10, $0x1;
	s10 =	sld [smem:$0x3FB3]  }
0x3d: {  	_ =	shalt  }
0x3e: {  	_ =	shalt  }
0x3f: {  	_ =	shalt  }
0x40: {  	_ =	shalt  }
0x41: {  	_ =	shalt  }
0x42: {  	_ =	shalt  }
0x43: {  	_ =	shalt  }
0x44: {  	_ =	shalt  }
0x45: {  	_ =	shalt  }
0x46: {  	_ =	shalt  }
0x47: {  	_ =	shalt  }
0x48: {  	_ =	shalt  }
0x49: {  	_ =	shalt  }
0x4a: {  	_ =	shalt  }
0x4b: {  	_ =	shalt  }
0x4c: {  	_ =	shalt  }
0x4d: {  	_ =	shalt  }
0x4e: {  	_ =	shalt  }
0x4f: {  	_ =	shalt  }
0x50: {  	_ =	shalt  }
0x51: {  	_ =	shalt  }
0x52: {  	_ =	shalt  }
0x53: {  	_ =	shalt  }
0x54: {  	_ =	shalt  }
0x55: {  	_ =	shalt  }
0x56: {  	_ =	shalt  }
0x57: {  	_ =	shalt  }
0x58: {  	_ =	shalt  }
0x59: {  	_ =	shalt  }
0x5a: {  	_ =	shalt  }
0x5b: {  	_ =	shalt  }
0x5c: {  	_ =	shalt  }
0x5d: {  	_ =	shalt  }
0x5e: {  	_ =	shalt  }
0x5f: {  	_ =	shalt  }
0x60: {  	_ =	shalt  }
0x61: {  	_ =	shalt  }
0x62: {  	_ =	shalt  }
0x63: {  	_ =	shalt  }
0x64: {  	_ =	shalt  }
0x65: {  	_ =	shalt  }
0x66: {  	_ =	shalt  }
0x67: {  	_ =	shalt  }
0x68: {  	_ =	shalt  }
0x69: {  	_ =	shalt  }
0x6a: {  	_ =	shalt  }
0x6b: {  	_ =	shalt  }
0x6c: {  	_ =	shalt  }
0x6d: {  	_ =	shalt  }
0x6e: {  	_ =	shalt  }
0x6f: {  	_ =	shalt  }
0x70: {  	_ =	shalt  }
0x71: {  	_ =	shalt  }
0x72: {  	_ =	shalt  }
0x73: {  	_ =	shalt  }
0x74: {  	_ =	shalt  }
0x75: {  	_ =	shalt  }
0x76: {  	_ =	shalt  }
0x77: {  	_ =	shalt  }
0x78: {  	_ =	shalt  }
0x79: {  	_ =	shalt  }
0x7a: {  	_ =	shalt  }
0x7b: {  	_ =	shalt  }
0x7c: {  	_ =	shalt  }
0x7d: {  	_ =	shalt  }
0x7e: {  	_ =	shalt  }
0x7f: {  	_ =	shalt  }
0x80: {  	_ =	shalt  }
0x81: {  	_ =	shalt  }
0x82: {  	_ =	shalt  }
0x83: {  	_ =	shalt  }
0x84: {  	_ =	shalt  }
0x85: {  	_ =	shalt  }
0x86: {  	_ =	shalt  }
0x87: {  	_ =	shalt  }
.Lfunc_end0:
.L_simem_size_0:
called_computation_lowered:
.L_overlay_start_0:
0x88: {  	s2 =	sld [smem:$0x3FD9]  }
0x89: {  	s3 =	sld [smem:$0x3FFE];
	_ =	sdelay $0x1  }
0x8a: {  	s1 =	srdreg.scid  }
0x8b: {  	s0 =	sand.u32 $0x1, s1  }
0x8c: {  	s14 =	sshll.u32 s0, $0xA;
	s2 =	sadd.s32 s3, s2  }
0x8d: {  	s2 =	sadd.s32 s2, s14  }
0x8e: {  	[smem:$0x3FBF] =	sst s2  }
0x8f: {  	_ = 	snop  }
0x90: {  	s2 =	sld [smem:$0x3FD0];
	_ =	sdelay $0x2  }
0x91: {  	s15 =	simm.s32 $0xB;
	s4 =	simm.s32 $0x10  }
0x92: {  	[smem:s4], [sflag:s15] =	dma.local [hbm:s2], $0x1  }
0x93: {  	_ =	swait.eq [sflag:s15], $0x1  }
0x94: {  	[sflag:s15] =	ssyncset.done $0x0  }
0x95: {  	[sflag:s15] =	ssyncadd.s32 $0xFFFFFFFF  }
0x96: {  	s16 =	sld [smem:$0x11];
	(tm) =	ssettm $0x1  }
0x97: {  	s17 =	sld [smem:$0x3FFB];
	_ =	sdelay $0x3  }
0x98: {  	_ =	strace s17  }
0x99: {  	s3 =	sld [smem:$0x3FFC];
	_ =	sdelay $0x3  }
0x9a: {  	_ =	strace s3  }
0x9b: {  	s3 =	sld [smem:$0x3FFD];
	_ =	sdelay $0x3  }
0x9c: {  	_ =	strace s3  }
0x9d: {  	_ =	strace $0x8FFFFFFF  }
0x9e: {  	s18 =	sld [smem:$0x3FDB];
	_ =	sdelay $0x1  }
0x9f: {  	s19 =	simm.s32 $_scs_section_size  }
0xa0: {  	s5 =	simm.s32 $_size__tile_overlayer_lowered;
	s6 =	simm.s32 $_tile_overlayer_lowered  }
0xa1: {  	s22 =	simm.s32 $0x1BFF;
	s21 =	sshll.u32 s6, $0x1;
	s3 =	sadd.s32 s19, s18  }
0xa2: {  	s7 =	simm.s32 $0x0;
	s20 =	sshll.u32 s5, $0x1;
	s5 =	sadd.s32 s21, s3  }
0xa3: {  	[timem:s7], [sflag:s22] =	dma.local [hbm:s5], s20  }
0xa4: {  	_ =	swait.ge [sflag:s22], s20  }
0xa5: {  	s4 =	ssub.s32 $0x0, s20;
	[sflag:s22] =	ssyncset.done $0x0  }
0xa6: {  	[sflag:s22] =	ssyncadd.s32 s4;
	_ =	sdelay $0x1  }
0xa7: {  	s23 =	simm.s32 $0x1B8B  }
0xa8: {  	_ =	swait.ge [sflag:s23], $0x1  }
0xa9: {  	[sflag:s23] =	ssyncset.done $0x0  }
0xaa: {  	s25 =	simm.s32 $0x1B8E;
	s24 =	sld [smem:$0x3FFE];
	[sflag:s23] =	ssyncadd.s32 $0xFFFFFFFF  }
0xab: {  	s26 =	simm.s32 $execute0_lowered;
	[smem:$0x3FD2] =	sst s25  }
0xac: {  	s5 =	sshll.u32 s26, $0x1;
	_ =	strace $0x80000046;
	[dreg:$0x1] =	wrdreg $0xFFFFFFFF  }
0xad: {  	s28 =	simm.s32 $_size_execute0_lowered;
	s3 =	sadd.s32 s3, s5;
	[dreg:$0x0] =	wrdreg $0x0  }
0xae: {  	s5 =	sshll.u32 s28, $0x1;
	[dreg:$0x2] =	wrdreg s3  }
0xaf: {  	[dreg:$0x3] =	wrdreg s5  }
0xb0: {  	[dreg:$0x4] =	wrdreg $0xC0  }
0xb1: {  	_ =	task [dreg:s7], $0x5FFFF  }
0xb2: {  	[dreg:$0x1] =	wrdreg $0xFFFFFFFF  }
0xb3: {  	[dreg:$0x0] =	wrdreg $0x60  }
0xb4: {  	[dreg:$0x2] =	wrdreg s24  }
0xb5: {  	[dreg:$0x3] =	wrdreg s16  }
0xb6: {  	[dreg:$0x4] =	wrdreg $0xB0000  }
0xb7: {  	[dreg:$0x5] =	wrdreg $0x9  }
0xb8: {  	_ =	task.clear_ibuf [dreg:s7], $0x6FFFF;
	_ =	strace $0x90000046  }
0xb9: {  	s29 =	simm.s32 $0x9;
	_ =	strace $0x80000048  }
0xba: {  	_ =	swait.ge [sflag:s29], $0x1  }
0xbb: {  	[sflag:s29] =	ssyncadd.s32 $0xFFFFFFFF  }
0xbc: {  	_ =	strace $0x90000048  }
0xbd: {  	_ =	sfence  }
0xbe: {  	s30 =	sld [smem:$0x0];
	_ =	sdelay $0x2  }
0xbf: {  	s31 =	sshll.u32 s1, $0xD;
	s1 =	sshrl.u32 s1, $0x2  }
0xc0: {  	s3 =	sand.u32 $0x4000, s31;
	s1 =	sadd.s32 s1, s30  }
0xc1: {  	s0 =	sor.u32 s3, s0;
	s1 =	sshll.u32 s1, $0x11  }
0xc2: {  	s0 =	sor.u32 s1, s0  }
0xc3: {  	s0 =	sadd.s32 $0x8F2B, s0  }
0xc4: {  	[sflag:s0] =	ssyncadd.remote.s32 $0x1  }
0xc5: {  	_ =	sfence.sel $0xFFFF  }
0xc6: {  	[dreg:$0x0] =	wrdreg $0xFFFFFFFF;
	(pc) =	sbr.abs _section_cstart, $3  }
0xc7: {  	[dreg:$0x1] =	wrdreg $0xFFFFFFFF  }
0xc8: {  	_ =	task.clear_ibuf [dreg:s7], $0x2FFFF;
	_ =	strace $0x9FFFFFFF  }
0xc9: {  	(tm) =	ssettm $0x7FFFFFFF  }
tec
execute0_lowered:
.L_overlay_start_1:
0x0: {  	(tag) =	ssettag $0x1  }
0x1: {  	s0 =	rddreg [dreg:$0x0];
	s1 =	srdreg.scid  }
0x2: {  	s2 =	rddreg [dreg:$0x1];
	s15 =	stileid.u32  }
0x3: {  	s3 =	sand.u32 $0x1, s1;
	s1 =	simm.s32 $0x0;
	s6 =	smul.u32 $0x14000, s15  }
0x4: {  	s7 =	sadd.s32 $0x34400, s0;
	s4 =	sshll.u32 s3, $0x4;
	s5 =	smul.u32 $0x140000, s3  }
0x5: {  	[smem:$0x7FF] =	sst s1;
	s3 =	ssub.s32 $0x2, s3;
	s4 =	sor.u32 s15, s4  }
0x6: {  	s8 =	sshrl.u32 s3, $0x1;
	s10 =	sadd.s32 $0x4000, s6;
	s12 =	sadd.s32 $0x6000, s6  }
0x7: {  	s13 =	sadd.s32 $0x8000, s6;
	s14 =	sadd.s32 $0xA000, s6;
	s15 =	smul.u32 $0x50000, s15  }
0x8: {  	s17 =	sadd.s32 $0xC000, s6;
	s4 =	smul.u32 $0x500, s4;
	s9 =	sadd.s32 s5, s6  }
0x9: {  	s3 =	ssub.s32 s3, s8;
	s11 =	sadd.s32 s5, s10;
	s21 =	sadd.s32 s5, s12  }
0xa: {  	s23 =	sadd.s32 s5, s13;
	s24 =	sadd.s32 s5, s14;
	s26 =	sadd.s32 s5, s17  }
0xb: {  	s18 =	sshrl.u32 s9, $0x3;
	s9 =	sor.u32 $0x2000, s6;
	s20 =	sshrl.u32 s11, $0x3  }
0xc: {  	s22 =	sshrl.u32 s21, $0x3;
	s25 =	sshrl.u32 s24, $0x3;
	s11 =	sshrl.u32 s26, $0x3  }
0xd: {  	s26 =	sadd.s32 $0x10000, s6;
	s8 =	sadd.s32 s7, s18;
	s19 =	sadd.s32 s5, s9  }
0xe: {  	s18 =	sadd.s32 s5, s26;
	[dreg:$0x4] =	wrdreg s8;
	s8 =	sshrl.u32 s19, $0x3  }
0xf: {  	s2 =	sadd.s32 s2, s4;
	s21 =	sadd.s32 s4, s0;
	s8 =	sadd.s32 s7, s8  }
0x10: {  	s19 =	sshrl.u32 s18, $0x3;
	[dreg:$0x5] =	wrdreg s8;
	s8 =	sadd.s32 s7, s20  }
0x11: {  	s20 =	sshrl.u32 s15, $0x2;
	[dreg:$0x6] =	wrdreg s8;
	s8 =	sadd.s32 s7, s22  }
0x12: {  	s15 =	sadd.s32 $0xC400, s0;
	[dreg:$0x7] =	wrdreg s8;
	s8 =	sshrl.u32 s23, $0x3  }
0x13: {  	s22 =	sadd.s32 $0x2400, s21;
	s23 =	smax.u32 s3, $0x1;
	s8 =	sadd.s32 s7, s8  }
0x14: {  	[dreg:$0x8] =	wrdreg s8;
	s8 =	sadd.s32 s7, s25;
	s25 =	sadd.s32 $0xE000, s6  }
0x15: {  	s6 =	sadd.s32 $0x12000, s6;
	[dreg:$0x9] =	wrdreg s8;
	s8 =	sadd.s32 s7, s11  }
0x16: {  	s16 =	sadd.s32 s5, s25;
	s5 =	sadd.s32 s5, s6;
	s11 =	rddreg [dreg:$0x2]  }
0x17: {  	[dreg:$0xa] =	wrdreg s8;
	s8 =	sshrl.u32 s16, $0x3;
	s5 =	sshrl.u32 s5, $0x3  }
0x18: {  	s16 =	sadd.s32 s20, s11;
	s24 =	sadd.s32 s9, s11;
	s20 =	sadd.s32 s10, s11  }
0x19: {  	s21 =	sadd.s32 s12, s11;
	s25 =	sadd.s32 s25, s11;
	s26 =	sadd.s32 s26, s11  }
0x1a: {  	s28 =	sadd.s32 s6, s11;
	s6 =	simm.s32 $0x9000;
	s9 =	simm.s32 $0x5000  }
0x1b: {  	s12 =	simm.s32 $0x1;
	s8 =	sadd.s32 s7, s8;
	s5 =	sadd.s32 s7, s5  }
0x1c: {  	s29 =	sadd.s32 $0x2000, s16;
	s30 =	sadd.s32 $0x4000, s16;
	[dreg:$0xb] =	wrdreg s8  }
0x1d: {  	s31 =	sadd.s32 $0x6000, s16;
	s8 =	sadd.s32 s7, s19;
	[dreg:$0xd] =	wrdreg s5  }
0x1e: {  	s10 =	sadd.s32 $0x8000, s16;
	s0 =	sadd.s32 $0xA000, s16;
	[dreg:$0xc] =	wrdreg s8  }
0x1f: {  	s3 =	sadd.s32 $0xE000, s16;
	_ =	strace $0x80000047;
	[dreg:$0xe] =	wrdreg s2  }
0x20: {  	s4 =	sadd.s32 $0x10000, s16;
	s5 =	sadd.s32 $0x12000, s16;
	[dreg:$0xf] =	wrdreg s22  }
0x21: {  	s7 =	simm.s32 $0x2;
	s8 =	simm.s32 $0x80;
	[dreg:$0x10] =	wrdreg s23  }
0x22: {  	[dreg:$0x11] =	wrdreg s24;
	s22 =	sadd.s32 s13, s11;
	s23 =	sadd.s32 s14, s11  }
0x23: {  	v0 =	vimm.f32 $0.0e+00;
	s24 =	sadd.s32 s17, s11;
	s2 =	sadd.s32 $0xC000, s16;
	s13 =	simm.s32 $0x0  }
.LBB2_1:
0x24: {  	s14 =	simm.s32 $0x0;
	s17 =	simm.s32 $0x200  }
.LBB2_2:
0x25: {  	p0 =	sne.s32 s17, $0x7E00;
	[tilespmem:s14+$0x9070] =	vst v0  }
0x26: {  	[tilespmem:s14+$0x9000] =	vst v0  }
0x27: {  	[tilespmem:s14+$0x9010] =	vst v0  }
.Ltmp0:
0x28: {  	[tilespmem:s14+$0x9020] =	vst v0;
	(pc) =	sbr.rel @p0 .LBB2_2-.Ltmp0, $4  }
0x29: {  	[tilespmem:s14+$0x9030] =	vst v0  }
0x2a: {  	[tilespmem:s14+$0x9040] =	vst v0  }
0x2b: {  	[tilespmem:s14+$0x9050] =	vst v0  }
0x2c: {  	[tilespmem:s14+$0x9060] =	vst v0;
	s14 =	sshra.s32 s17, $0x2;
	s17 =	sadd.s32 $0x200, s17  }
0x2d: {  	[tilespmem:s14+$0x9070] =	vst v0  }
0x2e: {  	[tilespmem:s14+$0x9000] =	vst v0  }
0x2f: {  	[tilespmem:s14+$0x9010] =	vst v0  }
0x30: {  	[tilespmem:s14+$0x9020] =	vst v0  }
0x31: {  	[tilespmem:s14+$0x9030] =	vst v0  }
0x32: {  	[tilespmem:s14+$0x9040] =	vst v0  }
0x33: {  	[tilespmem:s14+$0x9050] =	vst v0  }
0x34: {  	[tilespmem:s14+$0x9060] =	vst v0  }
0x35: {  	[spmem:s16] =	stream.linear.scatter [tilespmem:s6], [sflag:$0x2], $0x2000, $0x38;
	[tilespmem:$0x1F000] =	vst v63  }
0x36: {  	_ =	swait.ge [sflag:s7], $0x2000  }
0x37: {  	[sflag:s7] =	ssyncset.done $0x0  }
0x38: {  	[sflag:s7] =	ssyncadd.s32 $0xFFFFE000  }
0x39: {  	[spmem:s29] =	stream.linear.scatter [tilespmem:s6], [sflag:$0x2], $0x2000, $0x38;
	[tilespmem:$0x1F000] =	vst v63  }
0x3a: {  	_ =	swait.ge [sflag:s7], $0x2000  }
0x3b: {  	[sflag:s7] =	ssyncset.done $0x0  }
0x3c: {  	[sflag:s7] =	ssyncadd.s32 $0xFFFFE000  }
0x3d: {  	[spmem:s30] =	stream.linear.scatter [tilespmem:s6], [sflag:$0x2], $0x2000, $0x38;
	[tilespmem:$0x1F000] =	vst v63  }
0x3e: {  	_ =	swait.ge [sflag:s7], $0x2000  }
0x3f: {  	[sflag:s7] =	ssyncset.done $0x0  }
0x40: {  	[sflag:s7] =	ssyncadd.s32 $0xFFFFE000  }
0x41: {  	[spmem:s31] =	stream.linear.scatter [tilespmem:s6], [sflag:$0x2], $0x2000, $0x38;
	[tilespmem:$0x1F000] =	vst v63  }
0x42: {  	_ =	swait.ge [sflag:s7], $0x2000  }
0x43: {  	[sflag:s7] =	ssyncset.done $0x0  }
0x44: {  	[sflag:s7] =	ssyncadd.s32 $0xFFFFE000  }
0x45: {  	[spmem:s10] =	stream.linear.scatter [tilespmem:s6], [sflag:$0x2], $0x2000, $0x38;
	[tilespmem:$0x1F000] =	vst v63  }
0x46: {  	_ =	swait.ge [sflag:s7], $0x2000  }
0x47: {  	[sflag:s7] =	ssyncset.done $0x0  }
0x48: {  	[sflag:s7] =	ssyncadd.s32 $0xFFFFE000  }
0x49: {  	[spmem:s0] =	stream.linear.scatter [tilespmem:s6], [sflag:$0x2], $0x2000, $0x38;
	[tilespmem:$0x1F000] =	vst v63  }
0x4a: {  	_ =	swait.ge [sflag:s7], $0x2000  }
0x4b: {  	[sflag:s7] =	ssyncset.done $0x0  }
0x4c: {  	[sflag:s7] =	ssyncadd.s32 $0xFFFFE000  }
0x4d: {  	[spmem:s2] =	stream.linear.scatter [tilespmem:s6], [sflag:$0x2], $0x2000, $0x38;
	[tilespmem:$0x1F000] =	vst v63  }
0x4e: {  	_ =	swait.ge [sflag:s7], $0x2000  }
0x4f: {  	[sflag:s7] =	ssyncset.done $0x0  }
0x50: {  	[sflag:s7] =	ssyncadd.s32 $0xFFFFE000  }
0x51: {  	[spmem:s3] =	stream.linear.scatter [tilespmem:s6], [sflag:$0x2], $0x2000, $0x38;
	[tilespmem:$0x1F000] =	vst v63  }
0x52: {  	_ =	swait.ge [sflag:s7], $0x2000  }
0x53: {  	[sflag:s7] =	ssyncset.done $0x0  }
0x54: {  	[sflag:s7] =	ssyncadd.s32 $0xFFFFE000  }
0x55: {  	[spmem:s4] =	stream.linear.scatter [tilespmem:s6], [sflag:$0x2], $0x2000, $0x38;
	[tilespmem:$0x1F000] =	vst v63  }
0x56: {  	_ =	swait.ge [sflag:s7], $0x2000  }
0x57: {  	[sflag:s7] =	ssyncset.done $0x0  }
0x58: {  	[sflag:s7] =	ssyncadd.s32 $0xFFFFE000  }
0x59: {  	[spmem:s5] =	stream.linear.scatter [tilespmem:s6], [sflag:$0x2], $0x2000, $0x38;
	[tilespmem:$0x1F000] =	vst v63  }
0x5a: {  	_ =	swait.ge [sflag:s7], $0x2000  }
0x5b: {  	[sflag:s7] =	ssyncset.done $0x0  }
0x5c: {  	s14 =	simm.s32 $0x0;
	s17 =	rddreg [dreg:$0xe];
	[sflag:s7] =	ssyncadd.s32 $0xFFFFE000  }
0x5d: {  	[tilespmem:s14], [sflag:$0x2] =	stream.linear.gather [hbm4b:s17+s14], $0x2780, $0x38;
	[tilespmem:$0x1F000] =	vst v63  }
0x5e: {  	_ =	swait.ge [sflag:s7], $0x2780  }
0x5f: {  	[sflag:s7] =	ssyncset.done $0x0  }
0x60: {  	s18 =	simm.s32 $0x2800;
	s19 =	rddreg [dreg:$0xf];
	[sflag:s7] =	ssyncadd.s32 $0xFFFFD880  }
0x61: {  	[tilespmem:s18], [sflag:$0x2] =	stream.linear.gather [hbm4b:s19+s14], $0x2780, $0x38;
	[tilespmem:$0x1F000] =	vst v63  }
0x62: {  	_ =	swait.ge [sflag:s7], $0x2780  }
0x63: {  	[sflag:s7] =	ssyncset.done $0x0  }
0x64: {  	[sflag:s7] =	ssyncadd.s32 $0xFFFFD880  }
0x65: {  	s18 =	simm.s32 $0x0;
	[bflag:$0x0] =	sbarrier.arrive $0xFFFF  }
0x66: {  	[tilespmem:s9], [sflag:$0x1] =	stream.indirect.gather [hbm4b:s15+s8], $0x80, s18, s8, $0xb8;
	[tilespmem:$0x1F000] =	vst v63  }
0x67: {  	_ =	swait.ge [sflag:s12], $0x4000  }
0x68: {  	[sflag:s12] =	ssyncset.done $0x0  }
0x69: {  	s19 =	simm.s32 $0x2800;
	[sflag:s12] =	ssyncadd.s32 $0xFFFFC000  }
0x6a: {  	[spmem:s11] =	stream.indirect.scatter.add.f32 [tilespmem:s9], [sflag:$0x2], $0x80, s19, s8, $0xb8;
	[tilespmem:$0x1F000] =	vst v63  }
0x6b: {  	_ =	swait.ge [sflag:s7], $0x4000  }
0x6c: {  	s17 =	simm.s32 $0x400;
	s14 =	simm.s32 $0x200;
	[sflag:s7] =	ssyncset.done $0x0  }
.LBB2_4:
0x6d: {  	s18 =	sshra.s32 s14, $0x2  }
0x6e: {  	[sflag:s7] =	ssyncadd.s32 $0xFFFFC000;
	s14 =	smov.u32 s17;
	s19 =	sadd.s32 $0x200, s17  }
0x6f: {  	[tilespmem:s9], [sflag:$0x1] =	stream.indirect.gather [hbm4b:s15+s8], $0x80, s18, s8, $0xb8;
	[tilespmem:$0x1F000] =	vst v63  }
0x70: {  	p0 =	sne.s32 s17, $0x9C00;
	_ =	swait.ge [sflag:s12], $0x4000  }
.Ltmp1:
0x71: {  	[sflag:s12] =	ssyncset.done $0x0;
	(pc) =	sbr.rel @p0 .LBB2_4-.Ltmp1, $4  }
0x72: {  	s17 =	sadd.s32 $0x2800, s18;
	[sflag:s12] =	ssyncadd.s32 $0xFFFFC000  }
0x73: {  	[spmem:s11] =	stream.indirect.scatter.add.f32 [tilespmem:s9], [sflag:$0x2], $0x80, s17, s8, $0xb8;
	[tilespmem:$0x1F000] =	vst v63  }
0x74: {  	_ =	swait.ge [sflag:s7], $0x4000  }
0x75: {  	s17 =	smov.u32 s19;
	[sflag:s7] =	ssyncset.done $0x0  }
0x76: {  	s14 =	sshra.s32 s14, $0x2;
	[sflag:s7] =	ssyncadd.s32 $0xFFFFC000  }
0x77: {  	[tilespmem:s9], [sflag:$0x1] =	stream.indirect.gather [hbm4b:s15+s8], $0x80, s14, s8, $0xb8;
	[tilespmem:$0x1F000] =	vst v63  }
0x78: {  	_ =	swait.ge [sflag:s12], $0x4000  }
0x79: {  	[sflag:s12] =	ssyncset.done $0x0  }
0x7a: {  	s14 =	sadd.s32 $0x2800, s14;
	[sflag:s12] =	ssyncadd.s32 $0xFFFFC000  }
0x7b: {  	[spmem:s11] =	stream.indirect.scatter.add.f32 [tilespmem:s9], [sflag:$0x2], $0x80, s14, s8, $0xb8;
	[tilespmem:$0x1F000] =	vst v63  }
0x7c: {  	_ =	swait.ge [sflag:s7], $0x4000  }
0x7d: {  	[sflag:s7] =	ssyncset.done $0x0  }
0x7e: {  	[sflag:s7] =	ssyncadd.s32 $0xFFFFC000  }
0x7f: {  	[bflag:$0x0] =	sbarrier.arrive $0xFFFF  }
0x80: {  	[tilespmem:s6], [sflag:$0x2] =	stream.linear.gather [spmem:s16], $0x2000, $0x38;
	[tilespmem:$0x1F000] =	vst v63  }
0x81: {  	_ =	swait.ge [sflag:s7], $0x2000  }
0x82: {  	[sflag:s7] =	ssyncset.done $0x0  }
0x83: {  	s17 =	rddreg [dreg:$0x4];
	[sflag:s7] =	ssyncadd.s32 $0xFFFFE000  }
0x84: {  	[hbm4b:s17+s1] =	stream.linear.scatter [tilespmem:s6], [sflag:$0x2], $0x2000, $0x38;
	[tilespmem:$0x1F000] =	vst v63  }
0x85: {  	_ =	swait.ge [sflag:s7], $0x2000  }
0x86: {  	[sflag:s7] =	ssyncset.done $0x0  }
0x87: {  	s18 =	rddreg [dreg:$0x11];
	[sflag:s7] =	ssyncadd.s32 $0xFFFFE000  }
0x88: {  	[tilespmem:s6], [sflag:$0x2] =	stream.linear.gather [spmem:s18], $0x2000, $0x38;
	[tilespmem:$0x1F000] =	vst v63  }
0x89: {  	_ =	swait.ge [sflag:s7], $0x2000  }
0x8a: {  	[sflag:s7] =	ssyncset.done $0x0  }
0x8b: {  	s19 =	rddreg [dreg:$0x5];
	[sflag:s7] =	ssyncadd.s32 $0xFFFFE000  }
0x8c: {  	[hbm4b:s19+s1] =	stream.linear.scatter [tilespmem:s6], [sflag:$0x2], $0x2000, $0x38;
	[tilespmem:$0x1F000] =	vst v63  }
0x8d: {  	_ =	swait.ge [sflag:s7], $0x2000  }
0x8e: {  	[sflag:s7] =	ssyncset.done $0x0  }
0x8f: {  	[sflag:s7] =	ssyncadd.s32 $0xFFFFE000  }
0x90: {  	[tilespmem:s6], [sflag:$0x2] =	stream.linear.gather [spmem:s20], $0x2000, $0x38;
	[tilespmem:$0x1F000] =	vst v63  }
0x91: {  	_ =	swait.ge [sflag:s7], $0x2000  }
0x92: {  	[sflag:s7] =	ssyncset.done $0x0  }
0x93: {  	s17 =	rddreg [dreg:$0x6];
	[sflag:s7] =	ssyncadd.s32 $0xFFFFE000  }
0x94: {  	[hbm4b:s17+s1] =	stream.linear.scatter [tilespmem:s6], [sflag:$0x2], $0x2000, $0x38;
	[tilespmem:$0x1F000] =	vst v63  }
0x95: {  	_ =	swait.ge [sflag:s7], $0x2000  }
0x96: {  	[sflag:s7] =	ssyncset.done $0x0  }
0x97: {  	[sflag:s7] =	ssyncadd.s32 $0xFFFFE000  }
0x98: {  	[tilespmem:s6], [sflag:$0x2] =	stream.linear.gather [spmem:s21], $0x2000, $0x38;
	[tilespmem:$0x1F000] =	vst v63  }
0x99: {  	_ =	swait.ge [sflag:s7], $0x2000  }
0x9a: {  	[sflag:s7] =	ssyncset.done $0x0  }
0x9b: {  	s18 =	rddreg [dreg:$0x7];
	[sflag:s7] =	ssyncadd.s32 $0xFFFFE000  }
0x9c: {  	[hbm4b:s18+s1] =	stream.linear.scatter [tilespmem:s6], [sflag:$0x2], $0x2000, $0x38;
	[tilespmem:$0x1F000] =	vst v63  }
0x9d: {  	_ =	swait.ge [sflag:s7], $0x2000  }
0x9e: {  	[sflag:s7] =	ssyncset.done $0x0  }
0x9f: {  	[sflag:s7] =	ssyncadd.s32 $0xFFFFE000  }
0xa0: {  	[tilespmem:s6], [sflag:$0x2] =	stream.linear.gather [spmem:s22], $0x2000, $0x38;
	[tilespmem:$0x1F000] =	vst v63  }
0xa1: {  	_ =	swait.ge [sflag:s7], $0x2000  }
0xa2: {  	[sflag:s7] =	ssyncset.done $0x0  }
0xa3: {  	s19 =	rddreg [dreg:$0x8];
	[sflag:s7] =	ssyncadd.s32 $0xFFFFE000  }
0xa4: {  	[hbm4b:s19+s1] =	stream.linear.scatter [tilespmem:s6], [sflag:$0x2], $0x2000, $0x38;
	[tilespmem:$0x1F000] =	vst v63  }
0xa5: {  	_ =	swait.ge [sflag:s7], $0x2000  }
0xa6: {  	[sflag:s7] =	ssyncset.done $0x0  }
0xa7: {  	[sflag:s7] =	ssyncadd.s32 $0xFFFFE000  }
0xa8: {  	[tilespmem:s6], [sflag:$0x2] =	stream.linear.gather [spmem:s23], $0x2000, $0x38;
	[tilespmem:$0x1F000] =	vst v63  }
0xa9: {  	_ =	swait.ge [sflag:s7], $0x2000  }
0xaa: {  	[sflag:s7] =	ssyncset.done $0x0  }
0xab: {  	s17 =	rddreg [dreg:$0x9];
	[sflag:s7] =	ssyncadd.s32 $0xFFFFE000  }
0xac: {  	[hbm4b:s17+s1] =	stream.linear.scatter [tilespmem:s6], [sflag:$0x2], $0x2000, $0x38;
	[tilespmem:$0x1F000] =	vst v63  }
0xad: {  	_ =	swait.ge [sflag:s7], $0x2000  }
0xae: {  	[sflag:s7] =	ssyncset.done $0x0  }
0xaf: {  	[sflag:s7] =	ssyncadd.s32 $0xFFFFE000  }
0xb0: {  	[tilespmem:s6], [sflag:$0x2] =	stream.linear.gather [spmem:s24], $0x2000, $0x38;
	[tilespmem:$0x1F000] =	vst v63  }
0xb1: {  	_ =	swait.ge [sflag:s7], $0x2000  }
0xb2: {  	[sflag:s7] =	ssyncset.done $0x0  }
0xb3: {  	s18 =	rddreg [dreg:$0xa];
	[sflag:s7] =	ssyncadd.s32 $0xFFFFE000  }
0xb4: {  	[hbm4b:s18+s1] =	stream.linear.scatter [tilespmem:s6], [sflag:$0x2], $0x2000, $0x38;
	[tilespmem:$0x1F000] =	vst v63  }
0xb5: {  	_ =	swait.ge [sflag:s7], $0x2000  }
0xb6: {  	[sflag:s7] =	ssyncset.done $0x0  }
0xb7: {  	[sflag:s7] =	ssyncadd.s32 $0xFFFFE000  }
0xb8: {  	[tilespmem:s6], [sflag:$0x2] =	stream.linear.gather [spmem:s25], $0x2000, $0x38;
	[tilespmem:$0x1F000] =	vst v63  }
0xb9: {  	_ =	swait.ge [sflag:s7], $0x2000  }
0xba: {  	[sflag:s7] =	ssyncset.done $0x0  }
0xbb: {  	s19 =	rddreg [dreg:$0xb];
	[sflag:s7] =	ssyncadd.s32 $0xFFFFE000  }
0xbc: {  	[hbm4b:s19+s1] =	stream.linear.scatter [tilespmem:s6], [sflag:$0x2], $0x2000, $0x38;
	[tilespmem:$0x1F000] =	vst v63  }
0xbd: {  	_ =	swait.ge [sflag:s7], $0x2000  }
0xbe: {  	[sflag:s7] =	ssyncset.done $0x0  }
0xbf: {  	[sflag:s7] =	ssyncadd.s32 $0xFFFFE000  }
0xc0: {  	[tilespmem:s6], [sflag:$0x2] =	stream.linear.gather [spmem:s26], $0x2000, $0x38;
	[tilespmem:$0x1F000] =	vst v63  }
0xc1: {  	_ =	swait.ge [sflag:s7], $0x2000  }
0xc2: {  	[sflag:s7] =	ssyncset.done $0x0  }
0xc3: {  	s17 =	rddreg [dreg:$0xc];
	[sflag:s7] =	ssyncadd.s32 $0xFFFFE000  }
0xc4: {  	[hbm4b:s17+s1] =	stream.linear.scatter [tilespmem:s6], [sflag:$0x2], $0x2000, $0x38;
	[tilespmem:$0x1F000] =	vst v63  }
0xc5: {  	_ =	swait.ge [sflag:s7], $0x2000  }
0xc6: {  	[sflag:s7] =	ssyncset.done $0x0  }
0xc7: {  	[sflag:s7] =	ssyncadd.s32 $0xFFFFE000  }
0xc8: {  	[tilespmem:s6], [sflag:$0x2] =	stream.linear.gather [spmem:s28], $0x2000, $0x38;
	[tilespmem:$0x1F000] =	vst v63  }
0xc9: {  	_ =	swait.ge [sflag:s7], $0x2000  }
0xca: {  	[sflag:s7] =	ssyncset.done $0x0  }
0xcb: {  	s18 =	rddreg [dreg:$0xd];
	[sflag:s7] =	ssyncadd.s32 $0xFFFFE000  }
0xcc: {  	[hbm4b:s18+s1] =	stream.linear.scatter [tilespmem:s6], [sflag:$0x2], $0x2000, $0x38;
	[tilespmem:$0x1F000] =	vst v63  }
0xcd: {  	_ =	swait.ge [sflag:s7], $0x2000  }
0xce: {  	s13 =	sadd.s32 $0x1, s13;
	s19 =	rddreg [dreg:$0x10]  }
0xcf: {  	p0 =	sne.s32 s13, s19  }
.Ltmp2:
0xd0: {  	_ = 	snop;
	(pc) =	sbr.rel @p0 .LBB2_1-.Ltmp2, $3  }
0xd1: {  	_ =	sdelay $0x1  }
0xd2: {  	[sflag:s7] =	ssyncset.done $0x0  }
0xd3: {  	[sflag:s7] =	ssyncadd.s32 $0xFFFFE000  }
0xd4: {  	_ =	sfence.sel $0x180000  }
0xd5: {  	[bflag:$0x0] =	sbarrier.arrive $0xFFFF  }
0xd6: {  	_ =	strace $0x90000047  }
0xd7: {  	s0 =	stileid.u32;
	[bflag:$0x2] =	sbarrier.arrive $0xFFFF  }
0xd8: {  	p0 =	sne.s32 s0, $0x0;
	s0 =	rddreg [dreg:$0x3]  }
0xd9: {  	s0 =	sadd.s32 @!p0 $0x100000, s0  }
0xda: {  	[sflag:s0] =	ssyncadd.tile.s32 @!p0 $0x1;
	_ =	shalt  }
.Lfunc_end2:
_tile_overlayer_lowered:
.L_overlay_start_2:
0xdb: {  	(tag) =	ssettag $0x2  }
0xdc: {  	s0 =	rddreg [dreg:$0x0];
	s2 =	stileid.u32  }
0xdd: {  	s1 =	rddreg [dreg:$0x1];
	p0 =	sne.s32 s2, $0x0  }
0xde: {  	s3 =	rddreg [dreg:$0x2];
	[bflag:$0x3] =	sbarrier.arrive $0xFFFF;
	s2 =	simm.s32 @!p0 $0x1C02  }
0xdf: {  	[timem:s3], [sflag:s2] =	dma.local @!p0 [hbm:s0], s1  }
0xe0: {  	s0 =	simm.s32 @!p0 $0x2  }
0xe1: {  	_ =	swait.ge @!p0 [sflag:s0], s1  }
0xe2: {  	s1 =	ssub.s32 @!p0 $0x0, s1;
	[sflag:s0] =	ssyncset.done @!p0 $0x0  }
0xe3: {  	[sflag:s0] =	ssyncadd.s32 @!p0 s1  }
0xe4: {  	[bflag:$0x3] =	sbarrier.arrive $0xFFFF  }
0xe5: {  	_ =	shalt  }

</sc_bundles>
